<compile_context>
chip_gen: v7x
topology: tpu7x:2x2x1
jax: 0.10.2.dev20260603
libtpu: 0.0.44.dev20260713+nightly
codegen_flags: <defaults>
</compile_context>

<pallas_src>
import functools

import jax
import jax.numpy as jnp
from jax import lax
from jax.experimental import pallas as pl
from jax.experimental.pallas import tpu as pltpu
from jax.experimental.pallas import tpu_sc as plsc

_B, _N, _C, _K = 2, 2048, 128, 32
_SLOPE = 0.2
_BLK = 1024
_NB = _N // _BLK


def _fused_kernel(x_ref, wq_ref, bq_ref, wk_ref, bk_ref,
                  ew_ref, acc_ref, kmat_ref):
    b = pl.program_id(0)
    rb = pl.program_id(1)

    x_full = x_ref[0]

    @pl.when(rb == 0)
    def _():
        kmat_ref[...] = (
            jax.lax.dot_general(x_full, wk_ref[...], (((1,), (0,)), ((), ())),
                                preferred_element_type=jnp.float32)
            + bk_ref[...]
        )

    x_blk = x_ref[0, pl.ds(rb * _BLK, _BLK), :]
    q_blk = (
        jax.lax.dot_general(x_blk, wq_ref[...], (((1,), (0,)), ((), ())),
                            preferred_element_type=jnp.float32)
        + bq_ref[...]
    )

    s = jax.lax.dot_general(q_blk, kmat_ref[...], (((1,), (1,)), ((), ())),
                            preferred_element_type=jnp.float32)

    cm = s[:, 0:128]
    for g in range(1, _N // 128):
        cm = jnp.maximum(cm, s[:, g * 128:(g + 1) * 128])
    m1 = jnp.max(cm, axis=1, keepdims=True)

    lo0 = jnp.min(cm, axis=1, keepdims=True)
    rng = m1 - lo0
    cand = [lo0 + jnp.float32((j + 1) / 9.0) * rng for j in range(8)]
    mm = jnp.concatenate([(cm >= c).astype(jnp.float32) for c in cand],
                         axis=1)
    ii = jax.lax.broadcasted_iota(jnp.int32, (1024, 8), 0)
    jj = jax.lax.broadcasted_iota(jnp.int32, (1024, 8), 1)
    bd = ((ii >> 7) == jj).astype(jnp.float32)
    cnts = jax.lax.dot_general(mm, bd, (((1,), (0,)), ((), ())),
                               preferred_element_type=jnp.float32)
    ok = cnts >= jnp.float32(_K)
    thr = lo0
    for j in range(8):
        thr = jnp.maximum(thr, jnp.where(ok[:, j:j + 1], cand[j], lo0))

    mxl = jnp.maximum(jnp.where(m1 >= 0.0, m1, _SLOPE * m1), 0.0)
    log2e = jnp.float32(1.4426950408889634)
    sel = s >= thr
    slope_l2e = jnp.where(s >= 0.0, log2e, _SLOPE * log2e)
    e = jnp.exp2(s * slope_l2e - mxl * log2e)
    base = jnp.exp2(-mxl * log2e)
    v = jnp.where(sel, e, base)
    ones_n = jnp.ones((_N, 1), jnp.float32)
    denom = jax.lax.dot_general(v, ones_n, (((1,), (0,)), ((), ())),
                                preferred_element_type=jnp.float32)
    ew = v * (1.0 / denom)
    ew_ref[...] = ew.reshape(_BLK * _N // 128, 128)


    y = jax.lax.dot_general(ew, x_full, (((1,), (0,)), ((), ())),
                            preferred_element_type=jnp.float32)
    part = (jnp.sum(x_blk * x_blk) - jnp.sum(x_blk * y)).reshape(1, 1)

    @pl.when((b == 0) & (rb == 0))
    def _():
        acc_ref[...] = jnp.zeros_like(acc_ref)

    acc_ref[...] += part


_PLANE = _B * _N * _N
_NW = 32
_PER_W = _PLANE // _NW
_BUF = 16384
_GROUPS = _PER_W // _BUF


def _edge_index_sc():
    mesh = plsc.VectorSubcoreMesh(core_axis_name="c", subcore_axis_name="s")

    @functools.partial(
        pl.kernel, mesh=mesh,
        out_type=jax.ShapeDtypeStruct((2, _PLANE), jnp.int32),
        scratch_types=[
            pltpu.VMEM((_BUF,), jnp.int32),
            pltpu.VMEM((_BUF,), jnp.int32),
            pltpu.VMEM((_BUF,), jnp.int32),
            pltpu.SemaphoreType.DMA,
            pltpu.SemaphoreType.DMA,
        ],
    )
    def k(out_hbm, buf_c, buf_r0, buf_r1, sem_c, sem_r):
        wid = lax.axis_index("s") * 2 + lax.axis_index("c")
        base_p = wid * _PER_W
        col_base = jnp.where(wid >= _NW // _B, _N, 0).astype(jnp.int32)
        i16 = lax.iota(jnp.int32, 16)

        def fill_cols(j, carry):
            for u in range(8):
                o = j * 128 + u * 16
                buf_c[pl.ds(o, 16)] = col_base + ((i16 + o) & (_N - 1))
            return carry

        lax.fori_loop(0, _BUF // 128, fill_cols, 0)

        q0 = base_p >> 11
        bufs = (buf_r0, buf_r1)
        hr = []
        hc = []
        for g in range(_GROUPS):
            if g >= 2:
                hr[g - 2].wait()

            def fill_rows(t, carry, _g=g):
                q = q0 + _g * (_BUF >> 11) + (t >> 4)
                qv = jnp.full((16,), 0, jnp.int32) + q
                for u in range(8):
                    bufs[_g & 1][pl.ds(t * 128 + u * 16, 16)] = qv
                return carry

            lax.fori_loop(0, _BUF // 128, fill_rows, 0)
            hr.append(
                pltpu.async_copy(bufs[g & 1],
                                 out_hbm.at[0, pl.ds(base_p + g * _BUF, _BUF)],
                                 sem_r))
            hc.append(
                pltpu.async_copy(buf_c,
                                 out_hbm.at[1, pl.ds(base_p + g * _BUF, _BUF)],
                                 sem_c))
        hr[_GROUPS - 2].wait()
        hr[_GROUPS - 1].wait()
        for h in hc:
            h.wait()

    return k()


@jax.jit
def _run(x, wq, bq, wk, bk, batch_size, nodes_per_sample):
    x3 = x.reshape(_B, _N, _C)
    ew, acc = pl.pallas_call(
        _fused_kernel,
        grid=(_B, _NB),
        in_specs=[
            pl.BlockSpec((1, _N, _C), lambda b, rb: (b, 0, 0)),
            pl.BlockSpec((_C, _C), lambda b, rb: (0, 0)),
            pl.BlockSpec((1, _C), lambda b, rb: (0, 0)),
            pl.BlockSpec((_C, _C), lambda b, rb: (0, 0)),
            pl.BlockSpec((1, _C), lambda b, rb: (0, 0)),
        ],
        out_specs=[
            pl.BlockSpec((_BLK * _N // 128, 128), lambda b, rb: (b * _NB + rb, 0)),
            pl.BlockSpec((1, 1), lambda b, rb: (0, 0)),
        ],
        out_shape=[
            jax.ShapeDtypeStruct((_B * _N * _N // 128, 128), jnp.float32),
            jax.ShapeDtypeStruct((1, 1), jnp.float32),
        ],
        scratch_shapes=[pltpu.VMEM((_N, _C), jnp.float32)],
        compiler_params=pltpu.CompilerParams(
            dimension_semantics=("arbitrary", "arbitrary"),
        ),
    )(x3, wq, bq.reshape(1, _C), wk, bk.reshape(1, _C))
    edge_weight = ew.reshape(-1)
    edge_index = _edge_index_sc()
    loss = acc[0, 0] / batch_size
    return edge_index, edge_weight, loss


def kernel(x, Wq, bq, Wk, bk, batch_size, nodes_per_sample):
    return _run(x, Wq, bq, Wk, bk, batch_size, nodes_per_sample)

# --- scband reference (transcript-rebuilt; emitter-appended) ---
"""Pipeline reference for scband-graph-learning-module-60756607369732 (READ-ONLY COPY).

The authoritative reference and input builder live on the scoring server;
editing this copy changes nothing except your own understanding.
"""

import jax, jax.numpy as jnp
import numpy as np

B, N, C, K = 2, 2048, 128, 32
SLOPE = 0.2

def setup_inputs(seed: int = 0) -> dict:
    key = jax.random.key(seed)
    ks = jax.random.split(key, 5)
    x = jax.random.normal(ks[0], (B * N, C), dtype=jnp.float32)
    Wq = jax.random.normal(ks[1], (C, C), dtype=jnp.float32) * (1.0 / np.sqrt(C))
    bq = jnp.zeros((C,), dtype=jnp.float32)
    Wk = jax.random.normal(ks[2], (C, C), dtype=jnp.float32) * (1.0 / np.sqrt(C))
    bk = jnp.zeros((C,), dtype=jnp.float32)
    return {"x": x, "Wq": Wq, "bq": bq, "Wk": Wk, "bk": bk, "batch_size": B, "nodes_per_sample": N}

def reference(x, Wq, bq, Wk, bk, batch_size, nodes_per_sample):
    xr = x.reshape(B, N, -1)
    query = xr @ Wq + bq
    keyt = xr @ Wk + bk
    scores = jnp.einsum('bnc,bmc->bnm', query, keyt)
    scores = jnp.where(scores >= 0, scores, SLOPE * scores)
    k_safe = min(K, N)
    top_vals, top_idx = jax.lax.top_k(scores, k_safe)
    b_idx = jnp.arange(B)[:, None, None]
    r_idx = jnp.arange(N)[None, :, None]
    adj = jnp.zeros_like(scores).at[b_idx, r_idx, top_idx].set(top_vals)
    adj_n = jax.nn.softmax(adj, axis=2)
    # graph regularization loss: mean_b Tr(X^T L X)
    deg = jnp.sum(adj_n, axis=2)
    D = deg[:, :, None] * jnp.eye(N, dtype=adj_n.dtype)
    L = D - adj_n
    xt_l = jnp.einsum('bnc,bnm->bcm', xr, L)
    xt_l_x = jnp.einsum('bcm,bmd->bcd', xt_l, xr)
    diag = jnp.diagonal(xt_l_x, axis1=-2, axis2=-1)
    graph_reg_loss = jnp.sum(jnp.sum(diag, axis=1)) / batch_size
    # dense_to_sparse per sample: softmax output is fully dense (all entries > 0),
    # so nonzero() yields all N*N entries in row-major order, offset per sample.
    row = jnp.repeat(jnp.arange(N, dtype=jnp.int64), N)
    col = jnp.tile(jnp.arange(N, dtype=jnp.int64), N)
    offsets = (jnp.arange(B, dtype=jnp.int64) * nodes_per_sample)[:, None]
    rows_all = (row[None, :] + offsets).reshape(-1)
    cols_all = (col[None, :] + offsets).reshape(-1)
    edge_index = jnp.stack([rows_all, cols_all], axis=0)
    edge_weight = adj_n.reshape(-1)
    return (edge_index, edge_weight, graph_reg_loss)

if __name__ == "__main__":
    import jax
    _d = setup_inputs()
    print(jax.jit(kernel)(*tuple(_d.values())))

</pallas_src>

<mosaic_0001>
#map = affine_map<(d0, d1) -> (0, 0)>
module attributes {stable_mosaic.version = 14 : i64} {
  func.func @k(%arg0: i32, %arg1: i32, %arg2: memref<2x8388608xi32, #tpu.memory_space<hbm>>, %arg3: memref<16384xi32, #tpu.memory_space<vmem>>, %arg4: memref<16384xi32, #tpu.memory_space<vmem>>, %arg5: memref<16384xi32, #tpu.memory_space<vmem>>, %arg6: memref<!tpu.dma_semaphore, #tpu.memory_space<semaphore_mem>>, %arg7: memref<!tpu.dma_semaphore, #tpu.memory_space<semaphore_mem>>) attributes {dimension_semantics = [#tpu.dimension_semantics<core_parallel>, #tpu.dimension_semantics<subcore_parallel>], iteration_bounds = array<i64: 2, 16>, scalar_prefetch = 0 : i64, scratch_operands = 5 : i64, tpu.core_type = #tpu.core_type<sc_vector_subcore>, window_params = [{transform_indices = #map}]} {
    %mul3A = arith.constant 2 : i32
    %mul3A_0 = arith.muli %arg1, %mul3A : i32
    %add3A = arith.addi %mul3A_0, %arg0 : i32
    %mul3A_1 = arith.constant 262144 : i32
    %mul3A_2 = arith.muli %add3A, %mul3A_1 : i32
    %ge3A = arith.constant 16 : i32
    %ge3A_3 = arith.cmpi sge, %add3A, %ge3A : i32
    %jit3A = arith.constant 2048 : i32
    %jit3A_4 = arith.constant 0 : i32
    %select_n3A = arith.select %ge3A_3, %jit3A, %jit3A_4 : i32
    %iota3A = tpu.iota {dimensions = array<i32: 0>} : vector<16xi32>
    %scan3A = arith.constant 0 : i32
    %scan3A_5 = arith.constant 0 : i32
    %scan3A_6 = arith.constant 128 : i32
    %scan3A_7 = arith.addi %scan3A_5, %scan3A_6 : i32
    %scan3A_8 = arith.constant 1 : i32
    scf.for %scan3A_489 = %scan3A_5 to %scan3A_7 step %scan3A_8  : i32 {
      %mul3A_490 = arith.constant 128 : i32
      %mul3A_491 = arith.muli %scan3A_489, %mul3A_490 : i32
      %add3A_492 = arith.constant 0 : i32
      %add3A_493 = arith.addi %mul3A_491, %add3A_492 : i32
      %add3A_494 = vector.broadcast %add3A_493 : i32 to vector<16xi32>
      %add3A_495 = arith.addi %iota3A, %add3A_494 : vector<16xi32>
      %and3A = arith.constant 2047 : i32
      %and3A_496 = vector.broadcast %and3A : i32 to vector<16xi32>
      %and3A_497 = arith.andi %add3A_495, %and3A_496 : vector<16xi32>
      %add3A_498 = vector.broadcast %select_n3A : i32 to vector<16xi32>
      %add3A_499 = arith.addi %add3A_498, %and3A_497 : vector<16xi32>
      %swap3A = arith.index_cast %add3A_493 : i32 to index
      %swap3A_500 = tpu.vector_load %arg3[%swap3A] {strides = array<i32>} : memref<16384xi32, #tpu.memory_space<vmem>>, vector<16xi32>,
      %swap3A_501 = vector.shape_cast %swap3A_500 : vector<16xi32> to vector<16xi32>
      %swap3A_502 = vector.shape_cast %add3A_499 : vector<16xi32> to vector<16xi32>
      tpu.vector_store %arg3[%swap3A], %swap3A_502 {strides = array<i32>} : memref<16384xi32, #tpu.memory_space<vmem>>, vector<16xi32>,
      %mul3A_503 = arith.constant 128 : i32
      %mul3A_504 = arith.muli %scan3A_489, %mul3A_503 : i32
      %add3A_505 = arith.constant 16 : i32
      %add3A_506 = arith.addi %mul3A_504, %add3A_505 : i32
      %add3A_507 = vector.broadcast %add3A_506 : i32 to vector<16xi32>
      %add3A_508 = arith.addi %iota3A, %add3A_507 : vector<16xi32>
      %and3A_509 = arith.constant 2047 : i32
      %and3A_510 = vector.broadcast %and3A_509 : i32 to vector<16xi32>
      %and3A_511 = arith.andi %add3A_508, %and3A_510 : vector<16xi32>
      %add3A_512 = vector.broadcast %select_n3A : i32 to vector<16xi32>
      %add3A_513 = arith.addi %add3A_512, %and3A_511 : vector<16xi32>
      %swap3A_514 = arith.index_cast %add3A_506 : i32 to index
      %swap3A_515 = tpu.vector_load %arg3[%swap3A_514] {strides = array<i32>} : memref<16384xi32, #tpu.memory_space<vmem>>, vector<16xi32>,
      %swap3A_516 = vector.shape_cast %swap3A_515 : vector<16xi32> to vector<16xi32>
      %swap3A_517 = vector.shape_cast %add3A_513 : vector<16xi32> to vector<16xi32>
      tpu.vector_store %arg3[%swap3A_514], %swap3A_517 {strides = array<i32>} : memref<16384xi32, #tpu.memory_space<vmem>>, vector<16xi32>,
      %mul3A_518 = arith.constant 128 : i32
      %mul3A_519 = arith.muli %scan3A_489, %mul3A_518 : i32
      %add3A_520 = arith.constant 32 : i32
      %add3A_521 = arith.addi %mul3A_519, %add3A_520 : i32
      %add3A_522 = vector.broadcast %add3A_521 : i32 to vector<16xi32>
      %add3A_523 = arith.addi %iota3A, %add3A_522 : vector<16xi32>
      %and3A_524 = arith.constant 2047 : i32
      %and3A_525 = vector.broadcast %and3A_524 : i32 to vector<16xi32>
      %and3A_526 = arith.andi %add3A_523, %and3A_525 : vector<16xi32>
      %add3A_527 = vector.broadcast %select_n3A : i32 to vector<16xi32>
      %add3A_528 = arith.addi %add3A_527, %and3A_526 : vector<16xi32>
      %swap3A_529 = arith.index_cast %add3A_521 : i32 to index
      %swap3A_530 = tpu.vector_load %arg3[%swap3A_529] {strides = array<i32>} : memref<16384xi32, #tpu.memory_space<vmem>>, vector<16xi32>,
      %swap3A_531 = vector.shape_cast %swap3A_530 : vector<16xi32> to vector<16xi32>
      %swap3A_532 = vector.shape_cast %add3A_528 : vector<16xi32> to vector<16xi32>
      tpu.vector_store %arg3[%swap3A_529], %swap3A_532 {strides = array<i32>} : memref<16384xi32, #tpu.memory_space<vmem>>, vector<16xi32>,
      %mul3A_533 = arith.constant 128 : i32
      %mul3A_534 = arith.muli %scan3A_489, %mul3A_533 : i32
      %add3A_535 = arith.constant 48 : i32
      %add3A_536 = arith.addi %mul3A_534, %add3A_535 : i32
      %add3A_537 = vector.broadcast %add3A_536 : i32 to vector<16xi32>
      %add3A_538 = arith.addi %iota3A, %add3A_537 : vector<16xi32>
      %and3A_539 = arith.constant 2047 : i32
      %and3A_540 = vector.broadcast %and3A_539 : i32 to vector<16xi32>
      %and3A_541 = arith.andi %add3A_538, %and3A_540 : vector<16xi32>
      %add3A_542 = vector.broadcast %select_n3A : i32 to vector<16xi32>
      %add3A_543 = arith.addi %add3A_542, %and3A_541 : vector<16xi32>
      %swap3A_544 = arith.index_cast %add3A_536 : i32 to index
      %swap3A_545 = tpu.vector_load %arg3[%swap3A_544] {strides = array<i32>} : memref<16384xi32, #tpu.memory_space<vmem>>, vector<16xi32>,
      %swap3A_546 = vector.shape_cast %swap3A_545 : vector<16xi32> to vector<16xi32>
      %swap3A_547 = vector.shape_cast %add3A_543 : vector<16xi32> to vector<16xi32>
      tpu.vector_store %arg3[%swap3A_544], %swap3A_547 {strides = array<i32>} : memref<16384xi32, #tpu.memory_space<vmem>>, vector<16xi32>,
      %mul3A_548 = arith.constant 128 : i32
      %mul3A_549 = arith.muli %scan3A_489, %mul3A_548 : i32
      %add3A_550 = arith.constant 64 : i32
      %add3A_551 = arith.addi %mul3A_549, %add3A_550 : i32
      %add3A_552 = vector.broadcast %add3A_551 : i32 to vector<16xi32>
      %add3A_553 = arith.addi %iota3A, %add3A_552 : vector<16xi32>
      %and3A_554 = arith.constant 2047 : i32
      %and3A_555 = vector.broadcast %and3A_554 : i32 to vector<16xi32>
      %and3A_556 = arith.andi %add3A_553, %and3A_555 : vector<16xi32>
      %add3A_557 = vector.broadcast %select_n3A : i32 to vector<16xi32>
      %add3A_558 = arith.addi %add3A_557, %and3A_556 : vector<16xi32>
      %swap3A_559 = arith.index_cast %add3A_551 : i32 to index
      %swap3A_560 = tpu.vector_load %arg3[%swap3A_559] {strides = array<i32>} : memref<16384xi32, #tpu.memory_space<vmem>>, vector<16xi32>,
      %swap3A_561 = vector.shape_cast %swap3A_560 : vector<16xi32> to vector<16xi32>
      %swap3A_562 = vector.shape_cast %add3A_558 : vector<16xi32> to vector<16xi32>
      tpu.vector_store %arg3[%swap3A_559], %swap3A_562 {strides = array<i32>} : memref<16384xi32, #tpu.memory_space<vmem>>, vector<16xi32>,
      %mul3A_563 = arith.constant 128 : i32
      %mul3A_564 = arith.muli %scan3A_489, %mul3A_563 : i32
      %add3A_565 = arith.constant 80 : i32
      %add3A_566 = arith.addi %mul3A_564, %add3A_565 : i32
      %add3A_567 = vector.broadcast %add3A_566 : i32 to vector<16xi32>
      %add3A_568 = arith.addi %iota3A, %add3A_567 : vector<16xi32>
      %and3A_569 = arith.constant 2047 : i32
      %and3A_570 = vector.broadcast %and3A_569 : i32 to vector<16xi32>
      %and3A_571 = arith.andi %add3A_568, %and3A_570 : vector<16xi32>
      %add3A_572 = vector.broadcast %select_n3A : i32 to vector<16xi32>
      %add3A_573 = arith.addi %add3A_572, %and3A_571 : vector<16xi32>
      %swap3A_574 = arith.index_cast %add3A_566 : i32 to index
      %swap3A_575 = tpu.vector_load %arg3[%swap3A_574] {strides = array<i32>} : memref<16384xi32, #tpu.memory_space<vmem>>, vector<16xi32>,
      %swap3A_576 = vector.shape_cast %swap3A_575 : vector<16xi32> to vector<16xi32>
      %swap3A_577 = vector.shape_cast %add3A_573 : vector<16xi32> to vector<16xi32>
      tpu.vector_store %arg3[%swap3A_574], %swap3A_577 {strides = array<i32>} : memref<16384xi32, #tpu.memory_space<vmem>>, vector<16xi32>,
      %mul3A_578 = arith.constant 128 : i32
      %mul3A_579 = arith.muli %scan3A_489, %mul3A_578 : i32
      %add3A_580 = arith.constant 96 : i32
      %add3A_581 = arith.addi %mul3A_579, %add3A_580 : i32
      %add3A_582 = vector.broadcast %add3A_581 : i32 to vector<16xi32>
      %add3A_583 = arith.addi %iota3A, %add3A_582 : vector<16xi32>
      %and3A_584 = arith.constant 2047 : i32
      %and3A_585 = vector.broadcast %and3A_584 : i32 to vector<16xi32>
      %and3A_586 = arith.andi %add3A_583, %and3A_585 : vector<16xi32>
      %add3A_587 = vector.broadcast %select_n3A : i32 to vector<16xi32>
      %add3A_588 = arith.addi %add3A_587, %and3A_586 : vector<16xi32>
      %swap3A_589 = arith.index_cast %add3A_581 : i32 to index
      %swap3A_590 = tpu.vector_load %arg3[%swap3A_589] {strides = array<i32>} : memref<16384xi32, #tpu.memory_space<vmem>>, vector<16xi32>,
      %swap3A_591 = vector.shape_cast %swap3A_590 : vector<16xi32> to vector<16xi32>
      %swap3A_592 = vector.shape_cast %add3A_588 : vector<16xi32> to vector<16xi32>
      tpu.vector_store %arg3[%swap3A_589], %swap3A_592 {strides = array<i32>} : memref<16384xi32, #tpu.memory_space<vmem>>, vector<16xi32>,
      %mul3A_593 = arith.constant 128 : i32
      %mul3A_594 = arith.muli %scan3A_489, %mul3A_593 : i32
      %add3A_595 = arith.constant 112 : i32
      %add3A_596 = arith.addi %mul3A_594, %add3A_595 : i32
      %add3A_597 = vector.broadcast %add3A_596 : i32 to vector<16xi32>
      %add3A_598 = arith.addi %iota3A, %add3A_597 : vector<16xi32>
      %and3A_599 = arith.constant 2047 : i32
      %and3A_600 = vector.broadcast %and3A_599 : i32 to vector<16xi32>
      %and3A_601 = arith.andi %add3A_598, %and3A_600 : vector<16xi32>
      %add3A_602 = vector.broadcast %select_n3A : i32 to vector<16xi32>
      %add3A_603 = arith.addi %add3A_602, %and3A_601 : vector<16xi32>
      %swap3A_604 = arith.index_cast %add3A_596 : i32 to index
      %swap3A_605 = tpu.vector_load %arg3[%swap3A_604] {strides = array<i32>} : memref<16384xi32, #tpu.memory_space<vmem>>, vector<16xi32>,
      %swap3A_606 = vector.shape_cast %swap3A_605 : vector<16xi32> to vector<16xi32>
      %swap3A_607 = vector.shape_cast %add3A_603 : vector<16xi32> to vector<16xi32>
      tpu.vector_store %arg3[%swap3A_604], %swap3A_607 {strides = array<i32>} : memref<16384xi32, #tpu.memory_space<vmem>>, vector<16xi32>,
    }
    %scan3A_9 = arith.constant 128 : i32
    %shift_right_arithmetic3A = arith.constant 11 : i32
    %shift_right_arithmetic3A_10 = arith.shrsi %mul3A_2, %shift_right_arithmetic3A : i32
    %scan3A_11 = arith.constant 0 : i32
    %scan3A_12 = arith.constant 0 : i32
    %scan3A_13 = arith.constant 128 : i32
    %scan3A_14 = arith.addi %scan3A_12, %scan3A_13 : i32
    %scan3A_15 = arith.constant 1 : i32
    scf.for %scan3A_489 = %scan3A_12 to %scan3A_14 step %scan3A_15  : i32 {
      %add3A_490 = arith.constant 0 : i32
      %add3A_491 = arith.addi %shift_right_arithmetic3A_10, %add3A_490 : i32
      %shift_right_arithmetic3A_492 = arith.constant 4 : i32
      %shift_right_arithmetic3A_493 = arith.shrsi %scan3A_489, %shift_right_arithmetic3A_492 : i32
      %add3A_494 = arith.addi %add3A_491, %shift_right_arithmetic3A_493 : i32
      %broadcast_in_dim3A = arith.constant 0 : i32
      %broadcast_in_dim3A_495 = vector.broadcast %broadcast_in_dim3A : i32 to vector<16xi32>
      %add3A_496 = vector.broadcast %add3A_494 : i32 to vector<16xi32>
      %add3A_497 = arith.addi %broadcast_in_dim3A_495, %add3A_496 : vector<16xi32>
      %mul3A_498 = arith.constant 128 : i32
      %mul3A_499 = arith.muli %scan3A_489, %mul3A_498 : i32
      %add3A_500 = arith.constant 0 : i32
      %add3A_501 = arith.addi %mul3A_499, %add3A_500 : i32
      %swap3A = arith.index_cast %add3A_501 : i32 to index
      %swap3A_502 = tpu.vector_load %arg4[%swap3A] {strides = array<i32>} : memref<16384xi32, #tpu.memory_space<vmem>>, vector<16xi32>,
      %swap3A_503 = vector.shape_cast %swap3A_502 : vector<16xi32> to vector<16xi32>
      %swap3A_504 = vector.shape_cast %add3A_497 : vector<16xi32> to vector<16xi32>
      tpu.vector_store %arg4[%swap3A], %swap3A_504 {strides = array<i32>} : memref<16384xi32, #tpu.memory_space<vmem>>, vector<16xi32>,
      %mul3A_505 = arith.constant 128 : i32
      %mul3A_506 = arith.muli %scan3A_489, %mul3A_505 : i32
      %add3A_507 = arith.constant 16 : i32
      %add3A_508 = arith.addi %mul3A_506, %add3A_507 : i32
      %swap3A_509 = arith.index_cast %add3A_508 : i32 to index
      %swap3A_510 = tpu.vector_load %arg4[%swap3A_509] {strides = array<i32>} : memref<16384xi32, #tpu.memory_space<vmem>>, vector<16xi32>,
      %swap3A_511 = vector.shape_cast %swap3A_510 : vector<16xi32> to vector<16xi32>
      %swap3A_512 = vector.shape_cast %add3A_497 : vector<16xi32> to vector<16xi32>
      tpu.vector_store %arg4[%swap3A_509], %swap3A_512 {strides = array<i32>} : memref<16384xi32, #tpu.memory_space<vmem>>, vector<16xi32>,
      %mul3A_513 = arith.constant 128 : i32
      %mul3A_514 = arith.muli %scan3A_489, %mul3A_513 : i32
      %add3A_515 = arith.constant 32 : i32
      %add3A_516 = arith.addi %mul3A_514, %add3A_515 : i32
      %swap3A_517 = arith.index_cast %add3A_516 : i32 to index
      %swap3A_518 = tpu.vector_load %arg4[%swap3A_517] {strides = array<i32>} : memref<16384xi32, #tpu.memory_space<vmem>>, vector<16xi32>,
      %swap3A_519 = vector.shape_cast %swap3A_518 : vector<16xi32> to vector<16xi32>
      %swap3A_520 = vector.shape_cast %add3A_497 : vector<16xi32> to vector<16xi32>
      tpu.vector_store %arg4[%swap3A_517], %swap3A_520 {strides = array<i32>} : memref<16384xi32, #tpu.memory_space<vmem>>, vector<16xi32>,
      %mul3A_521 = arith.constant 128 : i32
      %mul3A_522 = arith.muli %scan3A_489, %mul3A_521 : i32
      %add3A_523 = arith.constant 48 : i32
      %add3A_524 = arith.addi %mul3A_522, %add3A_523 : i32
      %swap3A_525 = arith.index_cast %add3A_524 : i32 to index
      %swap3A_526 = tpu.vector_load %arg4[%swap3A_525] {strides = array<i32>} : memref<16384xi32, #tpu.memory_space<vmem>>, vector<16xi32>,
      %swap3A_527 = vector.shape_cast %swap3A_526 : vector<16xi32> to vector<16xi32>
      %swap3A_528 = vector.shape_cast %add3A_497 : vector<16xi32> to vector<16xi32>
      tpu.vector_store %arg4[%swap3A_525], %swap3A_528 {strides = array<i32>} : memref<16384xi32, #tpu.memory_space<vmem>>, vector<16xi32>,
      %mul3A_529 = arith.constant 128 : i32
      %mul3A_530 = arith.muli %scan3A_489, %mul3A_529 : i32
      %add3A_531 = arith.constant 64 : i32
      %add3A_532 = arith.addi %mul3A_530, %add3A_531 : i32
      %swap3A_533 = arith.index_cast %add3A_532 : i32 to index
      %swap3A_534 = tpu.vector_load %arg4[%swap3A_533] {strides = array<i32>} : memref<16384xi32, #tpu.memory_space<vmem>>, vector<16xi32>,
      %swap3A_535 = vector.shape_cast %swap3A_534 : vector<16xi32> to vector<16xi32>
      %swap3A_536 = vector.shape_cast %add3A_497 : vector<16xi32> to vector<16xi32>
      tpu.vector_store %arg4[%swap3A_533], %swap3A_536 {strides = array<i32>} : memref<16384xi32, #tpu.memory_space<vmem>>, vector<16xi32>,
      %mul3A_537 = arith.constant 128 : i32
      %mul3A_538 = arith.muli %scan3A_489, %mul3A_537 : i32
      %add3A_539 = arith.constant 80 : i32
      %add3A_540 = arith.addi %mul3A_538, %add3A_539 : i32
      %swap3A_541 = arith.index_cast %add3A_540 : i32 to index
      %swap3A_542 = tpu.vector_load %arg4[%swap3A_541] {strides = array<i32>} : memref<16384xi32, #tpu.memory_space<vmem>>, vector<16xi32>,
      %swap3A_543 = vector.shape_cast %swap3A_542 : vector<16xi32> to vector<16xi32>
      %swap3A_544 = vector.shape_cast %add3A_497 : vector<16xi32> to vector<16xi32>
      tpu.vector_store %arg4[%swap3A_541], %swap3A_544 {strides = array<i32>} : memref<16384xi32, #tpu.memory_space<vmem>>, vector<16xi32>,
      %mul3A_545 = arith.constant 128 : i32
      %mul3A_546 = arith.muli %scan3A_489, %mul3A_545 : i32
      %add3A_547 = arith.constant 96 : i32
      %add3A_548 = arith.addi %mul3A_546, %add3A_547 : i32
      %swap3A_549 = arith.index_cast %add3A_548 : i32 to index
      %swap3A_550 = tpu.vector_load %arg4[%swap3A_549] {strides = array<i32>} : memref<16384xi32, #tpu.memory_space<vmem>>, vector<16xi32>,
      %swap3A_551 = vector.shape_cast %swap3A_550 : vector<16xi32> to vector<16xi32>
      %swap3A_552 = vector.shape_cast %add3A_497 : vector<16xi32> to vector<16xi32>
      tpu.vector_store %arg4[%swap3A_549], %swap3A_552 {strides = array<i32>} : memref<16384xi32, #tpu.memory_space<vmem>>, vector<16xi32>,
      %mul3A_553 = arith.constant 128 : i32
      %mul3A_554 = arith.muli %scan3A_489, %mul3A_553 : i32
      %add3A_555 = arith.constant 112 : i32
      %add3A_556 = arith.addi %mul3A_554, %add3A_555 : i32
      %swap3A_557 = arith.index_cast %add3A_556 : i32 to index
      %swap3A_558 = tpu.vector_load %arg4[%swap3A_557] {strides = array<i32>} : memref<16384xi32, #tpu.memory_space<vmem>>, vector<16xi32>,
      %swap3A_559 = vector.shape_cast %swap3A_558 : vector<16xi32> to vector<16xi32>
      %swap3A_560 = vector.shape_cast %add3A_497 : vector<16xi32> to vector<16xi32>
      tpu.vector_store %arg4[%swap3A_557], %swap3A_560 {strides = array<i32>} : memref<16384xi32, #tpu.memory_space<vmem>>, vector<16xi32>,
    }
    %scan3A_16 = arith.constant 128 : i32
    %add3A_17 = arith.constant 0 : i32
    %add3A_18 = arith.addi %mul3A_2, %add3A_17 : i32
    %dma_start3A = arith.constant 0 : i32
    %dma_start3A_19 = tpu.memref_slice %arg2[%dma_start3A, %add3A_18] : memref<2x8388608xi32, #tpu.memory_space<hbm>> -> memref<1x16384xi32, #tpu.memory_space<hbm>>
    %dma_start3A_20 = tpu.memref_squeeze %dma_start3A_19 : memref<1x16384xi32, #tpu.memory_space<hbm>> -> memref<16384xi32, #tpu.memory_space<hbm>>
    %dma_start3A_21 = tpu.memref_slice %arg2[%dma_start3A, %add3A_18] : memref<2x8388608xi32, #tpu.memory_space<hbm>> -> memref<1x16384xi32, #tpu.memory_space<hbm>>
    %dma_start3A_22 = tpu.memref_squeeze %dma_start3A_21 : memref<1x16384xi32, #tpu.memory_space<hbm>> -> memref<16384xi32, #tpu.memory_space<hbm>>
    tpu.enqueue_dma source(%arg4 : memref<16384xi32, #tpu.memory_space<vmem>>) target(%dma_start3A_22 : memref<16384xi32, #tpu.memory_space<hbm>>) target_semaphore(%arg7 : memref<!tpu.dma_semaphore, #tpu.memory_space<semaphore_mem>>)
    %add3A_23 = arith.constant 0 : i32
    %add3A_24 = arith.addi %mul3A_2, %add3A_23 : i32
    %dma_start3A_25 = arith.constant 1 : i32
    %dma_start3A_26 = tpu.memref_slice %arg2[%dma_start3A_25, %add3A_24] : memref<2x8388608xi32, #tpu.memory_space<hbm>> -> memref<1x16384xi32, #tpu.memory_space<hbm>>
    %dma_start3A_27 = tpu.memref_squeeze %dma_start3A_26 : memref<1x16384xi32, #tpu.memory_space<hbm>> -> memref<16384xi32, #tpu.memory_space<hbm>>
    %dma_start3A_28 = tpu.memref_slice %arg2[%dma_start3A_25, %add3A_24] : memref<2x8388608xi32, #tpu.memory_space<hbm>> -> memref<1x16384xi32, #tpu.memory_space<hbm>>
    %dma_start3A_29 = tpu.memref_squeeze %dma_start3A_28 : memref<1x16384xi32, #tpu.memory_space<hbm>> -> memref<16384xi32, #tpu.memory_space<hbm>>
    tpu.enqueue_dma source(%arg3 : memref<16384xi32, #tpu.memory_space<vmem>>) target(%dma_start3A_29 : memref<16384xi32, #tpu.memory_space<hbm>>) target_semaphore(%arg6 : memref<!tpu.dma_semaphore, #tpu.memory_space<semaphore_mem>>)
    %scan3A_30 = arith.constant 0 : i32
    %scan3A_31 = arith.constant 0 : i32
    %scan3A_32 = arith.constant 128 : i32
    %scan3A_33 = arith.addi %scan3A_31, %scan3A_32 : i32
    %scan3A_34 = arith.constant 1 : i32
    scf.for %scan3A_489 = %scan3A_31 to %scan3A_33 step %scan3A_34  : i32 {
      %add3A_490 = arith.constant 8 : i32
      %add3A_491 = arith.addi %shift_right_arithmetic3A_10, %add3A_490 : i32
      %shift_right_arithmetic3A_492 = arith.constant 4 : i32
      %shift_right_arithmetic3A_493 = arith.shrsi %scan3A_489, %shift_right_arithmetic3A_492 : i32
      %add3A_494 = arith.addi %add3A_491, %shift_right_arithmetic3A_493 : i32
      %broadcast_in_dim3A = arith.constant 0 : i32
      %broadcast_in_dim3A_495 = vector.broadcast %broadcast_in_dim3A : i32 to vector<16xi32>
      %add3A_496 = vector.broadcast %add3A_494 : i32 to vector<16xi32>
      %add3A_497 = arith.addi %broadcast_in_dim3A_495, %add3A_496 : vector<16xi32>
      %mul3A_498 = arith.constant 128 : i32
      %mul3A_499 = arith.muli %scan3A_489, %mul3A_498 : i32
      %add3A_500 = arith.constant 0 : i32
      %add3A_501 = arith.addi %mul3A_499, %add3A_500 : i32
      %swap3A = arith.index_cast %add3A_501 : i32 to index
      %swap3A_502 = tpu.vector_load %arg5[%swap3A] {strides = array<i32>} : memref<16384xi32, #tpu.memory_space<vmem>>, vector<16xi32>,
      %swap3A_503 = vector.shape_cast %swap3A_502 : vector<16xi32> to vector<16xi32>
      %swap3A_504 = vector.shape_cast %add3A_497 : vector<16xi32> to vector<16xi32>
      tpu.vector_store %arg5[%swap3A], %swap3A_504 {strides = array<i32>} : memref<16384xi32, #tpu.memory_space<vmem>>, vector<16xi32>,
      %mul3A_505 = arith.constant 128 : i32
      %mul3A_506 = arith.muli %scan3A_489, %mul3A_505 : i32
      %add3A_507 = arith.constant 16 : i32
      %add3A_508 = arith.addi %mul3A_506, %add3A_507 : i32
      %swap3A_509 = arith.index_cast %add3A_508 : i32 to index
      %swap3A_510 = tpu.vector_load %arg5[%swap3A_509] {strides = array<i32>} : memref<16384xi32, #tpu.memory_space<vmem>>, vector<16xi32>,
      %swap3A_511 = vector.shape_cast %swap3A_510 : vector<16xi32> to vector<16xi32>
      %swap3A_512 = vector.shape_cast %add3A_497 : vector<16xi32> to vector<16xi32>
      tpu.vector_store %arg5[%swap3A_509], %swap3A_512 {strides = array<i32>} : memref<16384xi32, #tpu.memory_space<vmem>>, vector<16xi32>,
      %mul3A_513 = arith.constant 128 : i32
      %mul3A_514 = arith.muli %scan3A_489, %mul3A_513 : i32
      %add3A_515 = arith.constant 32 : i32
      %add3A_516 = arith.addi %mul3A_514, %add3A_515 : i32
      %swap3A_517 = arith.index_cast %add3A_516 : i32 to index
      %swap3A_518 = tpu.vector_load %arg5[%swap3A_517] {strides = array<i32>} : memref<16384xi32, #tpu.memory_space<vmem>>, vector<16xi32>,
      %swap3A_519 = vector.shape_cast %swap3A_518 : vector<16xi32> to vector<16xi32>
      %swap3A_520 = vector.shape_cast %add3A_497 : vector<16xi32> to vector<16xi32>
      tpu.vector_store %arg5[%swap3A_517], %swap3A_520 {strides = array<i32>} : memref<16384xi32, #tpu.memory_space<vmem>>, vector<16xi32>,
      %mul3A_521 = arith.constant 128 : i32
      %mul3A_522 = arith.muli %scan3A_489, %mul3A_521 : i32
      %add3A_523 = arith.constant 48 : i32
      %add3A_524 = arith.addi %mul3A_522, %add3A_523 : i32
      %swap3A_525 = arith.index_cast %add3A_524 : i32 to index
      %swap3A_526 = tpu.vector_load %arg5[%swap3A_525] {strides = array<i32>} : memref<16384xi32, #tpu.memory_space<vmem>>, vector<16xi32>,
      %swap3A_527 = vector.shape_cast %swap3A_526 : vector<16xi32> to vector<16xi32>
      %swap3A_528 = vector.shape_cast %add3A_497 : vector<16xi32> to vector<16xi32>
      tpu.vector_store %arg5[%swap3A_525], %swap3A_528 {strides = array<i32>} : memref<16384xi32, #tpu.memory_space<vmem>>, vector<16xi32>,
      %mul3A_529 = arith.constant 128 : i32
      %mul3A_530 = arith.muli %scan3A_489, %mul3A_529 : i32
      %add3A_531 = arith.constant 64 : i32
      %add3A_532 = arith.addi %mul3A_530, %add3A_531 : i32
      %swap3A_533 = arith.index_cast %add3A_532 : i32 to index
      %swap3A_534 = tpu.vector_load %arg5[%swap3A_533] {strides = array<i32>} : memref<16384xi32, #tpu.memory_space<vmem>>, vector<16xi32>,
      %swap3A_535 = vector.shape_cast %swap3A_534 : vector<16xi32> to vector<16xi32>
      %swap3A_536 = vector.shape_cast %add3A_497 : vector<16xi32> to vector<16xi32>
      tpu.vector_store %arg5[%swap3A_533], %swap3A_536 {strides = array<i32>} : memref<16384xi32, #tpu.memory_space<vmem>>, vector<16xi32>,
      %mul3A_537 = arith.constant 128 : i32
      %mul3A_538 = arith.muli %scan3A_489, %mul3A_537 : i32
      %add3A_539 = arith.constant 80 : i32
      %add3A_540 = arith.addi %mul3A_538, %add3A_539 : i32
      %swap3A_541 = arith.index_cast %add3A_540 : i32 to index
      %swap3A_542 = tpu.vector_load %arg5[%swap3A_541] {strides = array<i32>} : memref<16384xi32, #tpu.memory_space<vmem>>, vector<16xi32>,
      %swap3A_543 = vector.shape_cast %swap3A_542 : vector<16xi32> to vector<16xi32>
      %swap3A_544 = vector.shape_cast %add3A_497 : vector<16xi32> to vector<16xi32>
      tpu.vector_store %arg5[%swap3A_541], %swap3A_544 {strides = array<i32>} : memref<16384xi32, #tpu.memory_space<vmem>>, vector<16xi32>,
      %mul3A_545 = arith.constant 128 : i32
      %mul3A_546 = arith.muli %scan3A_489, %mul3A_545 : i32
      %add3A_547 = arith.constant 96 : i32
      %add3A_548 = arith.addi %mul3A_546, %add3A_547 : i32
      %swap3A_549 = arith.index_cast %add3A_548 : i32 to index
      %swap3A_550 = tpu.vector_load %arg5[%swap3A_549] {strides = array<i32>} : memref<16384xi32, #tpu.memory_space<vmem>>, vector<16xi32>,
      %swap3A_551 = vector.shape_cast %swap3A_550 : vector<16xi32> to vector<16xi32>
      %swap3A_552 = vector.shape_cast %add3A_497 : vector<16xi32> to vector<16xi32>
      tpu.vector_store %arg5[%swap3A_549], %swap3A_552 {strides = array<i32>} : memref<16384xi32, #tpu.memory_space<vmem>>, vector<16xi32>,
      %mul3A_553 = arith.constant 128 : i32
      %mul3A_554 = arith.muli %scan3A_489, %mul3A_553 : i32
      %add3A_555 = arith.constant 112 : i32
      %add3A_556 = arith.addi %mul3A_554, %add3A_555 : i32
      %swap3A_557 = arith.index_cast %add3A_556 : i32 to index
      %swap3A_558 = tpu.vector_load %arg5[%swap3A_557] {strides = array<i32>} : memref<16384xi32, #tpu.memory_space<vmem>>, vector<16xi32>,
      %swap3A_559 = vector.shape_cast %swap3A_558 : vector<16xi32> to vector<16xi32>
      %swap3A_560 = vector.shape_cast %add3A_497 : vector<16xi32> to vector<16xi32>
      tpu.vector_store %arg5[%swap3A_557], %swap3A_560 {strides = array<i32>} : memref<16384xi32, #tpu.memory_space<vmem>>, vector<16xi32>,
    }
    %scan3A_35 = arith.constant 128 : i32
    %add3A_36 = arith.constant 16384 : i32
    %add3A_37 = arith.addi %mul3A_2, %add3A_36 : i32
    %dma_start3A_38 = arith.constant 0 : i32
    %dma_start3A_39 = tpu.memref_slice %arg2[%dma_start3A_38, %add3A_37] : memref<2x8388608xi32, #tpu.memory_space<hbm>> -> memref<1x16384xi32, #tpu.memory_space<hbm>>
    %dma_start3A_40 = tpu.memref_squeeze %dma_start3A_39 : memref<1x16384xi32, #tpu.memory_space<hbm>> -> memref<16384xi32, #tpu.memory_space<hbm>>
    %dma_start3A_41 = tpu.memref_slice %arg2[%dma_start3A_38, %add3A_37] : memref<2x8388608xi32, #tpu.memory_space<hbm>> -> memref<1x16384xi32, #tpu.memory_space<hbm>>
    %dma_start3A_42 = tpu.memref_squeeze %dma_start3A_41 : memref<1x16384xi32, #tpu.memory_space<hbm>> -> memref<16384xi32, #tpu.memory_space<hbm>>
    tpu.enqueue_dma source(%arg5 : memref<16384xi32, #tpu.memory_space<vmem>>) target(%dma_start3A_42 : memref<16384xi32, #tpu.memory_space<hbm>>) target_semaphore(%arg7 : memref<!tpu.dma_semaphore, #tpu.memory_space<semaphore_mem>>)
    %add3A_43 = arith.constant 16384 : i32
    %add3A_44 = arith.addi %mul3A_2, %add3A_43 : i32
    %dma_start3A_45 = arith.constant 1 : i32
    %dma_start3A_46 = tpu.memref_slice %arg2[%dma_start3A_45, %add3A_44] : memref<2x8388608xi32, #tpu.memory_space<hbm>> -> memref<1x16384xi32, #tpu.memory_space<hbm>>
    %dma_start3A_47 = tpu.memref_squeeze %dma_start3A_46 : memref<1x16384xi32, #tpu.memory_space<hbm>> -> memref<16384xi32, #tpu.memory_space<hbm>>
    %dma_start3A_48 = tpu.memref_slice %arg2[%dma_start3A_45, %add3A_44] : memref<2x8388608xi32, #tpu.memory_space<hbm>> -> memref<1x16384xi32, #tpu.memory_space<hbm>>
    %dma_start3A_49 = tpu.memref_squeeze %dma_start3A_48 : memref<1x16384xi32, #tpu.memory_space<hbm>> -> memref<16384xi32, #tpu.memory_space<hbm>>
    tpu.enqueue_dma source(%arg3 : memref<16384xi32, #tpu.memory_space<vmem>>) target(%dma_start3A_49 : memref<16384xi32, #tpu.memory_space<hbm>>) target_semaphore(%arg6 : memref<!tpu.dma_semaphore, #tpu.memory_space<semaphore_mem>>)
    %dma_wait3A = arith.constant 0 : i32
    %dma_wait3A_50 = tpu.memref_slice %arg2[%dma_wait3A, %add3A_18] : memref<2x8388608xi32, #tpu.memory_space<hbm>> -> memref<1x16384xi32, #tpu.memory_space<hbm>>
    %dma_wait3A_51 = tpu.memref_squeeze %dma_wait3A_50 : memref<1x16384xi32, #tpu.memory_space<hbm>> -> memref<16384xi32, #tpu.memory_space<hbm>>
    %dma_wait3A_52 = tpu.memref_slice %arg2[%dma_wait3A, %add3A_18] : memref<2x8388608xi32, #tpu.memory_space<hbm>> -> memref<1x16384xi32, #tpu.memory_space<hbm>>
    %dma_wait3A_53 = tpu.memref_squeeze %dma_wait3A_52 : memref<1x16384xi32, #tpu.memory_space<hbm>> -> memref<16384xi32, #tpu.memory_space<hbm>>
    tpu.wait_dma2 semaphore(%arg7 : memref<!tpu.dma_semaphore, #tpu.memory_space<semaphore_mem>>) src(%arg4 : memref<16384xi32, #tpu.memory_space<vmem>>) dst(%dma_wait3A_53 : memref<16384xi32, #tpu.memory_space<hbm>>)
    %scan3A_54 = arith.constant 0 : i32
    %scan3A_55 = arith.constant 0 : i32
    %scan3A_56 = arith.constant 128 : i32
    %scan3A_57 = arith.addi %scan3A_55, %scan3A_56 : i32
    %scan3A_58 = arith.constant 1 : i32
    scf.for %scan3A_489 = %scan3A_55 to %scan3A_57 step %scan3A_58  : i32 {
      %add3A_490 = arith.constant 16 : i32
      %add3A_491 = arith.addi %shift_right_arithmetic3A_10, %add3A_490 : i32
      %shift_right_arithmetic3A_492 = arith.constant 4 : i32
      %shift_right_arithmetic3A_493 = arith.shrsi %scan3A_489, %shift_right_arithmetic3A_492 : i32
      %add3A_494 = arith.addi %add3A_491, %shift_right_arithmetic3A_493 : i32
      %broadcast_in_dim3A = arith.constant 0 : i32
      %broadcast_in_dim3A_495 = vector.broadcast %broadcast_in_dim3A : i32 to vector<16xi32>
      %add3A_496 = vector.broadcast %add3A_494 : i32 to vector<16xi32>
      %add3A_497 = arith.addi %broadcast_in_dim3A_495, %add3A_496 : vector<16xi32>
      %mul3A_498 = arith.constant 128 : i32
      %mul3A_499 = arith.muli %scan3A_489, %mul3A_498 : i32
      %add3A_500 = arith.constant 0 : i32
      %add3A_501 = arith.addi %mul3A_499, %add3A_500 : i32
      %swap3A = arith.index_cast %add3A_501 : i32 to index
      %swap3A_502 = tpu.vector_load %arg4[%swap3A] {strides = array<i32>} : memref<16384xi32, #tpu.memory_space<vmem>>, vector<16xi32>,
      %swap3A_503 = vector.shape_cast %swap3A_502 : vector<16xi32> to vector<16xi32>
      %swap3A_504 = vector.shape_cast %add3A_497 : vector<16xi32> to vector<16xi32>
      tpu.vector_store %arg4[%swap3A], %swap3A_504 {strides = array<i32>} : memref<16384xi32, #tpu.memory_space<vmem>>, vector<16xi32>,
      %mul3A_505 = arith.constant 128 : i32
      %mul3A_506 = arith.muli %scan3A_489, %mul3A_505 : i32
      %add3A_507 = arith.constant 16 : i32
      %add3A_508 = arith.addi %mul3A_506, %add3A_507 : i32
      %swap3A_509 = arith.index_cast %add3A_508 : i32 to index
      %swap3A_510 = tpu.vector_load %arg4[%swap3A_509] {strides = array<i32>} : memref<16384xi32, #tpu.memory_space<vmem>>, vector<16xi32>,
      %swap3A_511 = vector.shape_cast %swap3A_510 : vector<16xi32> to vector<16xi32>
      %swap3A_512 = vector.shape_cast %add3A_497 : vector<16xi32> to vector<16xi32>
      tpu.vector_store %arg4[%swap3A_509], %swap3A_512 {strides = array<i32>} : memref<16384xi32, #tpu.memory_space<vmem>>, vector<16xi32>,
      %mul3A_513 = arith.constant 128 : i32
      %mul3A_514 = arith.muli %scan3A_489, %mul3A_513 : i32
      %add3A_515 = arith.constant 32 : i32
      %add3A_516 = arith.addi %mul3A_514, %add3A_515 : i32
      %swap3A_517 = arith.index_cast %add3A_516 : i32 to index
      %swap3A_518 = tpu.vector_load %arg4[%swap3A_517] {strides = array<i32>} : memref<16384xi32, #tpu.memory_space<vmem>>, vector<16xi32>,
      %swap3A_519 = vector.shape_cast %swap3A_518 : vector<16xi32> to vector<16xi32>
      %swap3A_520 = vector.shape_cast %add3A_497 : vector<16xi32> to vector<16xi32>
      tpu.vector_store %arg4[%swap3A_517], %swap3A_520 {strides = array<i32>} : memref<16384xi32, #tpu.memory_space<vmem>>, vector<16xi32>,
      %mul3A_521 = arith.constant 128 : i32
      %mul3A_522 = arith.muli %scan3A_489, %mul3A_521 : i32
      %add3A_523 = arith.constant 48 : i32
      %add3A_524 = arith.addi %mul3A_522, %add3A_523 : i32
      %swap3A_525 = arith.index_cast %add3A_524 : i32 to index
      %swap3A_526 = tpu.vector_load %arg4[%swap3A_525] {strides = array<i32>} : memref<16384xi32, #tpu.memory_space<vmem>>, vector<16xi32>,
      %swap3A_527 = vector.shape_cast %swap3A_526 : vector<16xi32> to vector<16xi32>
      %swap3A_528 = vector.shape_cast %add3A_497 : vector<16xi32> to vector<16xi32>
      tpu.vector_store %arg4[%swap3A_525], %swap3A_528 {strides = array<i32>} : memref<16384xi32, #tpu.memory_space<vmem>>, vector<16xi32>,
      %mul3A_529 = arith.constant 128 : i32
      %mul3A_530 = arith.muli %scan3A_489, %mul3A_529 : i32
      %add3A_531 = arith.constant 64 : i32
      %add3A_532 = arith.addi %mul3A_530, %add3A_531 : i32
      %swap3A_533 = arith.index_cast %add3A_532 : i32 to index
      %swap3A_534 = tpu.vector_load %arg4[%swap3A_533] {strides = array<i32>} : memref<16384xi32, #tpu.memory_space<vmem>>, vector<16xi32>,
      %swap3A_535 = vector.shape_cast %swap3A_534 : vector<16xi32> to vector<16xi32>
      %swap3A_536 = vector.shape_cast %add3A_497 : vector<16xi32> to vector<16xi32>
      tpu.vector_store %arg4[%swap3A_533], %swap3A_536 {strides = array<i32>} : memref<16384xi32, #tpu.memory_space<vmem>>, vector<16xi32>,
      %mul3A_537 = arith.constant 128 : i32
      %mul3A_538 = arith.muli %scan3A_489, %mul3A_537 : i32
      %add3A_539 = arith.constant 80 : i32
      %add3A_540 = arith.addi %mul3A_538, %add3A_539 : i32
      %swap3A_541 = arith.index_cast %add3A_540 : i32 to index
      %swap3A_542 = tpu.vector_load %arg4[%swap3A_541] {strides = array<i32>} : memref<16384xi32, #tpu.memory_space<vmem>>, vector<16xi32>,
      %swap3A_543 = vector.shape_cast %swap3A_542 : vector<16xi32> to vector<16xi32>
      %swap3A_544 = vector.shape_cast %add3A_497 : vector<16xi32> to vector<16xi32>
      tpu.vector_store %arg4[%swap3A_541], %swap3A_544 {strides = array<i32>} : memref<16384xi32, #tpu.memory_space<vmem>>, vector<16xi32>,
      %mul3A_545 = arith.constant 128 : i32
      %mul3A_546 = arith.muli %scan3A_489, %mul3A_545 : i32
      %add3A_547 = arith.constant 96 : i32
      %add3A_548 = arith.addi %mul3A_546, %add3A_547 : i32
      %swap3A_549 = arith.index_cast %add3A_548 : i32 to index
      %swap3A_550 = tpu.vector_load %arg4[%swap3A_549] {strides = array<i32>} : memref<16384xi32, #tpu.memory_space<vmem>>, vector<16xi32>,
      %swap3A_551 = vector.shape_cast %swap3A_550 : vector<16xi32> to vector<16xi32>
      %swap3A_552 = vector.shape_cast %add3A_497 : vector<16xi32> to vector<16xi32>
      tpu.vector_store %arg4[%swap3A_549], %swap3A_552 {strides = array<i32>} : memref<16384xi32, #tpu.memory_space<vmem>>, vector<16xi32>,
      %mul3A_553 = arith.constant 128 : i32
      %mul3A_554 = arith.muli %scan3A_489, %mul3A_553 : i32
      %add3A_555 = arith.constant 112 : i32
      %add3A_556 = arith.addi %mul3A_554, %add3A_555 : i32
      %swap3A_557 = arith.index_cast %add3A_556 : i32 to index
      %swap3A_558 = tpu.vector_load %arg4[%swap3A_557] {strides = array<i32>} : memref<16384xi32, #tpu.memory_space<vmem>>, vector<16xi32>,
      %swap3A_559 = vector.shape_cast %swap3A_558 : vector<16xi32> to vector<16xi32>
      %swap3A_560 = vector.shape_cast %add3A_497 : vector<16xi32> to vector<16xi32>
      tpu.vector_store %arg4[%swap3A_557], %swap3A_560 {strides = array<i32>} : memref<16384xi32, #tpu.memory_space<vmem>>, vector<16xi32>,
    }
    %scan3A_59 = arith.constant 128 : i32
    %add3A_60 = arith.constant 32768 : i32
    %add3A_61 = arith.addi %mul3A_2, %add3A_60 : i32
    %dma_start3A_62 = arith.constant 0 : i32
    %dma_start3A_63 = tpu.memref_slice %arg2[%dma_start3A_62, %add3A_61] : memref<2x8388608xi32, #tpu.memory_space<hbm>> -> memref<1x16384xi32, #tpu.memory_space<hbm>>
    %dma_start3A_64 = tpu.memref_squeeze %dma_start3A_63 : memref<1x16384xi32, #tpu.memory_space<hbm>> -> memref<16384xi32, #tpu.memory_space<hbm>>
    %dma_start3A_65 = tpu.memref_slice %arg2[%dma_start3A_62, %add3A_61] : memref<2x8388608xi32, #tpu.memory_space<hbm>> -> memref<1x16384xi32, #tpu.memory_space<hbm>>
    %dma_start3A_66 = tpu.memref_squeeze %dma_start3A_65 : memref<1x16384xi32, #tpu.memory_space<hbm>> -> memref<16384xi32, #tpu.memory_space<hbm>>
    tpu.enqueue_dma source(%arg4 : memref<16384xi32, #tpu.memory_space<vmem>>) target(%dma_start3A_66 : memref<16384xi32, #tpu.memory_space<hbm>>) target_semaphore(%arg7 : memref<!tpu.dma_semaphore, #tpu.memory_space<semaphore_mem>>)
    %add3A_67 = arith.constant 32768 : i32
    %add3A_68 = arith.addi %mul3A_2, %add3A_67 : i32
    %dma_start3A_69 = arith.constant 1 : i32
    %dma_start3A_70 = tpu.memref_slice %arg2[%dma_start3A_69, %add3A_68] : memref<2x8388608xi32, #tpu.memory_space<hbm>> -> memref<1x16384xi32, #tpu.memory_space<hbm>>
    %dma_start3A_71 = tpu.memref_squeeze %dma_start3A_70 : memref<1x16384xi32, #tpu.memory_space<hbm>> -> memref<16384xi32, #tpu.memory_space<hbm>>
    %dma_start3A_72 = tpu.memref_slice %arg2[%dma_start3A_69, %add3A_68] : memref<2x8388608xi32, #tpu.memory_space<hbm>> -> memref<1x16384xi32, #tpu.memory_space<hbm>>
    %dma_start3A_73 = tpu.memref_squeeze %dma_start3A_72 : memref<1x16384xi32, #tpu.memory_space<hbm>> -> memref<16384xi32, #tpu.memory_space<hbm>>
    tpu.enqueue_dma source(%arg3 : memref<16384xi32, #tpu.memory_space<vmem>>) target(%dma_start3A_73 : memref<16384xi32, #tpu.memory_space<hbm>>) target_semaphore(%arg6 : memref<!tpu.dma_semaphore, #tpu.memory_space<semaphore_mem>>)
    %dma_wait3A_74 = arith.constant 0 : i32
    %dma_wait3A_75 = tpu.memref_slice %arg2[%dma_wait3A_74, %add3A_37] : memref<2x8388608xi32, #tpu.memory_space<hbm>> -> memref<1x16384xi32, #tpu.memory_space<hbm>>
    %dma_wait3A_76 = tpu.memref_squeeze %dma_wait3A_75 : memref<1x16384xi32, #tpu.memory_space<hbm>> -> memref<16384xi32, #tpu.memory_space<hbm>>
    %dma_wait3A_77 = tpu.memref_slice %arg2[%dma_wait3A_74, %add3A_37] : memref<2x8388608xi32, #tpu.memory_space<hbm>> -> memref<1x16384xi32, #tpu.memory_space<hbm>>
    %dma_wait3A_78 = tpu.memref_squeeze %dma_wait3A_77 : memref<1x16384xi32, #tpu.memory_space<hbm>> -> memref<16384xi32, #tpu.memory_space<hbm>>
    tpu.wait_dma2 semaphore(%arg7 : memref<!tpu.dma_semaphore, #tpu.memory_space<semaphore_mem>>) src(%arg5 : memref<16384xi32, #tpu.memory_space<vmem>>) dst(%dma_wait3A_78 : memref<16384xi32, #tpu.memory_space<hbm>>)
    %scan3A_79 = arith.constant 0 : i32
    %scan3A_80 = arith.constant 0 : i32
    %scan3A_81 = arith.constant 128 : i32
    %scan3A_82 = arith.addi %scan3A_80, %scan3A_81 : i32
    %scan3A_83 = arith.constant 1 : i32
    scf.for %scan3A_489 = %scan3A_80 to %scan3A_82 step %scan3A_83  : i32 {
      %add3A_490 = arith.constant 24 : i32
      %add3A_491 = arith.addi %shift_right_arithmetic3A_10, %add3A_490 : i32
      %shift_right_arithmetic3A_492 = arith.constant 4 : i32
      %shift_right_arithmetic3A_493 = arith.shrsi %scan3A_489, %shift_right_arithmetic3A_492 : i32
      %add3A_494 = arith.addi %add3A_491, %shift_right_arithmetic3A_493 : i32
      %broadcast_in_dim3A = arith.constant 0 : i32
      %broadcast_in_dim3A_495 = vector.broadcast %broadcast_in_dim3A : i32 to vector<16xi32>
      %add3A_496 = vector.broadcast %add3A_494 : i32 to vector<16xi32>
      %add3A_497 = arith.addi %broadcast_in_dim3A_495, %add3A_496 : vector<16xi32>
      %mul3A_498 = arith.constant 128 : i32
      %mul3A_499 = arith.muli %scan3A_489, %mul3A_498 : i32
      %add3A_500 = arith.constant 0 : i32
      %add3A_501 = arith.addi %mul3A_499, %add3A_500 : i32
      %swap3A = arith.index_cast %add3A_501 : i32 to index
      %swap3A_502 = tpu.vector_load %arg5[%swap3A] {strides = array<i32>} : memref<16384xi32, #tpu.memory_space<vmem>>, vector<16xi32>,
      %swap3A_503 = vector.shape_cast %swap3A_502 : vector<16xi32> to vector<16xi32>
      %swap3A_504 = vector.shape_cast %add3A_497 : vector<16xi32> to vector<16xi32>
      tpu.vector_store %arg5[%swap3A], %swap3A_504 {strides = array<i32>} : memref<16384xi32, #tpu.memory_space<vmem>>, vector<16xi32>,
      %mul3A_505 = arith.constant 128 : i32
      %mul3A_506 = arith.muli %scan3A_489, %mul3A_505 : i32
      %add3A_507 = arith.constant 16 : i32
      %add3A_508 = arith.addi %mul3A_506, %add3A_507 : i32
      %swap3A_509 = arith.index_cast %add3A_508 : i32 to index
      %swap3A_510 = tpu.vector_load %arg5[%swap3A_509] {strides = array<i32>} : memref<16384xi32, #tpu.memory_space<vmem>>, vector<16xi32>,
      %swap3A_511 = vector.shape_cast %swap3A_510 : vector<16xi32> to vector<16xi32>
      %swap3A_512 = vector.shape_cast %add3A_497 : vector<16xi32> to vector<16xi32>
      tpu.vector_store %arg5[%swap3A_509], %swap3A_512 {strides = array<i32>} : memref<16384xi32, #tpu.memory_space<vmem>>, vector<16xi32>,
      %mul3A_513 = arith.constant 128 : i32
      %mul3A_514 = arith.muli %scan3A_489, %mul3A_513 : i32
      %add3A_515 = arith.constant 32 : i32
      %add3A_516 = arith.addi %mul3A_514, %add3A_515 : i32
      %swap3A_517 = arith.index_cast %add3A_516 : i32 to index
      %swap3A_518 = tpu.vector_load %arg5[%swap3A_517] {strides = array<i32>} : memref<16384xi32, #tpu.memory_space<vmem>>, vector<16xi32>,
      %swap3A_519 = vector.shape_cast %swap3A_518 : vector<16xi32> to vector<16xi32>
      %swap3A_520 = vector.shape_cast %add3A_497 : vector<16xi32> to vector<16xi32>
      tpu.vector_store %arg5[%swap3A_517], %swap3A_520 {strides = array<i32>} : memref<16384xi32, #tpu.memory_space<vmem>>, vector<16xi32>,
      %mul3A_521 = arith.constant 128 : i32
      %mul3A_522 = arith.muli %scan3A_489, %mul3A_521 : i32
      %add3A_523 = arith.constant 48 : i32
      %add3A_524 = arith.addi %mul3A_522, %add3A_523 : i32
      %swap3A_525 = arith.index_cast %add3A_524 : i32 to index
      %swap3A_526 = tpu.vector_load %arg5[%swap3A_525] {strides = array<i32>} : memref<16384xi32, #tpu.memory_space<vmem>>, vector<16xi32>,
      %swap3A_527 = vector.shape_cast %swap3A_526 : vector<16xi32> to vector<16xi32>
      %swap3A_528 = vector.shape_cast %add3A_497 : vector<16xi32> to vector<16xi32>
      tpu.vector_store %arg5[%swap3A_525], %swap3A_528 {strides = array<i32>} : memref<16384xi32, #tpu.memory_space<vmem>>, vector<16xi32>,
      %mul3A_529 = arith.constant 128 : i32
      %mul3A_530 = arith.muli %scan3A_489, %mul3A_529 : i32
      %add3A_531 = arith.constant 64 : i32
      %add3A_532 = arith.addi %mul3A_530, %add3A_531 : i32
      %swap3A_533 = arith.index_cast %add3A_532 : i32 to index
      %swap3A_534 = tpu.vector_load %arg5[%swap3A_533] {strides = array<i32>} : memref<16384xi32, #tpu.memory_space<vmem>>, vector<16xi32>,
      %swap3A_535 = vector.shape_cast %swap3A_534 : vector<16xi32> to vector<16xi32>
      %swap3A_536 = vector.shape_cast %add3A_497 : vector<16xi32> to vector<16xi32>
      tpu.vector_store %arg5[%swap3A_533], %swap3A_536 {strides = array<i32>} : memref<16384xi32, #tpu.memory_space<vmem>>, vector<16xi32>,
      %mul3A_537 = arith.constant 128 : i32
      %mul3A_538 = arith.muli %scan3A_489, %mul3A_537 : i32
      %add3A_539 = arith.constant 80 : i32
      %add3A_540 = arith.addi %mul3A_538, %add3A_539 : i32
      %swap3A_541 = arith.index_cast %add3A_540 : i32 to index
      %swap3A_542 = tpu.vector_load %arg5[%swap3A_541] {strides = array<i32>} : memref<16384xi32, #tpu.memory_space<vmem>>, vector<16xi32>,
      %swap3A_543 = vector.shape_cast %swap3A_542 : vector<16xi32> to vector<16xi32>
      %swap3A_544 = vector.shape_cast %add3A_497 : vector<16xi32> to vector<16xi32>
      tpu.vector_store %arg5[%swap3A_541], %swap3A_544 {strides = array<i32>} : memref<16384xi32, #tpu.memory_space<vmem>>, vector<16xi32>,
      %mul3A_545 = arith.constant 128 : i32
      %mul3A_546 = arith.muli %scan3A_489, %mul3A_545 : i32
      %add3A_547 = arith.constant 96 : i32
      %add3A_548 = arith.addi %mul3A_546, %add3A_547 : i32
      %swap3A_549 = arith.index_cast %add3A_548 : i32 to index
      %swap3A_550 = tpu.vector_load %arg5[%swap3A_549] {strides = array<i32>} : memref<16384xi32, #tpu.memory_space<vmem>>, vector<16xi32>,
      %swap3A_551 = vector.shape_cast %swap3A_550 : vector<16xi32> to vector<16xi32>
      %swap3A_552 = vector.shape_cast %add3A_497 : vector<16xi32> to vector<16xi32>
      tpu.vector_store %arg5[%swap3A_549], %swap3A_552 {strides = array<i32>} : memref<16384xi32, #tpu.memory_space<vmem>>, vector<16xi32>,
      %mul3A_553 = arith.constant 128 : i32
      %mul3A_554 = arith.muli %scan3A_489, %mul3A_553 : i32
      %add3A_555 = arith.constant 112 : i32
      %add3A_556 = arith.addi %mul3A_554, %add3A_555 : i32
      %swap3A_557 = arith.index_cast %add3A_556 : i32 to index
      %swap3A_558 = tpu.vector_load %arg5[%swap3A_557] {strides = array<i32>} : memref<16384xi32, #tpu.memory_space<vmem>>, vector<16xi32>,
      %swap3A_559 = vector.shape_cast %swap3A_558 : vector<16xi32> to vector<16xi32>
      %swap3A_560 = vector.shape_cast %add3A_497 : vector<16xi32> to vector<16xi32>
      tpu.vector_store %arg5[%swap3A_557], %swap3A_560 {strides = array<i32>} : memref<16384xi32, #tpu.memory_space<vmem>>, vector<16xi32>,
    }
    %scan3A_84 = arith.constant 128 : i32
    %add3A_85 = arith.constant 49152 : i32
    %add3A_86 = arith.addi %mul3A_2, %add3A_85 : i32
    %dma_start3A_87 = arith.constant 0 : i32
    %dma_start3A_88 = tpu.memref_slice %arg2[%dma_start3A_87, %add3A_86] : memref<2x8388608xi32, #tpu.memory_space<hbm>> -> memref<1x16384xi32, #tpu.memory_space<hbm>>
    %dma_start3A_89 = tpu.memref_squeeze %dma_start3A_88 : memref<1x16384xi32, #tpu.memory_space<hbm>> -> memref<16384xi32, #tpu.memory_space<hbm>>
    %dma_start3A_90 = tpu.memref_slice %arg2[%dma_start3A_87, %add3A_86] : memref<2x8388608xi32, #tpu.memory_space<hbm>> -> memref<1x16384xi32, #tpu.memory_space<hbm>>
    %dma_start3A_91 = tpu.memref_squeeze %dma_start3A_90 : memref<1x16384xi32, #tpu.memory_space<hbm>> -> memref<16384xi32, #tpu.memory_space<hbm>>
    tpu.enqueue_dma source(%arg5 : memref<16384xi32, #tpu.memory_space<vmem>>) target(%dma_start3A_91 : memref<16384xi32, #tpu.memory_space<hbm>>) target_semaphore(%arg7 : memref<!tpu.dma_semaphore, #tpu.memory_space<semaphore_mem>>)
    %add3A_92 = arith.constant 49152 : i32
    %add3A_93 = arith.addi %mul3A_2, %add3A_92 : i32
    %dma_start3A_94 = arith.constant 1 : i32
    %dma_start3A_95 = tpu.memref_slice %arg2[%dma_start3A_94, %add3A_93] : memref<2x8388608xi32, #tpu.memory_space<hbm>> -> memref<1x16384xi32, #tpu.memory_space<hbm>>
    %dma_start3A_96 = tpu.memref_squeeze %dma_start3A_95 : memref<1x16384xi32, #tpu.memory_space<hbm>> -> memref<16384xi32, #tpu.memory_space<hbm>>
    %dma_start3A_97 = tpu.memref_slice %arg2[%dma_start3A_94, %add3A_93] : memref<2x8388608xi32, #tpu.memory_space<hbm>> -> memref<1x16384xi32, #tpu.memory_space<hbm>>
    %dma_start3A_98 = tpu.memref_squeeze %dma_start3A_97 : memref<1x16384xi32, #tpu.memory_space<hbm>> -> memref<16384xi32, #tpu.memory_space<hbm>>
    tpu.enqueue_dma source(%arg3 : memref<16384xi32, #tpu.memory_space<vmem>>) target(%dma_start3A_98 : memref<16384xi32, #tpu.memory_space<hbm>>) target_semaphore(%arg6 : memref<!tpu.dma_semaphore, #tpu.memory_space<semaphore_mem>>)
    %dma_wait3A_99 = arith.constant 0 : i32
    %dma_wait3A_100 = tpu.memref_slice %arg2[%dma_wait3A_99, %add3A_61] : memref<2x8388608xi32, #tpu.memory_space<hbm>> -> memref<1x16384xi32, #tpu.memory_space<hbm>>
    %dma_wait3A_101 = tpu.memref_squeeze %dma_wait3A_100 : memref<1x16384xi32, #tpu.memory_space<hbm>> -> memref<16384xi32, #tpu.memory_space<hbm>>
    %dma_wait3A_102 = tpu.memref_slice %arg2[%dma_wait3A_99, %add3A_61] : memref<2x8388608xi32, #tpu.memory_space<hbm>> -> memref<1x16384xi32, #tpu.memory_space<hbm>>
    %dma_wait3A_103 = tpu.memref_squeeze %dma_wait3A_102 : memref<1x16384xi32, #tpu.memory_space<hbm>> -> memref<16384xi32, #tpu.memory_space<hbm>>
    tpu.wait_dma2 semaphore(%arg7 : memref<!tpu.dma_semaphore, #tpu.memory_space<semaphore_mem>>) src(%arg4 : memref<16384xi32, #tpu.memory_space<vmem>>) dst(%dma_wait3A_103 : memref<16384xi32, #tpu.memory_space<hbm>>)
    %scan3A_104 = arith.constant 0 : i32
    %scan3A_105 = arith.constant 0 : i32
    %scan3A_106 = arith.constant 128 : i32
    %scan3A_107 = arith.addi %scan3A_105, %scan3A_106 : i32
    %scan3A_108 = arith.constant 1 : i32
    scf.for %scan3A_489 = %scan3A_105 to %scan3A_107 step %scan3A_108  : i32 {
      %add3A_490 = arith.constant 32 : i32
      %add3A_491 = arith.addi %shift_right_arithmetic3A_10, %add3A_490 : i32
      %shift_right_arithmetic3A_492 = arith.constant 4 : i32
      %shift_right_arithmetic3A_493 = arith.shrsi %scan3A_489, %shift_right_arithmetic3A_492 : i32
      %add3A_494 = arith.addi %add3A_491, %shift_right_arithmetic3A_493 : i32
      %broadcast_in_dim3A = arith.constant 0 : i32
      %broadcast_in_dim3A_495 = vector.broadcast %broadcast_in_dim3A : i32 to vector<16xi32>
      %add3A_496 = vector.broadcast %add3A_494 : i32 to vector<16xi32>
      %add3A_497 = arith.addi %broadcast_in_dim3A_495, %add3A_496 : vector<16xi32>
      %mul3A_498 = arith.constant 128 : i32
      %mul3A_499 = arith.muli %scan3A_489, %mul3A_498 : i32
      %add3A_500 = arith.constant 0 : i32
      %add3A_501 = arith.addi %mul3A_499, %add3A_500 : i32
      %swap3A = arith.index_cast %add3A_501 : i32 to index
      %swap3A_502 = tpu.vector_load %arg4[%swap3A] {strides = array<i32>} : memref<16384xi32, #tpu.memory_space<vmem>>, vector<16xi32>,
      %swap3A_503 = vector.shape_cast %swap3A_502 : vector<16xi32> to vector<16xi32>
      %swap3A_504 = vector.shape_cast %add3A_497 : vector<16xi32> to vector<16xi32>
      tpu.vector_store %arg4[%swap3A], %swap3A_504 {strides = array<i32>} : memref<16384xi32, #tpu.memory_space<vmem>>, vector<16xi32>,
      %mul3A_505 = arith.constant 128 : i32
      %mul3A_506 = arith.muli %scan3A_489, %mul3A_505 : i32
      %add3A_507 = arith.constant 16 : i32
      %add3A_508 = arith.addi %mul3A_506, %add3A_507 : i32
      %swap3A_509 = arith.index_cast %add3A_508 : i32 to index
      %swap3A_510 = tpu.vector_load %arg4[%swap3A_509] {strides = array<i32>} : memref<16384xi32, #tpu.memory_space<vmem>>, vector<16xi32>,
      %swap3A_511 = vector.shape_cast %swap3A_510 : vector<16xi32> to vector<16xi32>
      %swap3A_512 = vector.shape_cast %add3A_497 : vector<16xi32> to vector<16xi32>
      tpu.vector_store %arg4[%swap3A_509], %swap3A_512 {strides = array<i32>} : memref<16384xi32, #tpu.memory_space<vmem>>, vector<16xi32>,
      %mul3A_513 = arith.constant 128 : i32
      %mul3A_514 = arith.muli %scan3A_489, %mul3A_513 : i32
      %add3A_515 = arith.constant 32 : i32
      %add3A_516 = arith.addi %mul3A_514, %add3A_515 : i32
      %swap3A_517 = arith.index_cast %add3A_516 : i32 to index
      %swap3A_518 = tpu.vector_load %arg4[%swap3A_517] {strides = array<i32>} : memref<16384xi32, #tpu.memory_space<vmem>>, vector<16xi32>,
      %swap3A_519 = vector.shape_cast %swap3A_518 : vector<16xi32> to vector<16xi32>
      %swap3A_520 = vector.shape_cast %add3A_497 : vector<16xi32> to vector<16xi32>
      tpu.vector_store %arg4[%swap3A_517], %swap3A_520 {strides = array<i32>} : memref<16384xi32, #tpu.memory_space<vmem>>, vector<16xi32>,
      %mul3A_521 = arith.constant 128 : i32
      %mul3A_522 = arith.muli %scan3A_489, %mul3A_521 : i32
      %add3A_523 = arith.constant 48 : i32
      %add3A_524 = arith.addi %mul3A_522, %add3A_523 : i32
      %swap3A_525 = arith.index_cast %add3A_524 : i32 to index
      %swap3A_526 = tpu.vector_load %arg4[%swap3A_525] {strides = array<i32>} : memref<16384xi32, #tpu.memory_space<vmem>>, vector<16xi32>,
      %swap3A_527 = vector.shape_cast %swap3A_526 : vector<16xi32> to vector<16xi32>
      %swap3A_528 = vector.shape_cast %add3A_497 : vector<16xi32> to vector<16xi32>
      tpu.vector_store %arg4[%swap3A_525], %swap3A_528 {strides = array<i32>} : memref<16384xi32, #tpu.memory_space<vmem>>, vector<16xi32>,
      %mul3A_529 = arith.constant 128 : i32
      %mul3A_530 = arith.muli %scan3A_489, %mul3A_529 : i32
      %add3A_531 = arith.constant 64 : i32
      %add3A_532 = arith.addi %mul3A_530, %add3A_531 : i32
      %swap3A_533 = arith.index_cast %add3A_532 : i32 to index
      %swap3A_534 = tpu.vector_load %arg4[%swap3A_533] {strides = array<i32>} : memref<16384xi32, #tpu.memory_space<vmem>>, vector<16xi32>,
      %swap3A_535 = vector.shape_cast %swap3A_534 : vector<16xi32> to vector<16xi32>
      %swap3A_536 = vector.shape_cast %add3A_497 : vector<16xi32> to vector<16xi32>
      tpu.vector_store %arg4[%swap3A_533], %swap3A_536 {strides = array<i32>} : memref<16384xi32, #tpu.memory_space<vmem>>, vector<16xi32>,
      %mul3A_537 = arith.constant 128 : i32
      %mul3A_538 = arith.muli %scan3A_489, %mul3A_537 : i32
      %add3A_539 = arith.constant 80 : i32
      %add3A_540 = arith.addi %mul3A_538, %add3A_539 : i32
      %swap3A_541 = arith.index_cast %add3A_540 : i32 to index
      %swap3A_542 = tpu.vector_load %arg4[%swap3A_541] {strides = array<i32>} : memref<16384xi32, #tpu.memory_space<vmem>>, vector<16xi32>,
      %swap3A_543 = vector.shape_cast %swap3A_542 : vector<16xi32> to vector<16xi32>
      %swap3A_544 = vector.shape_cast %add3A_497 : vector<16xi32> to vector<16xi32>
      tpu.vector_store %arg4[%swap3A_541], %swap3A_544 {strides = array<i32>} : memref<16384xi32, #tpu.memory_space<vmem>>, vector<16xi32>,
      %mul3A_545 = arith.constant 128 : i32
      %mul3A_546 = arith.muli %scan3A_489, %mul3A_545 : i32
      %add3A_547 = arith.constant 96 : i32
      %add3A_548 = arith.addi %mul3A_546, %add3A_547 : i32
      %swap3A_549 = arith.index_cast %add3A_548 : i32 to index
      %swap3A_550 = tpu.vector_load %arg4[%swap3A_549] {strides = array<i32>} : memref<16384xi32, #tpu.memory_space<vmem>>, vector<16xi32>,
      %swap3A_551 = vector.shape_cast %swap3A_550 : vector<16xi32> to vector<16xi32>
      %swap3A_552 = vector.shape_cast %add3A_497 : vector<16xi32> to vector<16xi32>
      tpu.vector_store %arg4[%swap3A_549], %swap3A_552 {strides = array<i32>} : memref<16384xi32, #tpu.memory_space<vmem>>, vector<16xi32>,
      %mul3A_553 = arith.constant 128 : i32
      %mul3A_554 = arith.muli %scan3A_489, %mul3A_553 : i32
      %add3A_555 = arith.constant 112 : i32
      %add3A_556 = arith.addi %mul3A_554, %add3A_555 : i32
      %swap3A_557 = arith.index_cast %add3A_556 : i32 to index
      %swap3A_558 = tpu.vector_load %arg4[%swap3A_557] {strides = array<i32>} : memref<16384xi32, #tpu.memory_space<vmem>>, vector<16xi32>,
      %swap3A_559 = vector.shape_cast %swap3A_558 : vector<16xi32> to vector<16xi32>
      %swap3A_560 = vector.shape_cast %add3A_497 : vector<16xi32> to vector<16xi32>
      tpu.vector_store %arg4[%swap3A_557], %swap3A_560 {strides = array<i32>} : memref<16384xi32, #tpu.memory_space<vmem>>, vector<16xi32>,
    }
    %scan3A_109 = arith.constant 128 : i32
    %add3A_110 = arith.constant 65536 : i32
    %add3A_111 = arith.addi %mul3A_2, %add3A_110 : i32
    %dma_start3A_112 = arith.constant 0 : i32
    %dma_start3A_113 = tpu.memref_slice %arg2[%dma_start3A_112, %add3A_111] : memref<2x8388608xi32, #tpu.memory_space<hbm>> -> memref<1x16384xi32, #tpu.memory_space<hbm>>
    %dma_start3A_114 = tpu.memref_squeeze %dma_start3A_113 : memref<1x16384xi32, #tpu.memory_space<hbm>> -> memref<16384xi32, #tpu.memory_space<hbm>>
    %dma_start3A_115 = tpu.memref_slice %arg2[%dma_start3A_112, %add3A_111] : memref<2x8388608xi32, #tpu.memory_space<hbm>> -> memref<1x16384xi32, #tpu.memory_space<hbm>>
    %dma_start3A_116 = tpu.memref_squeeze %dma_start3A_115 : memref<1x16384xi32, #tpu.memory_space<hbm>> -> memref<16384xi32, #tpu.memory_space<hbm>>
    tpu.enqueue_dma source(%arg4 : memref<16384xi32, #tpu.memory_space<vmem>>) target(%dma_start3A_116 : memref<16384xi32, #tpu.memory_space<hbm>>) target_semaphore(%arg7 : memref<!tpu.dma_semaphore, #tpu.memory_space<semaphore_mem>>)
    %add3A_117 = arith.constant 65536 : i32
    %add3A_118 = arith.addi %mul3A_2, %add3A_117 : i32
    %dma_start3A_119 = arith.constant 1 : i32
    %dma_start3A_120 = tpu.memref_slice %arg2[%dma_start3A_119, %add3A_118] : memref<2x8388608xi32, #tpu.memory_space<hbm>> -> memref<1x16384xi32, #tpu.memory_space<hbm>>
    %dma_start3A_121 = tpu.memref_squeeze %dma_start3A_120 : memref<1x16384xi32, #tpu.memory_space<hbm>> -> memref<16384xi32, #tpu.memory_space<hbm>>
    %dma_start3A_122 = tpu.memref_slice %arg2[%dma_start3A_119, %add3A_118] : memref<2x8388608xi32, #tpu.memory_space<hbm>> -> memref<1x16384xi32, #tpu.memory_space<hbm>>
    %dma_start3A_123 = tpu.memref_squeeze %dma_start3A_122 : memref<1x16384xi32, #tpu.memory_space<hbm>> -> memref<16384xi32, #tpu.memory_space<hbm>>
    tpu.enqueue_dma source(%arg3 : memref<16384xi32, #tpu.memory_space<vmem>>) target(%dma_start3A_123 : memref<16384xi32, #tpu.memory_space<hbm>>) target_semaphore(%arg6 : memref<!tpu.dma_semaphore, #tpu.memory_space<semaphore_mem>>)
    %dma_wait3A_124 = arith.constant 0 : i32
    %dma_wait3A_125 = tpu.memref_slice %arg2[%dma_wait3A_124, %add3A_86] : memref<2x8388608xi32, #tpu.memory_space<hbm>> -> memref<1x16384xi32, #tpu.memory_space<hbm>>
    %dma_wait3A_126 = tpu.memref_squeeze %dma_wait3A_125 : memref<1x16384xi32, #tpu.memory_space<hbm>> -> memref<16384xi32, #tpu.memory_space<hbm>>
    %dma_wait3A_127 = tpu.memref_slice %arg2[%dma_wait3A_124, %add3A_86] : memref<2x8388608xi32, #tpu.memory_space<hbm>> -> memref<1x16384xi32, #tpu.memory_space<hbm>>
    %dma_wait3A_128 = tpu.memref_squeeze %dma_wait3A_127 : memref<1x16384xi32, #tpu.memory_space<hbm>> -> memref<16384xi32, #tpu.memory_space<hbm>>
    tpu.wait_dma2 semaphore(%arg7 : memref<!tpu.dma_semaphore, #tpu.memory_space<semaphore_mem>>) src(%arg5 : memref<16384xi32, #tpu.memory_space<vmem>>) dst(%dma_wait3A_128 : memref<16384xi32, #tpu.memory_space<hbm>>)
    %scan3A_129 = arith.constant 0 : i32
    %scan3A_130 = arith.constant 0 : i32
    %scan3A_131 = arith.constant 128 : i32
    %scan3A_132 = arith.addi %scan3A_130, %scan3A_131 : i32
    %scan3A_133 = arith.constant 1 : i32
    scf.for %scan3A_489 = %scan3A_130 to %scan3A_132 step %scan3A_133  : i32 {
      %add3A_490 = arith.constant 40 : i32
      %add3A_491 = arith.addi %shift_right_arithmetic3A_10, %add3A_490 : i32
      %shift_right_arithmetic3A_492 = arith.constant 4 : i32
      %shift_right_arithmetic3A_493 = arith.shrsi %scan3A_489, %shift_right_arithmetic3A_492 : i32
      %add3A_494 = arith.addi %add3A_491, %shift_right_arithmetic3A_493 : i32
      %broadcast_in_dim3A = arith.constant 0 : i32
      %broadcast_in_dim3A_495 = vector.broadcast %broadcast_in_dim3A : i32 to vector<16xi32>
      %add3A_496 = vector.broadcast %add3A_494 : i32 to vector<16xi32>
      %add3A_497 = arith.addi %broadcast_in_dim3A_495, %add3A_496 : vector<16xi32>
      %mul3A_498 = arith.constant 128 : i32
      %mul3A_499 = arith.muli %scan3A_489, %mul3A_498 : i32
      %add3A_500 = arith.constant 0 : i32
      %add3A_501 = arith.addi %mul3A_499, %add3A_500 : i32
      %swap3A = arith.index_cast %add3A_501 : i32 to index
      %swap3A_502 = tpu.vector_load %arg5[%swap3A] {strides = array<i32>} : memref<16384xi32, #tpu.memory_space<vmem>>, vector<16xi32>,
      %swap3A_503 = vector.shape_cast %swap3A_502 : vector<16xi32> to vector<16xi32>
      %swap3A_504 = vector.shape_cast %add3A_497 : vector<16xi32> to vector<16xi32>
      tpu.vector_store %arg5[%swap3A], %swap3A_504 {strides = array<i32>} : memref<16384xi32, #tpu.memory_space<vmem>>, vector<16xi32>,
      %mul3A_505 = arith.constant 128 : i32
      %mul3A_506 = arith.muli %scan3A_489, %mul3A_505 : i32
      %add3A_507 = arith.constant 16 : i32
      %add3A_508 = arith.addi %mul3A_506, %add3A_507 : i32
      %swap3A_509 = arith.index_cast %add3A_508 : i32 to index
      %swap3A_510 = tpu.vector_load %arg5[%swap3A_509] {strides = array<i32>} : memref<16384xi32, #tpu.memory_space<vmem>>, vector<16xi32>,
      %swap3A_511 = vector.shape_cast %swap3A_510 : vector<16xi32> to vector<16xi32>
      %swap3A_512 = vector.shape_cast %add3A_497 : vector<16xi32> to vector<16xi32>
      tpu.vector_store %arg5[%swap3A_509], %swap3A_512 {strides = array<i32>} : memref<16384xi32, #tpu.memory_space<vmem>>, vector<16xi32>,
      %mul3A_513 = arith.constant 128 : i32
      %mul3A_514 = arith.muli %scan3A_489, %mul3A_513 : i32
      %add3A_515 = arith.constant 32 : i32
      %add3A_516 = arith.addi %mul3A_514, %add3A_515 : i32
      %swap3A_517 = arith.index_cast %add3A_516 : i32 to index
      %swap3A_518 = tpu.vector_load %arg5[%swap3A_517] {strides = array<i32>} : memref<16384xi32, #tpu.memory_space<vmem>>, vector<16xi32>,
      %swap3A_519 = vector.shape_cast %swap3A_518 : vector<16xi32> to vector<16xi32>
      %swap3A_520 = vector.shape_cast %add3A_497 : vector<16xi32> to vector<16xi32>
      tpu.vector_store %arg5[%swap3A_517], %swap3A_520 {strides = array<i32>} : memref<16384xi32, #tpu.memory_space<vmem>>, vector<16xi32>,
      %mul3A_521 = arith.constant 128 : i32
      %mul3A_522 = arith.muli %scan3A_489, %mul3A_521 : i32
      %add3A_523 = arith.constant 48 : i32
      %add3A_524 = arith.addi %mul3A_522, %add3A_523 : i32
      %swap3A_525 = arith.index_cast %add3A_524 : i32 to index
      %swap3A_526 = tpu.vector_load %arg5[%swap3A_525] {strides = array<i32>} : memref<16384xi32, #tpu.memory_space<vmem>>, vector<16xi32>,
      %swap3A_527 = vector.shape_cast %swap3A_526 : vector<16xi32> to vector<16xi32>
      %swap3A_528 = vector.shape_cast %add3A_497 : vector<16xi32> to vector<16xi32>
      tpu.vector_store %arg5[%swap3A_525], %swap3A_528 {strides = array<i32>} : memref<16384xi32, #tpu.memory_space<vmem>>, vector<16xi32>,
      %mul3A_529 = arith.constant 128 : i32
      %mul3A_530 = arith.muli %scan3A_489, %mul3A_529 : i32
      %add3A_531 = arith.constant 64 : i32
      %add3A_532 = arith.addi %mul3A_530, %add3A_531 : i32
      %swap3A_533 = arith.index_cast %add3A_532 : i32 to index
      %swap3A_534 = tpu.vector_load %arg5[%swap3A_533] {strides = array<i32>} : memref<16384xi32, #tpu.memory_space<vmem>>, vector<16xi32>,
      %swap3A_535 = vector.shape_cast %swap3A_534 : vector<16xi32> to vector<16xi32>
      %swap3A_536 = vector.shape_cast %add3A_497 : vector<16xi32> to vector<16xi32>
      tpu.vector_store %arg5[%swap3A_533], %swap3A_536 {strides = array<i32>} : memref<16384xi32, #tpu.memory_space<vmem>>, vector<16xi32>,
      %mul3A_537 = arith.constant 128 : i32
      %mul3A_538 = arith.muli %scan3A_489, %mul3A_537 : i32
      %add3A_539 = arith.constant 80 : i32
      %add3A_540 = arith.addi %mul3A_538, %add3A_539 : i32
      %swap3A_541 = arith.index_cast %add3A_540 : i32 to index
      %swap3A_542 = tpu.vector_load %arg5[%swap3A_541] {strides = array<i32>} : memref<16384xi32, #tpu.memory_space<vmem>>, vector<16xi32>,
      %swap3A_543 = vector.shape_cast %swap3A_542 : vector<16xi32> to vector<16xi32>
      %swap3A_544 = vector.shape_cast %add3A_497 : vector<16xi32> to vector<16xi32>
      tpu.vector_store %arg5[%swap3A_541], %swap3A_544 {strides = array<i32>} : memref<16384xi32, #tpu.memory_space<vmem>>, vector<16xi32>,
      %mul3A_545 = arith.constant 128 : i32
      %mul3A_546 = arith.muli %scan3A_489, %mul3A_545 : i32
      %add3A_547 = arith.constant 96 : i32
      %add3A_548 = arith.addi %mul3A_546, %add3A_547 : i32
      %swap3A_549 = arith.index_cast %add3A_548 : i32 to index
      %swap3A_550 = tpu.vector_load %arg5[%swap3A_549] {strides = array<i32>} : memref<16384xi32, #tpu.memory_space<vmem>>, vector<16xi32>,
      %swap3A_551 = vector.shape_cast %swap3A_550 : vector<16xi32> to vector<16xi32>
      %swap3A_552 = vector.shape_cast %add3A_497 : vector<16xi32> to vector<16xi32>
      tpu.vector_store %arg5[%swap3A_549], %swap3A_552 {strides = array<i32>} : memref<16384xi32, #tpu.memory_space<vmem>>, vector<16xi32>,
      %mul3A_553 = arith.constant 128 : i32
      %mul3A_554 = arith.muli %scan3A_489, %mul3A_553 : i32
      %add3A_555 = arith.constant 112 : i32
      %add3A_556 = arith.addi %mul3A_554, %add3A_555 : i32
      %swap3A_557 = arith.index_cast %add3A_556 : i32 to index
      %swap3A_558 = tpu.vector_load %arg5[%swap3A_557] {strides = array<i32>} : memref<16384xi32, #tpu.memory_space<vmem>>, vector<16xi32>,
      %swap3A_559 = vector.shape_cast %swap3A_558 : vector<16xi32> to vector<16xi32>
      %swap3A_560 = vector.shape_cast %add3A_497 : vector<16xi32> to vector<16xi32>
      tpu.vector_store %arg5[%swap3A_557], %swap3A_560 {strides = array<i32>} : memref<16384xi32, #tpu.memory_space<vmem>>, vector<16xi32>,
    }
    %scan3A_134 = arith.constant 128 : i32
    %add3A_135 = arith.constant 81920 : i32
    %add3A_136 = arith.addi %mul3A_2, %add3A_135 : i32
    %dma_start3A_137 = arith.constant 0 : i32
    %dma_start3A_138 = tpu.memref_slice %arg2[%dma_start3A_137, %add3A_136] : memref<2x8388608xi32, #tpu.memory_space<hbm>> -> memref<1x16384xi32, #tpu.memory_space<hbm>>
    %dma_start3A_139 = tpu.memref_squeeze %dma_start3A_138 : memref<1x16384xi32, #tpu.memory_space<hbm>> -> memref<16384xi32, #tpu.memory_space<hbm>>
    %dma_start3A_140 = tpu.memref_slice %arg2[%dma_start3A_137, %add3A_136] : memref<2x8388608xi32, #tpu.memory_space<hbm>> -> memref<1x16384xi32, #tpu.memory_space<hbm>>
    %dma_start3A_141 = tpu.memref_squeeze %dma_start3A_140 : memref<1x16384xi32, #tpu.memory_space<hbm>> -> memref<16384xi32, #tpu.memory_space<hbm>>
    tpu.enqueue_dma source(%arg5 : memref<16384xi32, #tpu.memory_space<vmem>>) target(%dma_start3A_141 : memref<16384xi32, #tpu.memory_space<hbm>>) target_semaphore(%arg7 : memref<!tpu.dma_semaphore, #tpu.memory_space<semaphore_mem>>)
    %add3A_142 = arith.constant 81920 : i32
    %add3A_143 = arith.addi %mul3A_2, %add3A_142 : i32
    %dma_start3A_144 = arith.constant 1 : i32
    %dma_start3A_145 = tpu.memref_slice %arg2[%dma_start3A_144, %add3A_143] : memref<2x8388608xi32, #tpu.memory_space<hbm>> -> memref<1x16384xi32, #tpu.memory_space<hbm>>
    %dma_start3A_146 = tpu.memref_squeeze %dma_start3A_145 : memref<1x16384xi32, #tpu.memory_space<hbm>> -> memref<16384xi32, #tpu.memory_space<hbm>>
    %dma_start3A_147 = tpu.memref_slice %arg2[%dma_start3A_144, %add3A_143] : memref<2x8388608xi32, #tpu.memory_space<hbm>> -> memref<1x16384xi32, #tpu.memory_space<hbm>>
    %dma_start3A_148 = tpu.memref_squeeze %dma_start3A_147 : memref<1x16384xi32, #tpu.memory_space<hbm>> -> memref<16384xi32, #tpu.memory_space<hbm>>
    tpu.enqueue_dma source(%arg3 : memref<16384xi32, #tpu.memory_space<vmem>>) target(%dma_start3A_148 : memref<16384xi32, #tpu.memory_space<hbm>>) target_semaphore(%arg6 : memref<!tpu.dma_semaphore, #tpu.memory_space<semaphore_mem>>)
    %dma_wait3A_149 = arith.constant 0 : i32
    %dma_wait3A_150 = tpu.memref_slice %arg2[%dma_wait3A_149, %add3A_111] : memref<2x8388608xi32, #tpu.memory_space<hbm>> -> memref<1x16384xi32, #tpu.memory_space<hbm>>
    %dma_wait3A_151 = tpu.memref_squeeze %dma_wait3A_150 : memref<1x16384xi32, #tpu.memory_space<hbm>> -> memref<16384xi32, #tpu.memory_space<hbm>>
    %dma_wait3A_152 = tpu.memref_slice %arg2[%dma_wait3A_149, %add3A_111] : memref<2x8388608xi32, #tpu.memory_space<hbm>> -> memref<1x16384xi32, #tpu.memory_space<hbm>>
    %dma_wait3A_153 = tpu.memref_squeeze %dma_wait3A_152 : memref<1x16384xi32, #tpu.memory_space<hbm>> -> memref<16384xi32, #tpu.memory_space<hbm>>
    tpu.wait_dma2 semaphore(%arg7 : memref<!tpu.dma_semaphore, #tpu.memory_space<semaphore_mem>>) src(%arg4 : memref<16384xi32, #tpu.memory_space<vmem>>) dst(%dma_wait3A_153 : memref<16384xi32, #tpu.memory_space<hbm>>)
    %scan3A_154 = arith.constant 0 : i32
    %scan3A_155 = arith.constant 0 : i32
    %scan3A_156 = arith.constant 128 : i32
    %scan3A_157 = arith.addi %scan3A_155, %scan3A_156 : i32
    %scan3A_158 = arith.constant 1 : i32
    scf.for %scan3A_489 = %scan3A_155 to %scan3A_157 step %scan3A_158  : i32 {
      %add3A_490 = arith.constant 48 : i32
      %add3A_491 = arith.addi %shift_right_arithmetic3A_10, %add3A_490 : i32
      %shift_right_arithmetic3A_492 = arith.constant 4 : i32
      %shift_right_arithmetic3A_493 = arith.shrsi %scan3A_489, %shift_right_arithmetic3A_492 : i32
      %add3A_494 = arith.addi %add3A_491, %shift_right_arithmetic3A_493 : i32
      %broadcast_in_dim3A = arith.constant 0 : i32
      %broadcast_in_dim3A_495 = vector.broadcast %broadcast_in_dim3A : i32 to vector<16xi32>
      %add3A_496 = vector.broadcast %add3A_494 : i32 to vector<16xi32>
      %add3A_497 = arith.addi %broadcast_in_dim3A_495, %add3A_496 : vector<16xi32>
      %mul3A_498 = arith.constant 128 : i32
      %mul3A_499 = arith.muli %scan3A_489, %mul3A_498 : i32
      %add3A_500 = arith.constant 0 : i32
      %add3A_501 = arith.addi %mul3A_499, %add3A_500 : i32
      %swap3A = arith.index_cast %add3A_501 : i32 to index
      %swap3A_502 = tpu.vector_load %arg4[%swap3A] {strides = array<i32>} : memref<16384xi32, #tpu.memory_space<vmem>>, vector<16xi32>,
      %swap3A_503 = vector.shape_cast %swap3A_502 : vector<16xi32> to vector<16xi32>
      %swap3A_504 = vector.shape_cast %add3A_497 : vector<16xi32> to vector<16xi32>
      tpu.vector_store %arg4[%swap3A], %swap3A_504 {strides = array<i32>} : memref<16384xi32, #tpu.memory_space<vmem>>, vector<16xi32>,
      %mul3A_505 = arith.constant 128 : i32
      %mul3A_506 = arith.muli %scan3A_489, %mul3A_505 : i32
      %add3A_507 = arith.constant 16 : i32
      %add3A_508 = arith.addi %mul3A_506, %add3A_507 : i32
      %swap3A_509 = arith.index_cast %add3A_508 : i32 to index
      %swap3A_510 = tpu.vector_load %arg4[%swap3A_509] {strides = array<i32>} : memref<16384xi32, #tpu.memory_space<vmem>>, vector<16xi32>,
      %swap3A_511 = vector.shape_cast %swap3A_510 : vector<16xi32> to vector<16xi32>
      %swap3A_512 = vector.shape_cast %add3A_497 : vector<16xi32> to vector<16xi32>
      tpu.vector_store %arg4[%swap3A_509], %swap3A_512 {strides = array<i32>} : memref<16384xi32, #tpu.memory_space<vmem>>, vector<16xi32>,
      %mul3A_513 = arith.constant 128 : i32
      %mul3A_514 = arith.muli %scan3A_489, %mul3A_513 : i32
      %add3A_515 = arith.constant 32 : i32
      %add3A_516 = arith.addi %mul3A_514, %add3A_515 : i32
      %swap3A_517 = arith.index_cast %add3A_516 : i32 to index
      %swap3A_518 = tpu.vector_load %arg4[%swap3A_517] {strides = array<i32>} : memref<16384xi32, #tpu.memory_space<vmem>>, vector<16xi32>,
      %swap3A_519 = vector.shape_cast %swap3A_518 : vector<16xi32> to vector<16xi32>
      %swap3A_520 = vector.shape_cast %add3A_497 : vector<16xi32> to vector<16xi32>
      tpu.vector_store %arg4[%swap3A_517], %swap3A_520 {strides = array<i32>} : memref<16384xi32, #tpu.memory_space<vmem>>, vector<16xi32>,
      %mul3A_521 = arith.constant 128 : i32
      %mul3A_522 = arith.muli %scan3A_489, %mul3A_521 : i32
      %add3A_523 = arith.constant 48 : i32
      %add3A_524 = arith.addi %mul3A_522, %add3A_523 : i32
      %swap3A_525 = arith.index_cast %add3A_524 : i32 to index
      %swap3A_526 = tpu.vector_load %arg4[%swap3A_525] {strides = array<i32>} : memref<16384xi32, #tpu.memory_space<vmem>>, vector<16xi32>,
      %swap3A_527 = vector.shape_cast %swap3A_526 : vector<16xi32> to vector<16xi32>
      %swap3A_528 = vector.shape_cast %add3A_497 : vector<16xi32> to vector<16xi32>
      tpu.vector_store %arg4[%swap3A_525], %swap3A_528 {strides = array<i32>} : memref<16384xi32, #tpu.memory_space<vmem>>, vector<16xi32>,
      %mul3A_529 = arith.constant 128 : i32
      %mul3A_530 = arith.muli %scan3A_489, %mul3A_529 : i32
      %add3A_531 = arith.constant 64 : i32
      %add3A_532 = arith.addi %mul3A_530, %add3A_531 : i32
      %swap3A_533 = arith.index_cast %add3A_532 : i32 to index
      %swap3A_534 = tpu.vector_load %arg4[%swap3A_533] {strides = array<i32>} : memref<16384xi32, #tpu.memory_space<vmem>>, vector<16xi32>,
      %swap3A_535 = vector.shape_cast %swap3A_534 : vector<16xi32> to vector<16xi32>
      %swap3A_536 = vector.shape_cast %add3A_497 : vector<16xi32> to vector<16xi32>
      tpu.vector_store %arg4[%swap3A_533], %swap3A_536 {strides = array<i32>} : memref<16384xi32, #tpu.memory_space<vmem>>, vector<16xi32>,
      %mul3A_537 = arith.constant 128 : i32
      %mul3A_538 = arith.muli %scan3A_489, %mul3A_537 : i32
      %add3A_539 = arith.constant 80 : i32
      %add3A_540 = arith.addi %mul3A_538, %add3A_539 : i32
      %swap3A_541 = arith.index_cast %add3A_540 : i32 to index
      %swap3A_542 = tpu.vector_load %arg4[%swap3A_541] {strides = array<i32>} : memref<16384xi32, #tpu.memory_space<vmem>>, vector<16xi32>,
      %swap3A_543 = vector.shape_cast %swap3A_542 : vector<16xi32> to vector<16xi32>
      %swap3A_544 = vector.shape_cast %add3A_497 : vector<16xi32> to vector<16xi32>
      tpu.vector_store %arg4[%swap3A_541], %swap3A_544 {strides = array<i32>} : memref<16384xi32, #tpu.memory_space<vmem>>, vector<16xi32>,
      %mul3A_545 = arith.constant 128 : i32
      %mul3A_546 = arith.muli %scan3A_489, %mul3A_545 : i32
      %add3A_547 = arith.constant 96 : i32
      %add3A_548 = arith.addi %mul3A_546, %add3A_547 : i32
      %swap3A_549 = arith.index_cast %add3A_548 : i32 to index
      %swap3A_550 = tpu.vector_load %arg4[%swap3A_549] {strides = array<i32>} : memref<16384xi32, #tpu.memory_space<vmem>>, vector<16xi32>,
      %swap3A_551 = vector.shape_cast %swap3A_550 : vector<16xi32> to vector<16xi32>
      %swap3A_552 = vector.shape_cast %add3A_497 : vector<16xi32> to vector<16xi32>
      tpu.vector_store %arg4[%swap3A_549], %swap3A_552 {strides = array<i32>} : memref<16384xi32, #tpu.memory_space<vmem>>, vector<16xi32>,
      %mul3A_553 = arith.constant 128 : i32
      %mul3A_554 = arith.muli %scan3A_489, %mul3A_553 : i32
      %add3A_555 = arith.constant 112 : i32
      %add3A_556 = arith.addi %mul3A_554, %add3A_555 : i32
      %swap3A_557 = arith.index_cast %add3A_556 : i32 to index
      %swap3A_558 = tpu.vector_load %arg4[%swap3A_557] {strides = array<i32>} : memref<16384xi32, #tpu.memory_space<vmem>>, vector<16xi32>,
      %swap3A_559 = vector.shape_cast %swap3A_558 : vector<16xi32> to vector<16xi32>
      %swap3A_560 = vector.shape_cast %add3A_497 : vector<16xi32> to vector<16xi32>
      tpu.vector_store %arg4[%swap3A_557], %swap3A_560 {strides = array<i32>} : memref<16384xi32, #tpu.memory_space<vmem>>, vector<16xi32>,
    }
    %scan3A_159 = arith.constant 128 : i32
    %add3A_160 = arith.constant 98304 : i32
    %add3A_161 = arith.addi %mul3A_2, %add3A_160 : i32
    %dma_start3A_162 = arith.constant 0 : i32
    %dma_start3A_163 = tpu.memref_slice %arg2[%dma_start3A_162, %add3A_161] : memref<2x8388608xi32, #tpu.memory_space<hbm>> -> memref<1x16384xi32, #tpu.memory_space<hbm>>
    %dma_start3A_164 = tpu.memref_squeeze %dma_start3A_163 : memref<1x16384xi32, #tpu.memory_space<hbm>> -> memref<16384xi32, #tpu.memory_space<hbm>>
    %dma_start3A_165 = tpu.memref_slice %arg2[%dma_start3A_162, %add3A_161] : memref<2x8388608xi32, #tpu.memory_space<hbm>> -> memref<1x16384xi32, #tpu.memory_space<hbm>>
    %dma_start3A_166 = tpu.memref_squeeze %dma_start3A_165 : memref<1x16384xi32, #tpu.memory_space<hbm>> -> memref<16384xi32, #tpu.memory_space<hbm>>
    tpu.enqueue_dma source(%arg4 : memref<16384xi32, #tpu.memory_space<vmem>>) target(%dma_start3A_166 : memref<16384xi32, #tpu.memory_space<hbm>>) target_semaphore(%arg7 : memref<!tpu.dma_semaphore, #tpu.memory_space<semaphore_mem>>)
    %add3A_167 = arith.constant 98304 : i32
    %add3A_168 = arith.addi %mul3A_2, %add3A_167 : i32
    %dma_start3A_169 = arith.constant 1 : i32
    %dma_start3A_170 = tpu.memref_slice %arg2[%dma_start3A_169, %add3A_168] : memref<2x8388608xi32, #tpu.memory_space<hbm>> -> memref<1x16384xi32, #tpu.memory_space<hbm>>
    %dma_start3A_171 = tpu.memref_squeeze %dma_start3A_170 : memref<1x16384xi32, #tpu.memory_space<hbm>> -> memref<16384xi32, #tpu.memory_space<hbm>>
    %dma_start3A_172 = tpu.memref_slice %arg2[%dma_start3A_169, %add3A_168] : memref<2x8388608xi32, #tpu.memory_space<hbm>> -> memref<1x16384xi32, #tpu.memory_space<hbm>>
    %dma_start3A_173 = tpu.memref_squeeze %dma_start3A_172 : memref<1x16384xi32, #tpu.memory_space<hbm>> -> memref<16384xi32, #tpu.memory_space<hbm>>
    tpu.enqueue_dma source(%arg3 : memref<16384xi32, #tpu.memory_space<vmem>>) target(%dma_start3A_173 : memref<16384xi32, #tpu.memory_space<hbm>>) target_semaphore(%arg6 : memref<!tpu.dma_semaphore, #tpu.memory_space<semaphore_mem>>)
    %dma_wait3A_174 = arith.constant 0 : i32
    %dma_wait3A_175 = tpu.memref_slice %arg2[%dma_wait3A_174, %add3A_136] : memref<2x8388608xi32, #tpu.memory_space<hbm>> -> memref<1x16384xi32, #tpu.memory_space<hbm>>
    %dma_wait3A_176 = tpu.memref_squeeze %dma_wait3A_175 : memref<1x16384xi32, #tpu.memory_space<hbm>> -> memref<16384xi32, #tpu.memory_space<hbm>>
    %dma_wait3A_177 = tpu.memref_slice %arg2[%dma_wait3A_174, %add3A_136] : memref<2x8388608xi32, #tpu.memory_space<hbm>> -> memref<1x16384xi32, #tpu.memory_space<hbm>>
    %dma_wait3A_178 = tpu.memref_squeeze %dma_wait3A_177 : memref<1x16384xi32, #tpu.memory_space<hbm>> -> memref<16384xi32, #tpu.memory_space<hbm>>
    tpu.wait_dma2 semaphore(%arg7 : memref<!tpu.dma_semaphore, #tpu.memory_space<semaphore_mem>>) src(%arg5 : memref<16384xi32, #tpu.memory_space<vmem>>) dst(%dma_wait3A_178 : memref<16384xi32, #tpu.memory_space<hbm>>)
    %scan3A_179 = arith.constant 0 : i32
    %scan3A_180 = arith.constant 0 : i32
    %scan3A_181 = arith.constant 128 : i32
    %scan3A_182 = arith.addi %scan3A_180, %scan3A_181 : i32
    %scan3A_183 = arith.constant 1 : i32
    scf.for %scan3A_489 = %scan3A_180 to %scan3A_182 step %scan3A_183  : i32 {
      %add3A_490 = arith.constant 56 : i32
      %add3A_491 = arith.addi %shift_right_arithmetic3A_10, %add3A_490 : i32
      %shift_right_arithmetic3A_492 = arith.constant 4 : i32
      %shift_right_arithmetic3A_493 = arith.shrsi %scan3A_489, %shift_right_arithmetic3A_492 : i32
      %add3A_494 = arith.addi %add3A_491, %shift_right_arithmetic3A_493 : i32
      %broadcast_in_dim3A = arith.constant 0 : i32
      %broadcast_in_dim3A_495 = vector.broadcast %broadcast_in_dim3A : i32 to vector<16xi32>
      %add3A_496 = vector.broadcast %add3A_494 : i32 to vector<16xi32>
      %add3A_497 = arith.addi %broadcast_in_dim3A_495, %add3A_496 : vector<16xi32>
      %mul3A_498 = arith.constant 128 : i32
      %mul3A_499 = arith.muli %scan3A_489, %mul3A_498 : i32
      %add3A_500 = arith.constant 0 : i32
      %add3A_501 = arith.addi %mul3A_499, %add3A_500 : i32
      %swap3A = arith.index_cast %add3A_501 : i32 to index
      %swap3A_502 = tpu.vector_load %arg5[%swap3A] {strides = array<i32>} : memref<16384xi32, #tpu.memory_space<vmem>>, vector<16xi32>,
      %swap3A_503 = vector.shape_cast %swap3A_502 : vector<16xi32> to vector<16xi32>
      %swap3A_504 = vector.shape_cast %add3A_497 : vector<16xi32> to vector<16xi32>
      tpu.vector_store %arg5[%swap3A], %swap3A_504 {strides = array<i32>} : memref<16384xi32, #tpu.memory_space<vmem>>, vector<16xi32>,
      %mul3A_505 = arith.constant 128 : i32
      %mul3A_506 = arith.muli %scan3A_489, %mul3A_505 : i32
      %add3A_507 = arith.constant 16 : i32
      %add3A_508 = arith.addi %mul3A_506, %add3A_507 : i32
      %swap3A_509 = arith.index_cast %add3A_508 : i32 to index
      %swap3A_510 = tpu.vector_load %arg5[%swap3A_509] {strides = array<i32>} : memref<16384xi32, #tpu.memory_space<vmem>>, vector<16xi32>,
      %swap3A_511 = vector.shape_cast %swap3A_510 : vector<16xi32> to vector<16xi32>
      %swap3A_512 = vector.shape_cast %add3A_497 : vector<16xi32> to vector<16xi32>
      tpu.vector_store %arg5[%swap3A_509], %swap3A_512 {strides = array<i32>} : memref<16384xi32, #tpu.memory_space<vmem>>, vector<16xi32>,
      %mul3A_513 = arith.constant 128 : i32
      %mul3A_514 = arith.muli %scan3A_489, %mul3A_513 : i32
      %add3A_515 = arith.constant 32 : i32
      %add3A_516 = arith.addi %mul3A_514, %add3A_515 : i32
      %swap3A_517 = arith.index_cast %add3A_516 : i32 to index
      %swap3A_518 = tpu.vector_load %arg5[%swap3A_517] {strides = array<i32>} : memref<16384xi32, #tpu.memory_space<vmem>>, vector<16xi32>,
      %swap3A_519 = vector.shape_cast %swap3A_518 : vector<16xi32> to vector<16xi32>
      %swap3A_520 = vector.shape_cast %add3A_497 : vector<16xi32> to vector<16xi32>
      tpu.vector_store %arg5[%swap3A_517], %swap3A_520 {strides = array<i32>} : memref<16384xi32, #tpu.memory_space<vmem>>, vector<16xi32>,
      %mul3A_521 = arith.constant 128 : i32
      %mul3A_522 = arith.muli %scan3A_489, %mul3A_521 : i32
      %add3A_523 = arith.constant 48 : i32
      %add3A_524 = arith.addi %mul3A_522, %add3A_523 : i32
      %swap3A_525 = arith.index_cast %add3A_524 : i32 to index
      %swap3A_526 = tpu.vector_load %arg5[%swap3A_525] {strides = array<i32>} : memref<16384xi32, #tpu.memory_space<vmem>>, vector<16xi32>,
      %swap3A_527 = vector.shape_cast %swap3A_526 : vector<16xi32> to vector<16xi32>
      %swap3A_528 = vector.shape_cast %add3A_497 : vector<16xi32> to vector<16xi32>
      tpu.vector_store %arg5[%swap3A_525], %swap3A_528 {strides = array<i32>} : memref<16384xi32, #tpu.memory_space<vmem>>, vector<16xi32>,
      %mul3A_529 = arith.constant 128 : i32
      %mul3A_530 = arith.muli %scan3A_489, %mul3A_529 : i32
      %add3A_531 = arith.constant 64 : i32
      %add3A_532 = arith.addi %mul3A_530, %add3A_531 : i32
      %swap3A_533 = arith.index_cast %add3A_532 : i32 to index
      %swap3A_534 = tpu.vector_load %arg5[%swap3A_533] {strides = array<i32>} : memref<16384xi32, #tpu.memory_space<vmem>>, vector<16xi32>,
      %swap3A_535 = vector.shape_cast %swap3A_534 : vector<16xi32> to vector<16xi32>
      %swap3A_536 = vector.shape_cast %add3A_497 : vector<16xi32> to vector<16xi32>
      tpu.vector_store %arg5[%swap3A_533], %swap3A_536 {strides = array<i32>} : memref<16384xi32, #tpu.memory_space<vmem>>, vector<16xi32>,
      %mul3A_537 = arith.constant 128 : i32
      %mul3A_538 = arith.muli %scan3A_489, %mul3A_537 : i32
      %add3A_539 = arith.constant 80 : i32
      %add3A_540 = arith.addi %mul3A_538, %add3A_539 : i32
      %swap3A_541 = arith.index_cast %add3A_540 : i32 to index
      %swap3A_542 = tpu.vector_load %arg5[%swap3A_541] {strides = array<i32>} : memref<16384xi32, #tpu.memory_space<vmem>>, vector<16xi32>,
      %swap3A_543 = vector.shape_cast %swap3A_542 : vector<16xi32> to vector<16xi32>
      %swap3A_544 = vector.shape_cast %add3A_497 : vector<16xi32> to vector<16xi32>
      tpu.vector_store %arg5[%swap3A_541], %swap3A_544 {strides = array<i32>} : memref<16384xi32, #tpu.memory_space<vmem>>, vector<16xi32>,
      %mul3A_545 = arith.constant 128 : i32
      %mul3A_546 = arith.muli %scan3A_489, %mul3A_545 : i32
      %add3A_547 = arith.constant 96 : i32
      %add3A_548 = arith.addi %mul3A_546, %add3A_547 : i32
      %swap3A_549 = arith.index_cast %add3A_548 : i32 to index
      %swap3A_550 = tpu.vector_load %arg5[%swap3A_549] {strides = array<i32>} : memref<16384xi32, #tpu.memory_space<vmem>>, vector<16xi32>,
      %swap3A_551 = vector.shape_cast %swap3A_550 : vector<16xi32> to vector<16xi32>
      %swap3A_552 = vector.shape_cast %add3A_497 : vector<16xi32> to vector<16xi32>
      tpu.vector_store %arg5[%swap3A_549], %swap3A_552 {strides = array<i32>} : memref<16384xi32, #tpu.memory_space<vmem>>, vector<16xi32>,
      %mul3A_553 = arith.constant 128 : i32
      %mul3A_554 = arith.muli %scan3A_489, %mul3A_553 : i32
      %add3A_555 = arith.constant 112 : i32
      %add3A_556 = arith.addi %mul3A_554, %add3A_555 : i32
      %swap3A_557 = arith.index_cast %add3A_556 : i32 to index
      %swap3A_558 = tpu.vector_load %arg5[%swap3A_557] {strides = array<i32>} : memref<16384xi32, #tpu.memory_space<vmem>>, vector<16xi32>,
      %swap3A_559 = vector.shape_cast %swap3A_558 : vector<16xi32> to vector<16xi32>
      %swap3A_560 = vector.shape_cast %add3A_497 : vector<16xi32> to vector<16xi32>
      tpu.vector_store %arg5[%swap3A_557], %swap3A_560 {strides = array<i32>} : memref<16384xi32, #tpu.memory_space<vmem>>, vector<16xi32>,
    }
    %scan3A_184 = arith.constant 128 : i32
    %add3A_185 = arith.constant 114688 : i32
    %add3A_186 = arith.addi %mul3A_2, %add3A_185 : i32
    %dma_start3A_187 = arith.constant 0 : i32
    %dma_start3A_188 = tpu.memref_slice %arg2[%dma_start3A_187, %add3A_186] : memref<2x8388608xi32, #tpu.memory_space<hbm>> -> memref<1x16384xi32, #tpu.memory_space<hbm>>
    %dma_start3A_189 = tpu.memref_squeeze %dma_start3A_188 : memref<1x16384xi32, #tpu.memory_space<hbm>> -> memref<16384xi32, #tpu.memory_space<hbm>>
    %dma_start3A_190 = tpu.memref_slice %arg2[%dma_start3A_187, %add3A_186] : memref<2x8388608xi32, #tpu.memory_space<hbm>> -> memref<1x16384xi32, #tpu.memory_space<hbm>>
    %dma_start3A_191 = tpu.memref_squeeze %dma_start3A_190 : memref<1x16384xi32, #tpu.memory_space<hbm>> -> memref<16384xi32, #tpu.memory_space<hbm>>
    tpu.enqueue_dma source(%arg5 : memref<16384xi32, #tpu.memory_space<vmem>>) target(%dma_start3A_191 : memref<16384xi32, #tpu.memory_space<hbm>>) target_semaphore(%arg7 : memref<!tpu.dma_semaphore, #tpu.memory_space<semaphore_mem>>)
    %add3A_192 = arith.constant 114688 : i32
    %add3A_193 = arith.addi %mul3A_2, %add3A_192 : i32
    %dma_start3A_194 = arith.constant 1 : i32
    %dma_start3A_195 = tpu.memref_slice %arg2[%dma_start3A_194, %add3A_193] : memref<2x8388608xi32, #tpu.memory_space<hbm>> -> memref<1x16384xi32, #tpu.memory_space<hbm>>
    %dma_start3A_196 = tpu.memref_squeeze %dma_start3A_195 : memref<1x16384xi32, #tpu.memory_space<hbm>> -> memref<16384xi32, #tpu.memory_space<hbm>>
    %dma_start3A_197 = tpu.memref_slice %arg2[%dma_start3A_194, %add3A_193] : memref<2x8388608xi32, #tpu.memory_space<hbm>> -> memref<1x16384xi32, #tpu.memory_space<hbm>>
    %dma_start3A_198 = tpu.memref_squeeze %dma_start3A_197 : memref<1x16384xi32, #tpu.memory_space<hbm>> -> memref<16384xi32, #tpu.memory_space<hbm>>
    tpu.enqueue_dma source(%arg3 : memref<16384xi32, #tpu.memory_space<vmem>>) target(%dma_start3A_198 : memref<16384xi32, #tpu.memory_space<hbm>>) target_semaphore(%arg6 : memref<!tpu.dma_semaphore, #tpu.memory_space<semaphore_mem>>)
    %dma_wait3A_199 = arith.constant 0 : i32
    %dma_wait3A_200 = tpu.memref_slice %arg2[%dma_wait3A_199, %add3A_161] : memref<2x8388608xi32, #tpu.memory_space<hbm>> -> memref<1x16384xi32, #tpu.memory_space<hbm>>
    %dma_wait3A_201 = tpu.memref_squeeze %dma_wait3A_200 : memref<1x16384xi32, #tpu.memory_space<hbm>> -> memref<16384xi32, #tpu.memory_space<hbm>>
    %dma_wait3A_202 = tpu.memref_slice %arg2[%dma_wait3A_199, %add3A_161] : memref<2x8388608xi32, #tpu.memory_space<hbm>> -> memref<1x16384xi32, #tpu.memory_space<hbm>>
    %dma_wait3A_203 = tpu.memref_squeeze %dma_wait3A_202 : memref<1x16384xi32, #tpu.memory_space<hbm>> -> memref<16384xi32, #tpu.memory_space<hbm>>
    tpu.wait_dma2 semaphore(%arg7 : memref<!tpu.dma_semaphore, #tpu.memory_space<semaphore_mem>>) src(%arg4 : memref<16384xi32, #tpu.memory_space<vmem>>) dst(%dma_wait3A_203 : memref<16384xi32, #tpu.memory_space<hbm>>)
    %scan3A_204 = arith.constant 0 : i32
    %scan3A_205 = arith.constant 0 : i32
    %scan3A_206 = arith.constant 128 : i32
    %scan3A_207 = arith.addi %scan3A_205, %scan3A_206 : i32
    %scan3A_208 = arith.constant 1 : i32
    scf.for %scan3A_489 = %scan3A_205 to %scan3A_207 step %scan3A_208  : i32 {
      %add3A_490 = arith.constant 64 : i32
      %add3A_491 = arith.addi %shift_right_arithmetic3A_10, %add3A_490 : i32
      %shift_right_arithmetic3A_492 = arith.constant 4 : i32
      %shift_right_arithmetic3A_493 = arith.shrsi %scan3A_489, %shift_right_arithmetic3A_492 : i32
      %add3A_494 = arith.addi %add3A_491, %shift_right_arithmetic3A_493 : i32
      %broadcast_in_dim3A = arith.constant 0 : i32
      %broadcast_in_dim3A_495 = vector.broadcast %broadcast_in_dim3A : i32 to vector<16xi32>
      %add3A_496 = vector.broadcast %add3A_494 : i32 to vector<16xi32>
      %add3A_497 = arith.addi %broadcast_in_dim3A_495, %add3A_496 : vector<16xi32>
      %mul3A_498 = arith.constant 128 : i32
      %mul3A_499 = arith.muli %scan3A_489, %mul3A_498 : i32
      %add3A_500 = arith.constant 0 : i32
      %add3A_501 = arith.addi %mul3A_499, %add3A_500 : i32
      %swap3A = arith.index_cast %add3A_501 : i32 to index
      %swap3A_502 = tpu.vector_load %arg4[%swap3A] {strides = array<i32>} : memref<16384xi32, #tpu.memory_space<vmem>>, vector<16xi32>,
      %swap3A_503 = vector.shape_cast %swap3A_502 : vector<16xi32> to vector<16xi32>
      %swap3A_504 = vector.shape_cast %add3A_497 : vector<16xi32> to vector<16xi32>
      tpu.vector_store %arg4[%swap3A], %swap3A_504 {strides = array<i32>} : memref<16384xi32, #tpu.memory_space<vmem>>, vector<16xi32>,
      %mul3A_505 = arith.constant 128 : i32
      %mul3A_506 = arith.muli %scan3A_489, %mul3A_505 : i32
      %add3A_507 = arith.constant 16 : i32
      %add3A_508 = arith.addi %mul3A_506, %add3A_507 : i32
      %swap3A_509 = arith.index_cast %add3A_508 : i32 to index
      %swap3A_510 = tpu.vector_load %arg4[%swap3A_509] {strides = array<i32>} : memref<16384xi32, #tpu.memory_space<vmem>>, vector<16xi32>,
      %swap3A_511 = vector.shape_cast %swap3A_510 : vector<16xi32> to vector<16xi32>
      %swap3A_512 = vector.shape_cast %add3A_497 : vector<16xi32> to vector<16xi32>
      tpu.vector_store %arg4[%swap3A_509], %swap3A_512 {strides = array<i32>} : memref<16384xi32, #tpu.memory_space<vmem>>, vector<16xi32>,
      %mul3A_513 = arith.constant 128 : i32
      %mul3A_514 = arith.muli %scan3A_489, %mul3A_513 : i32
      %add3A_515 = arith.constant 32 : i32
      %add3A_516 = arith.addi %mul3A_514, %add3A_515 : i32
      %swap3A_517 = arith.index_cast %add3A_516 : i32 to index
      %swap3A_518 = tpu.vector_load %arg4[%swap3A_517] {strides = array<i32>} : memref<16384xi32, #tpu.memory_space<vmem>>, vector<16xi32>,
      %swap3A_519 = vector.shape_cast %swap3A_518 : vector<16xi32> to vector<16xi32>
      %swap3A_520 = vector.shape_cast %add3A_497 : vector<16xi32> to vector<16xi32>
      tpu.vector_store %arg4[%swap3A_517], %swap3A_520 {strides = array<i32>} : memref<16384xi32, #tpu.memory_space<vmem>>, vector<16xi32>,
      %mul3A_521 = arith.constant 128 : i32
      %mul3A_522 = arith.muli %scan3A_489, %mul3A_521 : i32
      %add3A_523 = arith.constant 48 : i32
      %add3A_524 = arith.addi %mul3A_522, %add3A_523 : i32
      %swap3A_525 = arith.index_cast %add3A_524 : i32 to index
      %swap3A_526 = tpu.vector_load %arg4[%swap3A_525] {strides = array<i32>} : memref<16384xi32, #tpu.memory_space<vmem>>, vector<16xi32>,
      %swap3A_527 = vector.shape_cast %swap3A_526 : vector<16xi32> to vector<16xi32>
      %swap3A_528 = vector.shape_cast %add3A_497 : vector<16xi32> to vector<16xi32>
      tpu.vector_store %arg4[%swap3A_525], %swap3A_528 {strides = array<i32>} : memref<16384xi32, #tpu.memory_space<vmem>>, vector<16xi32>,
      %mul3A_529 = arith.constant 128 : i32
      %mul3A_530 = arith.muli %scan3A_489, %mul3A_529 : i32
      %add3A_531 = arith.constant 64 : i32
      %add3A_532 = arith.addi %mul3A_530, %add3A_531 : i32
      %swap3A_533 = arith.index_cast %add3A_532 : i32 to index
      %swap3A_534 = tpu.vector_load %arg4[%swap3A_533] {strides = array<i32>} : memref<16384xi32, #tpu.memory_space<vmem>>, vector<16xi32>,
      %swap3A_535 = vector.shape_cast %swap3A_534 : vector<16xi32> to vector<16xi32>
      %swap3A_536 = vector.shape_cast %add3A_497 : vector<16xi32> to vector<16xi32>
      tpu.vector_store %arg4[%swap3A_533], %swap3A_536 {strides = array<i32>} : memref<16384xi32, #tpu.memory_space<vmem>>, vector<16xi32>,
      %mul3A_537 = arith.constant 128 : i32
      %mul3A_538 = arith.muli %scan3A_489, %mul3A_537 : i32
      %add3A_539 = arith.constant 80 : i32
      %add3A_540 = arith.addi %mul3A_538, %add3A_539 : i32
      %swap3A_541 = arith.index_cast %add3A_540 : i32 to index
      %swap3A_542 = tpu.vector_load %arg4[%swap3A_541] {strides = array<i32>} : memref<16384xi32, #tpu.memory_space<vmem>>, vector<16xi32>,
      %swap3A_543 = vector.shape_cast %swap3A_542 : vector<16xi32> to vector<16xi32>
      %swap3A_544 = vector.shape_cast %add3A_497 : vector<16xi32> to vector<16xi32>
      tpu.vector_store %arg4[%swap3A_541], %swap3A_544 {strides = array<i32>} : memref<16384xi32, #tpu.memory_space<vmem>>, vector<16xi32>,
      %mul3A_545 = arith.constant 128 : i32
      %mul3A_546 = arith.muli %scan3A_489, %mul3A_545 : i32
      %add3A_547 = arith.constant 96 : i32
      %add3A_548 = arith.addi %mul3A_546, %add3A_547 : i32
      %swap3A_549 = arith.index_cast %add3A_548 : i32 to index
      %swap3A_550 = tpu.vector_load %arg4[%swap3A_549] {strides = array<i32>} : memref<16384xi32, #tpu.memory_space<vmem>>, vector<16xi32>,
      %swap3A_551 = vector.shape_cast %swap3A_550 : vector<16xi32> to vector<16xi32>
      %swap3A_552 = vector.shape_cast %add3A_497 : vector<16xi32> to vector<16xi32>
      tpu.vector_store %arg4[%swap3A_549], %swap3A_552 {strides = array<i32>} : memref<16384xi32, #tpu.memory_space<vmem>>, vector<16xi32>,
      %mul3A_553 = arith.constant 128 : i32
      %mul3A_554 = arith.muli %scan3A_489, %mul3A_553 : i32
      %add3A_555 = arith.constant 112 : i32
      %add3A_556 = arith.addi %mul3A_554, %add3A_555 : i32
      %swap3A_557 = arith.index_cast %add3A_556 : i32 to index
      %swap3A_558 = tpu.vector_load %arg4[%swap3A_557] {strides = array<i32>} : memref<16384xi32, #tpu.memory_space<vmem>>, vector<16xi32>,
      %swap3A_559 = vector.shape_cast %swap3A_558 : vector<16xi32> to vector<16xi32>
      %swap3A_560 = vector.shape_cast %add3A_497 : vector<16xi32> to vector<16xi32>
      tpu.vector_store %arg4[%swap3A_557], %swap3A_560 {strides = array<i32>} : memref<16384xi32, #tpu.memory_space<vmem>>, vector<16xi32>,
    }
    %scan3A_209 = arith.constant 128 : i32
    %add3A_210 = arith.constant 131072 : i32
    %add3A_211 = arith.addi %mul3A_2, %add3A_210 : i32
    %dma_start3A_212 = arith.constant 0 : i32
    %dma_start3A_213 = tpu.memref_slice %arg2[%dma_start3A_212, %add3A_211] : memref<2x8388608xi32, #tpu.memory_space<hbm>> -> memref<1x16384xi32, #tpu.memory_space<hbm>>
    %dma_start3A_214 = tpu.memref_squeeze %dma_start3A_213 : memref<1x16384xi32, #tpu.memory_space<hbm>> -> memref<16384xi32, #tpu.memory_space<hbm>>
    %dma_start3A_215 = tpu.memref_slice %arg2[%dma_start3A_212, %add3A_211] : memref<2x8388608xi32, #tpu.memory_space<hbm>> -> memref<1x16384xi32, #tpu.memory_space<hbm>>
    %dma_start3A_216 = tpu.memref_squeeze %dma_start3A_215 : memref<1x16384xi32, #tpu.memory_space<hbm>> -> memref<16384xi32, #tpu.memory_space<hbm>>
    tpu.enqueue_dma source(%arg4 : memref<16384xi32, #tpu.memory_space<vmem>>) target(%dma_start3A_216 : memref<16384xi32, #tpu.memory_space<hbm>>) target_semaphore(%arg7 : memref<!tpu.dma_semaphore, #tpu.memory_space<semaphore_mem>>)
    %add3A_217 = arith.constant 131072 : i32
    %add3A_218 = arith.addi %mul3A_2, %add3A_217 : i32
    %dma_start3A_219 = arith.constant 1 : i32
    %dma_start3A_220 = tpu.memref_slice %arg2[%dma_start3A_219, %add3A_218] : memref<2x8388608xi32, #tpu.memory_space<hbm>> -> memref<1x16384xi32, #tpu.memory_space<hbm>>
    %dma_start3A_221 = tpu.memref_squeeze %dma_start3A_220 : memref<1x16384xi32, #tpu.memory_space<hbm>> -> memref<16384xi32, #tpu.memory_space<hbm>>
    %dma_start3A_222 = tpu.memref_slice %arg2[%dma_start3A_219, %add3A_218] : memref<2x8388608xi32, #tpu.memory_space<hbm>> -> memref<1x16384xi32, #tpu.memory_space<hbm>>
    %dma_start3A_223 = tpu.memref_squeeze %dma_start3A_222 : memref<1x16384xi32, #tpu.memory_space<hbm>> -> memref<16384xi32, #tpu.memory_space<hbm>>
    tpu.enqueue_dma source(%arg3 : memref<16384xi32, #tpu.memory_space<vmem>>) target(%dma_start3A_223 : memref<16384xi32, #tpu.memory_space<hbm>>) target_semaphore(%arg6 : memref<!tpu.dma_semaphore, #tpu.memory_space<semaphore_mem>>)
    %dma_wait3A_224 = arith.constant 0 : i32
    %dma_wait3A_225 = tpu.memref_slice %arg2[%dma_wait3A_224, %add3A_186] : memref<2x8388608xi32, #tpu.memory_space<hbm>> -> memref<1x16384xi32, #tpu.memory_space<hbm>>
    %dma_wait3A_226 = tpu.memref_squeeze %dma_wait3A_225 : memref<1x16384xi32, #tpu.memory_space<hbm>> -> memref<16384xi32, #tpu.memory_space<hbm>>
    %dma_wait3A_227 = tpu.memref_slice %arg2[%dma_wait3A_224, %add3A_186] : memref<2x8388608xi32, #tpu.memory_space<hbm>> -> memref<1x16384xi32, #tpu.memory_space<hbm>>
    %dma_wait3A_228 = tpu.memref_squeeze %dma_wait3A_227 : memref<1x16384xi32, #tpu.memory_space<hbm>> -> memref<16384xi32, #tpu.memory_space<hbm>>
    tpu.wait_dma2 semaphore(%arg7 : memref<!tpu.dma_semaphore, #tpu.memory_space<semaphore_mem>>) src(%arg5 : memref<16384xi32, #tpu.memory_space<vmem>>) dst(%dma_wait3A_228 : memref<16384xi32, #tpu.memory_space<hbm>>)
    %scan3A_229 = arith.constant 0 : i32
    %scan3A_230 = arith.constant 0 : i32
    %scan3A_231 = arith.constant 128 : i32
    %scan3A_232 = arith.addi %scan3A_230, %scan3A_231 : i32
    %scan3A_233 = arith.constant 1 : i32
    scf.for %scan3A_489 = %scan3A_230 to %scan3A_232 step %scan3A_233  : i32 {
      %add3A_490 = arith.constant 72 : i32
      %add3A_491 = arith.addi %shift_right_arithmetic3A_10, %add3A_490 : i32
      %shift_right_arithmetic3A_492 = arith.constant 4 : i32
      %shift_right_arithmetic3A_493 = arith.shrsi %scan3A_489, %shift_right_arithmetic3A_492 : i32
      %add3A_494 = arith.addi %add3A_491, %shift_right_arithmetic3A_493 : i32
      %broadcast_in_dim3A = arith.constant 0 : i32
      %broadcast_in_dim3A_495 = vector.broadcast %broadcast_in_dim3A : i32 to vector<16xi32>
      %add3A_496 = vector.broadcast %add3A_494 : i32 to vector<16xi32>
      %add3A_497 = arith.addi %broadcast_in_dim3A_495, %add3A_496 : vector<16xi32>
      %mul3A_498 = arith.constant 128 : i32
      %mul3A_499 = arith.muli %scan3A_489, %mul3A_498 : i32
      %add3A_500 = arith.constant 0 : i32
      %add3A_501 = arith.addi %mul3A_499, %add3A_500 : i32
      %swap3A = arith.index_cast %add3A_501 : i32 to index
      %swap3A_502 = tpu.vector_load %arg5[%swap3A] {strides = array<i32>} : memref<16384xi32, #tpu.memory_space<vmem>>, vector<16xi32>,
      %swap3A_503 = vector.shape_cast %swap3A_502 : vector<16xi32> to vector<16xi32>
      %swap3A_504 = vector.shape_cast %add3A_497 : vector<16xi32> to vector<16xi32>
      tpu.vector_store %arg5[%swap3A], %swap3A_504 {strides = array<i32>} : memref<16384xi32, #tpu.memory_space<vmem>>, vector<16xi32>,
      %mul3A_505 = arith.constant 128 : i32
      %mul3A_506 = arith.muli %scan3A_489, %mul3A_505 : i32
      %add3A_507 = arith.constant 16 : i32
      %add3A_508 = arith.addi %mul3A_506, %add3A_507 : i32
      %swap3A_509 = arith.index_cast %add3A_508 : i32 to index
      %swap3A_510 = tpu.vector_load %arg5[%swap3A_509] {strides = array<i32>} : memref<16384xi32, #tpu.memory_space<vmem>>, vector<16xi32>,
      %swap3A_511 = vector.shape_cast %swap3A_510 : vector<16xi32> to vector<16xi32>
      %swap3A_512 = vector.shape_cast %add3A_497 : vector<16xi32> to vector<16xi32>
      tpu.vector_store %arg5[%swap3A_509], %swap3A_512 {strides = array<i32>} : memref<16384xi32, #tpu.memory_space<vmem>>, vector<16xi32>,
      %mul3A_513 = arith.constant 128 : i32
      %mul3A_514 = arith.muli %scan3A_489, %mul3A_513 : i32
      %add3A_515 = arith.constant 32 : i32
      %add3A_516 = arith.addi %mul3A_514, %add3A_515 : i32
      %swap3A_517 = arith.index_cast %add3A_516 : i32 to index
      %swap3A_518 = tpu.vector_load %arg5[%swap3A_517] {strides = array<i32>} : memref<16384xi32, #tpu.memory_space<vmem>>, vector<16xi32>,
      %swap3A_519 = vector.shape_cast %swap3A_518 : vector<16xi32> to vector<16xi32>
      %swap3A_520 = vector.shape_cast %add3A_497 : vector<16xi32> to vector<16xi32>
      tpu.vector_store %arg5[%swap3A_517], %swap3A_520 {strides = array<i32>} : memref<16384xi32, #tpu.memory_space<vmem>>, vector<16xi32>,
      %mul3A_521 = arith.constant 128 : i32
      %mul3A_522 = arith.muli %scan3A_489, %mul3A_521 : i32
      %add3A_523 = arith.constant 48 : i32
      %add3A_524 = arith.addi %mul3A_522, %add3A_523 : i32
      %swap3A_525 = arith.index_cast %add3A_524 : i32 to index
      %swap3A_526 = tpu.vector_load %arg5[%swap3A_525] {strides = array<i32>} : memref<16384xi32, #tpu.memory_space<vmem>>, vector<16xi32>,
      %swap3A_527 = vector.shape_cast %swap3A_526 : vector<16xi32> to vector<16xi32>
      %swap3A_528 = vector.shape_cast %add3A_497 : vector<16xi32> to vector<16xi32>
      tpu.vector_store %arg5[%swap3A_525], %swap3A_528 {strides = array<i32>} : memref<16384xi32, #tpu.memory_space<vmem>>, vector<16xi32>,
      %mul3A_529 = arith.constant 128 : i32
      %mul3A_530 = arith.muli %scan3A_489, %mul3A_529 : i32
      %add3A_531 = arith.constant 64 : i32
      %add3A_532 = arith.addi %mul3A_530, %add3A_531 : i32
      %swap3A_533 = arith.index_cast %add3A_532 : i32 to index
      %swap3A_534 = tpu.vector_load %arg5[%swap3A_533] {strides = array<i32>} : memref<16384xi32, #tpu.memory_space<vmem>>, vector<16xi32>,
      %swap3A_535 = vector.shape_cast %swap3A_534 : vector<16xi32> to vector<16xi32>
      %swap3A_536 = vector.shape_cast %add3A_497 : vector<16xi32> to vector<16xi32>
      tpu.vector_store %arg5[%swap3A_533], %swap3A_536 {strides = array<i32>} : memref<16384xi32, #tpu.memory_space<vmem>>, vector<16xi32>,
      %mul3A_537 = arith.constant 128 : i32
      %mul3A_538 = arith.muli %scan3A_489, %mul3A_537 : i32
      %add3A_539 = arith.constant 80 : i32
      %add3A_540 = arith.addi %mul3A_538, %add3A_539 : i32
      %swap3A_541 = arith.index_cast %add3A_540 : i32 to index
      %swap3A_542 = tpu.vector_load %arg5[%swap3A_541] {strides = array<i32>} : memref<16384xi32, #tpu.memory_space<vmem>>, vector<16xi32>,
      %swap3A_543 = vector.shape_cast %swap3A_542 : vector<16xi32> to vector<16xi32>
      %swap3A_544 = vector.shape_cast %add3A_497 : vector<16xi32> to vector<16xi32>
      tpu.vector_store %arg5[%swap3A_541], %swap3A_544 {strides = array<i32>} : memref<16384xi32, #tpu.memory_space<vmem>>, vector<16xi32>,
      %mul3A_545 = arith.constant 128 : i32
      %mul3A_546 = arith.muli %scan3A_489, %mul3A_545 : i32
      %add3A_547 = arith.constant 96 : i32
      %add3A_548 = arith.addi %mul3A_546, %add3A_547 : i32
      %swap3A_549 = arith.index_cast %add3A_548 : i32 to index
      %swap3A_550 = tpu.vector_load %arg5[%swap3A_549] {strides = array<i32>} : memref<16384xi32, #tpu.memory_space<vmem>>, vector<16xi32>,
      %swap3A_551 = vector.shape_cast %swap3A_550 : vector<16xi32> to vector<16xi32>
      %swap3A_552 = vector.shape_cast %add3A_497 : vector<16xi32> to vector<16xi32>
      tpu.vector_store %arg5[%swap3A_549], %swap3A_552 {strides = array<i32>} : memref<16384xi32, #tpu.memory_space<vmem>>, vector<16xi32>,
      %mul3A_553 = arith.constant 128 : i32
      %mul3A_554 = arith.muli %scan3A_489, %mul3A_553 : i32
      %add3A_555 = arith.constant 112 : i32
      %add3A_556 = arith.addi %mul3A_554, %add3A_555 : i32
      %swap3A_557 = arith.index_cast %add3A_556 : i32 to index
      %swap3A_558 = tpu.vector_load %arg5[%swap3A_557] {strides = array<i32>} : memref<16384xi32, #tpu.memory_space<vmem>>, vector<16xi32>,
      %swap3A_559 = vector.shape_cast %swap3A_558 : vector<16xi32> to vector<16xi32>
      %swap3A_560 = vector.shape_cast %add3A_497 : vector<16xi32> to vector<16xi32>
      tpu.vector_store %arg5[%swap3A_557], %swap3A_560 {strides = array<i32>} : memref<16384xi32, #tpu.memory_space<vmem>>, vector<16xi32>,
    }
    %scan3A_234 = arith.constant 128 : i32
    %add3A_235 = arith.constant 147456 : i32
    %add3A_236 = arith.addi %mul3A_2, %add3A_235 : i32
    %dma_start3A_237 = arith.constant 0 : i32
    %dma_start3A_238 = tpu.memref_slice %arg2[%dma_start3A_237, %add3A_236] : memref<2x8388608xi32, #tpu.memory_space<hbm>> -> memref<1x16384xi32, #tpu.memory_space<hbm>>
    %dma_start3A_239 = tpu.memref_squeeze %dma_start3A_238 : memref<1x16384xi32, #tpu.memory_space<hbm>> -> memref<16384xi32, #tpu.memory_space<hbm>>
    %dma_start3A_240 = tpu.memref_slice %arg2[%dma_start3A_237, %add3A_236] : memref<2x8388608xi32, #tpu.memory_space<hbm>> -> memref<1x16384xi32, #tpu.memory_space<hbm>>
    %dma_start3A_241 = tpu.memref_squeeze %dma_start3A_240 : memref<1x16384xi32, #tpu.memory_space<hbm>> -> memref<16384xi32, #tpu.memory_space<hbm>>
    tpu.enqueue_dma source(%arg5 : memref<16384xi32, #tpu.memory_space<vmem>>) target(%dma_start3A_241 : memref<16384xi32, #tpu.memory_space<hbm>>) target_semaphore(%arg7 : memref<!tpu.dma_semaphore, #tpu.memory_space<semaphore_mem>>)
    %add3A_242 = arith.constant 147456 : i32
    %add3A_243 = arith.addi %mul3A_2, %add3A_242 : i32
    %dma_start3A_244 = arith.constant 1 : i32
    %dma_start3A_245 = tpu.memref_slice %arg2[%dma_start3A_244, %add3A_243] : memref<2x8388608xi32, #tpu.memory_space<hbm>> -> memref<1x16384xi32, #tpu.memory_space<hbm>>
    %dma_start3A_246 = tpu.memref_squeeze %dma_start3A_245 : memref<1x16384xi32, #tpu.memory_space<hbm>> -> memref<16384xi32, #tpu.memory_space<hbm>>
    %dma_start3A_247 = tpu.memref_slice %arg2[%dma_start3A_244, %add3A_243] : memref<2x8388608xi32, #tpu.memory_space<hbm>> -> memref<1x16384xi32, #tpu.memory_space<hbm>>
    %dma_start3A_248 = tpu.memref_squeeze %dma_start3A_247 : memref<1x16384xi32, #tpu.memory_space<hbm>> -> memref<16384xi32, #tpu.memory_space<hbm>>
    tpu.enqueue_dma source(%arg3 : memref<16384xi32, #tpu.memory_space<vmem>>) target(%dma_start3A_248 : memref<16384xi32, #tpu.memory_space<hbm>>) target_semaphore(%arg6 : memref<!tpu.dma_semaphore, #tpu.memory_space<semaphore_mem>>)
    %dma_wait3A_249 = arith.constant 0 : i32
    %dma_wait3A_250 = tpu.memref_slice %arg2[%dma_wait3A_249, %add3A_211] : memref<2x8388608xi32, #tpu.memory_space<hbm>> -> memref<1x16384xi32, #tpu.memory_space<hbm>>
    %dma_wait3A_251 = tpu.memref_squeeze %dma_wait3A_250 : memref<1x16384xi32, #tpu.memory_space<hbm>> -> memref<16384xi32, #tpu.memory_space<hbm>>
    %dma_wait3A_252 = tpu.memref_slice %arg2[%dma_wait3A_249, %add3A_211] : memref<2x8388608xi32, #tpu.memory_space<hbm>> -> memref<1x16384xi32, #tpu.memory_space<hbm>>
    %dma_wait3A_253 = tpu.memref_squeeze %dma_wait3A_252 : memref<1x16384xi32, #tpu.memory_space<hbm>> -> memref<16384xi32, #tpu.memory_space<hbm>>
    tpu.wait_dma2 semaphore(%arg7 : memref<!tpu.dma_semaphore, #tpu.memory_space<semaphore_mem>>) src(%arg4 : memref<16384xi32, #tpu.memory_space<vmem>>) dst(%dma_wait3A_253 : memref<16384xi32, #tpu.memory_space<hbm>>)
    %scan3A_254 = arith.constant 0 : i32
    %scan3A_255 = arith.constant 0 : i32
    %scan3A_256 = arith.constant 128 : i32
    %scan3A_257 = arith.addi %scan3A_255, %scan3A_256 : i32
    %scan3A_258 = arith.constant 1 : i32
    scf.for %scan3A_489 = %scan3A_255 to %scan3A_257 step %scan3A_258  : i32 {
      %add3A_490 = arith.constant 80 : i32
      %add3A_491 = arith.addi %shift_right_arithmetic3A_10, %add3A_490 : i32
      %shift_right_arithmetic3A_492 = arith.constant 4 : i32
      %shift_right_arithmetic3A_493 = arith.shrsi %scan3A_489, %shift_right_arithmetic3A_492 : i32
      %add3A_494 = arith.addi %add3A_491, %shift_right_arithmetic3A_493 : i32
      %broadcast_in_dim3A = arith.constant 0 : i32
      %broadcast_in_dim3A_495 = vector.broadcast %broadcast_in_dim3A : i32 to vector<16xi32>
      %add3A_496 = vector.broadcast %add3A_494 : i32 to vector<16xi32>
      %add3A_497 = arith.addi %broadcast_in_dim3A_495, %add3A_496 : vector<16xi32>
      %mul3A_498 = arith.constant 128 : i32
      %mul3A_499 = arith.muli %scan3A_489, %mul3A_498 : i32
      %add3A_500 = arith.constant 0 : i32
      %add3A_501 = arith.addi %mul3A_499, %add3A_500 : i32
      %swap3A = arith.index_cast %add3A_501 : i32 to index
      %swap3A_502 = tpu.vector_load %arg4[%swap3A] {strides = array<i32>} : memref<16384xi32, #tpu.memory_space<vmem>>, vector<16xi32>,
      %swap3A_503 = vector.shape_cast %swap3A_502 : vector<16xi32> to vector<16xi32>
      %swap3A_504 = vector.shape_cast %add3A_497 : vector<16xi32> to vector<16xi32>
      tpu.vector_store %arg4[%swap3A], %swap3A_504 {strides = array<i32>} : memref<16384xi32, #tpu.memory_space<vmem>>, vector<16xi32>,
      %mul3A_505 = arith.constant 128 : i32
      %mul3A_506 = arith.muli %scan3A_489, %mul3A_505 : i32
      %add3A_507 = arith.constant 16 : i32
      %add3A_508 = arith.addi %mul3A_506, %add3A_507 : i32
      %swap3A_509 = arith.index_cast %add3A_508 : i32 to index
      %swap3A_510 = tpu.vector_load %arg4[%swap3A_509] {strides = array<i32>} : memref<16384xi32, #tpu.memory_space<vmem>>, vector<16xi32>,
      %swap3A_511 = vector.shape_cast %swap3A_510 : vector<16xi32> to vector<16xi32>
      %swap3A_512 = vector.shape_cast %add3A_497 : vector<16xi32> to vector<16xi32>
      tpu.vector_store %arg4[%swap3A_509], %swap3A_512 {strides = array<i32>} : memref<16384xi32, #tpu.memory_space<vmem>>, vector<16xi32>,
      %mul3A_513 = arith.constant 128 : i32
      %mul3A_514 = arith.muli %scan3A_489, %mul3A_513 : i32
      %add3A_515 = arith.constant 32 : i32
      %add3A_516 = arith.addi %mul3A_514, %add3A_515 : i32
      %swap3A_517 = arith.index_cast %add3A_516 : i32 to index
      %swap3A_518 = tpu.vector_load %arg4[%swap3A_517] {strides = array<i32>} : memref<16384xi32, #tpu.memory_space<vmem>>, vector<16xi32>,
      %swap3A_519 = vector.shape_cast %swap3A_518 : vector<16xi32> to vector<16xi32>
      %swap3A_520 = vector.shape_cast %add3A_497 : vector<16xi32> to vector<16xi32>
      tpu.vector_store %arg4[%swap3A_517], %swap3A_520 {strides = array<i32>} : memref<16384xi32, #tpu.memory_space<vmem>>, vector<16xi32>,
      %mul3A_521 = arith.constant 128 : i32
      %mul3A_522 = arith.muli %scan3A_489, %mul3A_521 : i32
      %add3A_523 = arith.constant 48 : i32
      %add3A_524 = arith.addi %mul3A_522, %add3A_523 : i32
      %swap3A_525 = arith.index_cast %add3A_524 : i32 to index
      %swap3A_526 = tpu.vector_load %arg4[%swap3A_525] {strides = array<i32>} : memref<16384xi32, #tpu.memory_space<vmem>>, vector<16xi32>,
      %swap3A_527 = vector.shape_cast %swap3A_526 : vector<16xi32> to vector<16xi32>
      %swap3A_528 = vector.shape_cast %add3A_497 : vector<16xi32> to vector<16xi32>
      tpu.vector_store %arg4[%swap3A_525], %swap3A_528 {strides = array<i32>} : memref<16384xi32, #tpu.memory_space<vmem>>, vector<16xi32>,
      %mul3A_529 = arith.constant 128 : i32
      %mul3A_530 = arith.muli %scan3A_489, %mul3A_529 : i32
      %add3A_531 = arith.constant 64 : i32
      %add3A_532 = arith.addi %mul3A_530, %add3A_531 : i32
      %swap3A_533 = arith.index_cast %add3A_532 : i32 to index
      %swap3A_534 = tpu.vector_load %arg4[%swap3A_533] {strides = array<i32>} : memref<16384xi32, #tpu.memory_space<vmem>>, vector<16xi32>,
      %swap3A_535 = vector.shape_cast %swap3A_534 : vector<16xi32> to vector<16xi32>
      %swap3A_536 = vector.shape_cast %add3A_497 : vector<16xi32> to vector<16xi32>
      tpu.vector_store %arg4[%swap3A_533], %swap3A_536 {strides = array<i32>} : memref<16384xi32, #tpu.memory_space<vmem>>, vector<16xi32>,
      %mul3A_537 = arith.constant 128 : i32
      %mul3A_538 = arith.muli %scan3A_489, %mul3A_537 : i32
      %add3A_539 = arith.constant 80 : i32
      %add3A_540 = arith.addi %mul3A_538, %add3A_539 : i32
      %swap3A_541 = arith.index_cast %add3A_540 : i32 to index
      %swap3A_542 = tpu.vector_load %arg4[%swap3A_541] {strides = array<i32>} : memref<16384xi32, #tpu.memory_space<vmem>>, vector<16xi32>,
      %swap3A_543 = vector.shape_cast %swap3A_542 : vector<16xi32> to vector<16xi32>
      %swap3A_544 = vector.shape_cast %add3A_497 : vector<16xi32> to vector<16xi32>
      tpu.vector_store %arg4[%swap3A_541], %swap3A_544 {strides = array<i32>} : memref<16384xi32, #tpu.memory_space<vmem>>, vector<16xi32>,
      %mul3A_545 = arith.constant 128 : i32
      %mul3A_546 = arith.muli %scan3A_489, %mul3A_545 : i32
      %add3A_547 = arith.constant 96 : i32
      %add3A_548 = arith.addi %mul3A_546, %add3A_547 : i32
      %swap3A_549 = arith.index_cast %add3A_548 : i32 to index
      %swap3A_550 = tpu.vector_load %arg4[%swap3A_549] {strides = array<i32>} : memref<16384xi32, #tpu.memory_space<vmem>>, vector<16xi32>,
      %swap3A_551 = vector.shape_cast %swap3A_550 : vector<16xi32> to vector<16xi32>
      %swap3A_552 = vector.shape_cast %add3A_497 : vector<16xi32> to vector<16xi32>
      tpu.vector_store %arg4[%swap3A_549], %swap3A_552 {strides = array<i32>} : memref<16384xi32, #tpu.memory_space<vmem>>, vector<16xi32>,
      %mul3A_553 = arith.constant 128 : i32
      %mul3A_554 = arith.muli %scan3A_489, %mul3A_553 : i32
      %add3A_555 = arith.constant 112 : i32
      %add3A_556 = arith.addi %mul3A_554, %add3A_555 : i32
      %swap3A_557 = arith.index_cast %add3A_556 : i32 to index
      %swap3A_558 = tpu.vector_load %arg4[%swap3A_557] {strides = array<i32>} : memref<16384xi32, #tpu.memory_space<vmem>>, vector<16xi32>,
      %swap3A_559 = vector.shape_cast %swap3A_558 : vector<16xi32> to vector<16xi32>
      %swap3A_560 = vector.shape_cast %add3A_497 : vector<16xi32> to vector<16xi32>
      tpu.vector_store %arg4[%swap3A_557], %swap3A_560 {strides = array<i32>} : memref<16384xi32, #tpu.memory_space<vmem>>, vector<16xi32>,
    }
    %scan3A_259 = arith.constant 128 : i32
    %add3A_260 = arith.constant 163840 : i32
    %add3A_261 = arith.addi %mul3A_2, %add3A_260 : i32
    %dma_start3A_262 = arith.constant 0 : i32
    %dma_start3A_263 = tpu.memref_slice %arg2[%dma_start3A_262, %add3A_261] : memref<2x8388608xi32, #tpu.memory_space<hbm>> -> memref<1x16384xi32, #tpu.memory_space<hbm>>
    %dma_start3A_264 = tpu.memref_squeeze %dma_start3A_263 : memref<1x16384xi32, #tpu.memory_space<hbm>> -> memref<16384xi32, #tpu.memory_space<hbm>>
    %dma_start3A_265 = tpu.memref_slice %arg2[%dma_start3A_262, %add3A_261] : memref<2x8388608xi32, #tpu.memory_space<hbm>> -> memref<1x16384xi32, #tpu.memory_space<hbm>>
    %dma_start3A_266 = tpu.memref_squeeze %dma_start3A_265 : memref<1x16384xi32, #tpu.memory_space<hbm>> -> memref<16384xi32, #tpu.memory_space<hbm>>
    tpu.enqueue_dma source(%arg4 : memref<16384xi32, #tpu.memory_space<vmem>>) target(%dma_start3A_266 : memref<16384xi32, #tpu.memory_space<hbm>>) target_semaphore(%arg7 : memref<!tpu.dma_semaphore, #tpu.memory_space<semaphore_mem>>)
    %add3A_267 = arith.constant 163840 : i32
    %add3A_268 = arith.addi %mul3A_2, %add3A_267 : i32
    %dma_start3A_269 = arith.constant 1 : i32
    %dma_start3A_270 = tpu.memref_slice %arg2[%dma_start3A_269, %add3A_268] : memref<2x8388608xi32, #tpu.memory_space<hbm>> -> memref<1x16384xi32, #tpu.memory_space<hbm>>
    %dma_start3A_271 = tpu.memref_squeeze %dma_start3A_270 : memref<1x16384xi32, #tpu.memory_space<hbm>> -> memref<16384xi32, #tpu.memory_space<hbm>>
    %dma_start3A_272 = tpu.memref_slice %arg2[%dma_start3A_269, %add3A_268] : memref<2x8388608xi32, #tpu.memory_space<hbm>> -> memref<1x16384xi32, #tpu.memory_space<hbm>>
    %dma_start3A_273 = tpu.memref_squeeze %dma_start3A_272 : memref<1x16384xi32, #tpu.memory_space<hbm>> -> memref<16384xi32, #tpu.memory_space<hbm>>
    tpu.enqueue_dma source(%arg3 : memref<16384xi32, #tpu.memory_space<vmem>>) target(%dma_start3A_273 : memref<16384xi32, #tpu.memory_space<hbm>>) target_semaphore(%arg6 : memref<!tpu.dma_semaphore, #tpu.memory_space<semaphore_mem>>)
    %dma_wait3A_274 = arith.constant 0 : i32
    %dma_wait3A_275 = tpu.memref_slice %arg2[%dma_wait3A_274, %add3A_236] : memref<2x8388608xi32, #tpu.memory_space<hbm>> -> memref<1x16384xi32, #tpu.memory_space<hbm>>
    %dma_wait3A_276 = tpu.memref_squeeze %dma_wait3A_275 : memref<1x16384xi32, #tpu.memory_space<hbm>> -> memref<16384xi32, #tpu.memory_space<hbm>>
    %dma_wait3A_277 = tpu.memref_slice %arg2[%dma_wait3A_274, %add3A_236] : memref<2x8388608xi32, #tpu.memory_space<hbm>> -> memref<1x16384xi32, #tpu.memory_space<hbm>>
    %dma_wait3A_278 = tpu.memref_squeeze %dma_wait3A_277 : memref<1x16384xi32, #tpu.memory_space<hbm>> -> memref<16384xi32, #tpu.memory_space<hbm>>
    tpu.wait_dma2 semaphore(%arg7 : memref<!tpu.dma_semaphore, #tpu.memory_space<semaphore_mem>>) src(%arg5 : memref<16384xi32, #tpu.memory_space<vmem>>) dst(%dma_wait3A_278 : memref<16384xi32, #tpu.memory_space<hbm>>)
    %scan3A_279 = arith.constant 0 : i32
    %scan3A_280 = arith.constant 0 : i32
    %scan3A_281 = arith.constant 128 : i32
    %scan3A_282 = arith.addi %scan3A_280, %scan3A_281 : i32
    %scan3A_283 = arith.constant 1 : i32
    scf.for %scan3A_489 = %scan3A_280 to %scan3A_282 step %scan3A_283  : i32 {
      %add3A_490 = arith.constant 88 : i32
      %add3A_491 = arith.addi %shift_right_arithmetic3A_10, %add3A_490 : i32
      %shift_right_arithmetic3A_492 = arith.constant 4 : i32
      %shift_right_arithmetic3A_493 = arith.shrsi %scan3A_489, %shift_right_arithmetic3A_492 : i32
      %add3A_494 = arith.addi %add3A_491, %shift_right_arithmetic3A_493 : i32
      %broadcast_in_dim3A = arith.constant 0 : i32
      %broadcast_in_dim3A_495 = vector.broadcast %broadcast_in_dim3A : i32 to vector<16xi32>
      %add3A_496 = vector.broadcast %add3A_494 : i32 to vector<16xi32>
      %add3A_497 = arith.addi %broadcast_in_dim3A_495, %add3A_496 : vector<16xi32>
      %mul3A_498 = arith.constant 128 : i32
      %mul3A_499 = arith.muli %scan3A_489, %mul3A_498 : i32
      %add3A_500 = arith.constant 0 : i32
      %add3A_501 = arith.addi %mul3A_499, %add3A_500 : i32
      %swap3A = arith.index_cast %add3A_501 : i32 to index
      %swap3A_502 = tpu.vector_load %arg5[%swap3A] {strides = array<i32>} : memref<16384xi32, #tpu.memory_space<vmem>>, vector<16xi32>,
      %swap3A_503 = vector.shape_cast %swap3A_502 : vector<16xi32> to vector<16xi32>
      %swap3A_504 = vector.shape_cast %add3A_497 : vector<16xi32> to vector<16xi32>
      tpu.vector_store %arg5[%swap3A], %swap3A_504 {strides = array<i32>} : memref<16384xi32, #tpu.memory_space<vmem>>, vector<16xi32>,
      %mul3A_505 = arith.constant 128 : i32
      %mul3A_506 = arith.muli %scan3A_489, %mul3A_505 : i32
      %add3A_507 = arith.constant 16 : i32
      %add3A_508 = arith.addi %mul3A_506, %add3A_507 : i32
      %swap3A_509 = arith.index_cast %add3A_508 : i32 to index
      %swap3A_510 = tpu.vector_load %arg5[%swap3A_509] {strides = array<i32>} : memref<16384xi32, #tpu.memory_space<vmem>>, vector<16xi32>,
      %swap3A_511 = vector.shape_cast %swap3A_510 : vector<16xi32> to vector<16xi32>
      %swap3A_512 = vector.shape_cast %add3A_497 : vector<16xi32> to vector<16xi32>
      tpu.vector_store %arg5[%swap3A_509], %swap3A_512 {strides = array<i32>} : memref<16384xi32, #tpu.memory_space<vmem>>, vector<16xi32>,
      %mul3A_513 = arith.constant 128 : i32
      %mul3A_514 = arith.muli %scan3A_489, %mul3A_513 : i32
      %add3A_515 = arith.constant 32 : i32
      %add3A_516 = arith.addi %mul3A_514, %add3A_515 : i32
      %swap3A_517 = arith.index_cast %add3A_516 : i32 to index
      %swap3A_518 = tpu.vector_load %arg5[%swap3A_517] {strides = array<i32>} : memref<16384xi32, #tpu.memory_space<vmem>>, vector<16xi32>,
      %swap3A_519 = vector.shape_cast %swap3A_518 : vector<16xi32> to vector<16xi32>
      %swap3A_520 = vector.shape_cast %add3A_497 : vector<16xi32> to vector<16xi32>
      tpu.vector_store %arg5[%swap3A_517], %swap3A_520 {strides = array<i32>} : memref<16384xi32, #tpu.memory_space<vmem>>, vector<16xi32>,
      %mul3A_521 = arith.constant 128 : i32
      %mul3A_522 = arith.muli %scan3A_489, %mul3A_521 : i32
      %add3A_523 = arith.constant 48 : i32
      %add3A_524 = arith.addi %mul3A_522, %add3A_523 : i32
      %swap3A_525 = arith.index_cast %add3A_524 : i32 to index
      %swap3A_526 = tpu.vector_load %arg5[%swap3A_525] {strides = array<i32>} : memref<16384xi32, #tpu.memory_space<vmem>>, vector<16xi32>,
      %swap3A_527 = vector.shape_cast %swap3A_526 : vector<16xi32> to vector<16xi32>
      %swap3A_528 = vector.shape_cast %add3A_497 : vector<16xi32> to vector<16xi32>
      tpu.vector_store %arg5[%swap3A_525], %swap3A_528 {strides = array<i32>} : memref<16384xi32, #tpu.memory_space<vmem>>, vector<16xi32>,
      %mul3A_529 = arith.constant 128 : i32
      %mul3A_530 = arith.muli %scan3A_489, %mul3A_529 : i32
      %add3A_531 = arith.constant 64 : i32
      %add3A_532 = arith.addi %mul3A_530, %add3A_531 : i32
      %swap3A_533 = arith.index_cast %add3A_532 : i32 to index
      %swap3A_534 = tpu.vector_load %arg5[%swap3A_533] {strides = array<i32>} : memref<16384xi32, #tpu.memory_space<vmem>>, vector<16xi32>,
      %swap3A_535 = vector.shape_cast %swap3A_534 : vector<16xi32> to vector<16xi32>
      %swap3A_536 = vector.shape_cast %add3A_497 : vector<16xi32> to vector<16xi32>
      tpu.vector_store %arg5[%swap3A_533], %swap3A_536 {strides = array<i32>} : memref<16384xi32, #tpu.memory_space<vmem>>, vector<16xi32>,
      %mul3A_537 = arith.constant 128 : i32
      %mul3A_538 = arith.muli %scan3A_489, %mul3A_537 : i32
      %add3A_539 = arith.constant 80 : i32
      %add3A_540 = arith.addi %mul3A_538, %add3A_539 : i32
      %swap3A_541 = arith.index_cast %add3A_540 : i32 to index
      %swap3A_542 = tpu.vector_load %arg5[%swap3A_541] {strides = array<i32>} : memref<16384xi32, #tpu.memory_space<vmem>>, vector<16xi32>,
      %swap3A_543 = vector.shape_cast %swap3A_542 : vector<16xi32> to vector<16xi32>
      %swap3A_544 = vector.shape_cast %add3A_497 : vector<16xi32> to vector<16xi32>
      tpu.vector_store %arg5[%swap3A_541], %swap3A_544 {strides = array<i32>} : memref<16384xi32, #tpu.memory_space<vmem>>, vector<16xi32>,
      %mul3A_545 = arith.constant 128 : i32
      %mul3A_546 = arith.muli %scan3A_489, %mul3A_545 : i32
      %add3A_547 = arith.constant 96 : i32
      %add3A_548 = arith.addi %mul3A_546, %add3A_547 : i32
      %swap3A_549 = arith.index_cast %add3A_548 : i32 to index
      %swap3A_550 = tpu.vector_load %arg5[%swap3A_549] {strides = array<i32>} : memref<16384xi32, #tpu.memory_space<vmem>>, vector<16xi32>,
      %swap3A_551 = vector.shape_cast %swap3A_550 : vector<16xi32> to vector<16xi32>
      %swap3A_552 = vector.shape_cast %add3A_497 : vector<16xi32> to vector<16xi32>
      tpu.vector_store %arg5[%swap3A_549], %swap3A_552 {strides = array<i32>} : memref<16384xi32, #tpu.memory_space<vmem>>, vector<16xi32>,
      %mul3A_553 = arith.constant 128 : i32
      %mul3A_554 = arith.muli %scan3A_489, %mul3A_553 : i32
      %add3A_555 = arith.constant 112 : i32
      %add3A_556 = arith.addi %mul3A_554, %add3A_555 : i32
      %swap3A_557 = arith.index_cast %add3A_556 : i32 to index
      %swap3A_558 = tpu.vector_load %arg5[%swap3A_557] {strides = array<i32>} : memref<16384xi32, #tpu.memory_space<vmem>>, vector<16xi32>,
      %swap3A_559 = vector.shape_cast %swap3A_558 : vector<16xi32> to vector<16xi32>
      %swap3A_560 = vector.shape_cast %add3A_497 : vector<16xi32> to vector<16xi32>
      tpu.vector_store %arg5[%swap3A_557], %swap3A_560 {strides = array<i32>} : memref<16384xi32, #tpu.memory_space<vmem>>, vector<16xi32>,
    }
    %scan3A_284 = arith.constant 128 : i32
    %add3A_285 = arith.constant 180224 : i32
    %add3A_286 = arith.addi %mul3A_2, %add3A_285 : i32
    %dma_start3A_287 = arith.constant 0 : i32
    %dma_start3A_288 = tpu.memref_slice %arg2[%dma_start3A_287, %add3A_286] : memref<2x8388608xi32, #tpu.memory_space<hbm>> -> memref<1x16384xi32, #tpu.memory_space<hbm>>
    %dma_start3A_289 = tpu.memref_squeeze %dma_start3A_288 : memref<1x16384xi32, #tpu.memory_space<hbm>> -> memref<16384xi32, #tpu.memory_space<hbm>>
    %dma_start3A_290 = tpu.memref_slice %arg2[%dma_start3A_287, %add3A_286] : memref<2x8388608xi32, #tpu.memory_space<hbm>> -> memref<1x16384xi32, #tpu.memory_space<hbm>>
    %dma_start3A_291 = tpu.memref_squeeze %dma_start3A_290 : memref<1x16384xi32, #tpu.memory_space<hbm>> -> memref<16384xi32, #tpu.memory_space<hbm>>
    tpu.enqueue_dma source(%arg5 : memref<16384xi32, #tpu.memory_space<vmem>>) target(%dma_start3A_291 : memref<16384xi32, #tpu.memory_space<hbm>>) target_semaphore(%arg7 : memref<!tpu.dma_semaphore, #tpu.memory_space<semaphore_mem>>)
    %add3A_292 = arith.constant 180224 : i32
    %add3A_293 = arith.addi %mul3A_2, %add3A_292 : i32
    %dma_start3A_294 = arith.constant 1 : i32
    %dma_start3A_295 = tpu.memref_slice %arg2[%dma_start3A_294, %add3A_293] : memref<2x8388608xi32, #tpu.memory_space<hbm>> -> memref<1x16384xi32, #tpu.memory_space<hbm>>
    %dma_start3A_296 = tpu.memref_squeeze %dma_start3A_295 : memref<1x16384xi32, #tpu.memory_space<hbm>> -> memref<16384xi32, #tpu.memory_space<hbm>>
    %dma_start3A_297 = tpu.memref_slice %arg2[%dma_start3A_294, %add3A_293] : memref<2x8388608xi32, #tpu.memory_space<hbm>> -> memref<1x16384xi32, #tpu.memory_space<hbm>>
    %dma_start3A_298 = tpu.memref_squeeze %dma_start3A_297 : memref<1x16384xi32, #tpu.memory_space<hbm>> -> memref<16384xi32, #tpu.memory_space<hbm>>
    tpu.enqueue_dma source(%arg3 : memref<16384xi32, #tpu.memory_space<vmem>>) target(%dma_start3A_298 : memref<16384xi32, #tpu.memory_space<hbm>>) target_semaphore(%arg6 : memref<!tpu.dma_semaphore, #tpu.memory_space<semaphore_mem>>)
    %dma_wait3A_299 = arith.constant 0 : i32
    %dma_wait3A_300 = tpu.memref_slice %arg2[%dma_wait3A_299, %add3A_261] : memref<2x8388608xi32, #tpu.memory_space<hbm>> -> memref<1x16384xi32, #tpu.memory_space<hbm>>
    %dma_wait3A_301 = tpu.memref_squeeze %dma_wait3A_300 : memref<1x16384xi32, #tpu.memory_space<hbm>> -> memref<16384xi32, #tpu.memory_space<hbm>>
    %dma_wait3A_302 = tpu.memref_slice %arg2[%dma_wait3A_299, %add3A_261] : memref<2x8388608xi32, #tpu.memory_space<hbm>> -> memref<1x16384xi32, #tpu.memory_space<hbm>>
    %dma_wait3A_303 = tpu.memref_squeeze %dma_wait3A_302 : memref<1x16384xi32, #tpu.memory_space<hbm>> -> memref<16384xi32, #tpu.memory_space<hbm>>
    tpu.wait_dma2 semaphore(%arg7 : memref<!tpu.dma_semaphore, #tpu.memory_space<semaphore_mem>>) src(%arg4 : memref<16384xi32, #tpu.memory_space<vmem>>) dst(%dma_wait3A_303 : memref<16384xi32, #tpu.memory_space<hbm>>)
    %scan3A_304 = arith.constant 0 : i32
    %scan3A_305 = arith.constant 0 : i32
    %scan3A_306 = arith.constant 128 : i32
    %scan3A_307 = arith.addi %scan3A_305, %scan3A_306 : i32
    %scan3A_308 = arith.constant 1 : i32
    scf.for %scan3A_489 = %scan3A_305 to %scan3A_307 step %scan3A_308  : i32 {
      %add3A_490 = arith.constant 96 : i32
      %add3A_491 = arith.addi %shift_right_arithmetic3A_10, %add3A_490 : i32
      %shift_right_arithmetic3A_492 = arith.constant 4 : i32
      %shift_right_arithmetic3A_493 = arith.shrsi %scan3A_489, %shift_right_arithmetic3A_492 : i32
      %add3A_494 = arith.addi %add3A_491, %shift_right_arithmetic3A_493 : i32
      %broadcast_in_dim3A = arith.constant 0 : i32
      %broadcast_in_dim3A_495 = vector.broadcast %broadcast_in_dim3A : i32 to vector<16xi32>
      %add3A_496 = vector.broadcast %add3A_494 : i32 to vector<16xi32>
      %add3A_497 = arith.addi %broadcast_in_dim3A_495, %add3A_496 : vector<16xi32>
      %mul3A_498 = arith.constant 128 : i32
      %mul3A_499 = arith.muli %scan3A_489, %mul3A_498 : i32
      %add3A_500 = arith.constant 0 : i32
      %add3A_501 = arith.addi %mul3A_499, %add3A_500 : i32
      %swap3A = arith.index_cast %add3A_501 : i32 to index
      %swap3A_502 = tpu.vector_load %arg4[%swap3A] {strides = array<i32>} : memref<16384xi32, #tpu.memory_space<vmem>>, vector<16xi32>,
      %swap3A_503 = vector.shape_cast %swap3A_502 : vector<16xi32> to vector<16xi32>
      %swap3A_504 = vector.shape_cast %add3A_497 : vector<16xi32> to vector<16xi32>
      tpu.vector_store %arg4[%swap3A], %swap3A_504 {strides = array<i32>} : memref<16384xi32, #tpu.memory_space<vmem>>, vector<16xi32>,
      %mul3A_505 = arith.constant 128 : i32
      %mul3A_506 = arith.muli %scan3A_489, %mul3A_505 : i32
      %add3A_507 = arith.constant 16 : i32
      %add3A_508 = arith.addi %mul3A_506, %add3A_507 : i32
      %swap3A_509 = arith.index_cast %add3A_508 : i32 to index
      %swap3A_510 = tpu.vector_load %arg4[%swap3A_509] {strides = array<i32>} : memref<16384xi32, #tpu.memory_space<vmem>>, vector<16xi32>,
      %swap3A_511 = vector.shape_cast %swap3A_510 : vector<16xi32> to vector<16xi32>
      %swap3A_512 = vector.shape_cast %add3A_497 : vector<16xi32> to vector<16xi32>
      tpu.vector_store %arg4[%swap3A_509], %swap3A_512 {strides = array<i32>} : memref<16384xi32, #tpu.memory_space<vmem>>, vector<16xi32>,
      %mul3A_513 = arith.constant 128 : i32
      %mul3A_514 = arith.muli %scan3A_489, %mul3A_513 : i32
      %add3A_515 = arith.constant 32 : i32
      %add3A_516 = arith.addi %mul3A_514, %add3A_515 : i32
      %swap3A_517 = arith.index_cast %add3A_516 : i32 to index
      %swap3A_518 = tpu.vector_load %arg4[%swap3A_517] {strides = array<i32>} : memref<16384xi32, #tpu.memory_space<vmem>>, vector<16xi32>,
      %swap3A_519 = vector.shape_cast %swap3A_518 : vector<16xi32> to vector<16xi32>
      %swap3A_520 = vector.shape_cast %add3A_497 : vector<16xi32> to vector<16xi32>
      tpu.vector_store %arg4[%swap3A_517], %swap3A_520 {strides = array<i32>} : memref<16384xi32, #tpu.memory_space<vmem>>, vector<16xi32>,
      %mul3A_521 = arith.constant 128 : i32
      %mul3A_522 = arith.muli %scan3A_489, %mul3A_521 : i32
      %add3A_523 = arith.constant 48 : i32
      %add3A_524 = arith.addi %mul3A_522, %add3A_523 : i32
      %swap3A_525 = arith.index_cast %add3A_524 : i32 to index
      %swap3A_526 = tpu.vector_load %arg4[%swap3A_525] {strides = array<i32>} : memref<16384xi32, #tpu.memory_space<vmem>>, vector<16xi32>,
      %swap3A_527 = vector.shape_cast %swap3A_526 : vector<16xi32> to vector<16xi32>
      %swap3A_528 = vector.shape_cast %add3A_497 : vector<16xi32> to vector<16xi32>
      tpu.vector_store %arg4[%swap3A_525], %swap3A_528 {strides = array<i32>} : memref<16384xi32, #tpu.memory_space<vmem>>, vector<16xi32>,
      %mul3A_529 = arith.constant 128 : i32
      %mul3A_530 = arith.muli %scan3A_489, %mul3A_529 : i32
      %add3A_531 = arith.constant 64 : i32
      %add3A_532 = arith.addi %mul3A_530, %add3A_531 : i32
      %swap3A_533 = arith.index_cast %add3A_532 : i32 to index
      %swap3A_534 = tpu.vector_load %arg4[%swap3A_533] {strides = array<i32>} : memref<16384xi32, #tpu.memory_space<vmem>>, vector<16xi32>,
      %swap3A_535 = vector.shape_cast %swap3A_534 : vector<16xi32> to vector<16xi32>
      %swap3A_536 = vector.shape_cast %add3A_497 : vector<16xi32> to vector<16xi32>
      tpu.vector_store %arg4[%swap3A_533], %swap3A_536 {strides = array<i32>} : memref<16384xi32, #tpu.memory_space<vmem>>, vector<16xi32>,
      %mul3A_537 = arith.constant 128 : i32
      %mul3A_538 = arith.muli %scan3A_489, %mul3A_537 : i32
      %add3A_539 = arith.constant 80 : i32
      %add3A_540 = arith.addi %mul3A_538, %add3A_539 : i32
      %swap3A_541 = arith.index_cast %add3A_540 : i32 to index
      %swap3A_542 = tpu.vector_load %arg4[%swap3A_541] {strides = array<i32>} : memref<16384xi32, #tpu.memory_space<vmem>>, vector<16xi32>,
      %swap3A_543 = vector.shape_cast %swap3A_542 : vector<16xi32> to vector<16xi32>
      %swap3A_544 = vector.shape_cast %add3A_497 : vector<16xi32> to vector<16xi32>
      tpu.vector_store %arg4[%swap3A_541], %swap3A_544 {strides = array<i32>} : memref<16384xi32, #tpu.memory_space<vmem>>, vector<16xi32>,
      %mul3A_545 = arith.constant 128 : i32
      %mul3A_546 = arith.muli %scan3A_489, %mul3A_545 : i32
      %add3A_547 = arith.constant 96 : i32
      %add3A_548 = arith.addi %mul3A_546, %add3A_547 : i32
      %swap3A_549 = arith.index_cast %add3A_548 : i32 to index
      %swap3A_550 = tpu.vector_load %arg4[%swap3A_549] {strides = array<i32>} : memref<16384xi32, #tpu.memory_space<vmem>>, vector<16xi32>,
      %swap3A_551 = vector.shape_cast %swap3A_550 : vector<16xi32> to vector<16xi32>
      %swap3A_552 = vector.shape_cast %add3A_497 : vector<16xi32> to vector<16xi32>
      tpu.vector_store %arg4[%swap3A_549], %swap3A_552 {strides = array<i32>} : memref<16384xi32, #tpu.memory_space<vmem>>, vector<16xi32>,
      %mul3A_553 = arith.constant 128 : i32
      %mul3A_554 = arith.muli %scan3A_489, %mul3A_553 : i32
      %add3A_555 = arith.constant 112 : i32
      %add3A_556 = arith.addi %mul3A_554, %add3A_555 : i32
      %swap3A_557 = arith.index_cast %add3A_556 : i32 to index
      %swap3A_558 = tpu.vector_load %arg4[%swap3A_557] {strides = array<i32>} : memref<16384xi32, #tpu.memory_space<vmem>>, vector<16xi32>,
      %swap3A_559 = vector.shape_cast %swap3A_558 : vector<16xi32> to vector<16xi32>
      %swap3A_560 = vector.shape_cast %add3A_497 : vector<16xi32> to vector<16xi32>
      tpu.vector_store %arg4[%swap3A_557], %swap3A_560 {strides = array<i32>} : memref<16384xi32, #tpu.memory_space<vmem>>, vector<16xi32>,
    }
    %scan3A_309 = arith.constant 128 : i32
    %add3A_310 = arith.constant 196608 : i32
    %add3A_311 = arith.addi %mul3A_2, %add3A_310 : i32
    %dma_start3A_312 = arith.constant 0 : i32
    %dma_start3A_313 = tpu.memref_slice %arg2[%dma_start3A_312, %add3A_311] : memref<2x8388608xi32, #tpu.memory_space<hbm>> -> memref<1x16384xi32, #tpu.memory_space<hbm>>
    %dma_start3A_314 = tpu.memref_squeeze %dma_start3A_313 : memref<1x16384xi32, #tpu.memory_space<hbm>> -> memref<16384xi32, #tpu.memory_space<hbm>>
    %dma_start3A_315 = tpu.memref_slice %arg2[%dma_start3A_312, %add3A_311] : memref<2x8388608xi32, #tpu.memory_space<hbm>> -> memref<1x16384xi32, #tpu.memory_space<hbm>>
    %dma_start3A_316 = tpu.memref_squeeze %dma_start3A_315 : memref<1x16384xi32, #tpu.memory_space<hbm>> -> memref<16384xi32, #tpu.memory_space<hbm>>
    tpu.enqueue_dma source(%arg4 : memref<16384xi32, #tpu.memory_space<vmem>>) target(%dma_start3A_316 : memref<16384xi32, #tpu.memory_space<hbm>>) target_semaphore(%arg7 : memref<!tpu.dma_semaphore, #tpu.memory_space<semaphore_mem>>)
    %add3A_317 = arith.constant 196608 : i32
    %add3A_318 = arith.addi %mul3A_2, %add3A_317 : i32
    %dma_start3A_319 = arith.constant 1 : i32
    %dma_start3A_320 = tpu.memref_slice %arg2[%dma_start3A_319, %add3A_318] : memref<2x8388608xi32, #tpu.memory_space<hbm>> -> memref<1x16384xi32, #tpu.memory_space<hbm>>
    %dma_start3A_321 = tpu.memref_squeeze %dma_start3A_320 : memref<1x16384xi32, #tpu.memory_space<hbm>> -> memref<16384xi32, #tpu.memory_space<hbm>>
    %dma_start3A_322 = tpu.memref_slice %arg2[%dma_start3A_319, %add3A_318] : memref<2x8388608xi32, #tpu.memory_space<hbm>> -> memref<1x16384xi32, #tpu.memory_space<hbm>>
    %dma_start3A_323 = tpu.memref_squeeze %dma_start3A_322 : memref<1x16384xi32, #tpu.memory_space<hbm>> -> memref<16384xi32, #tpu.memory_space<hbm>>
    tpu.enqueue_dma source(%arg3 : memref<16384xi32, #tpu.memory_space<vmem>>) target(%dma_start3A_323 : memref<16384xi32, #tpu.memory_space<hbm>>) target_semaphore(%arg6 : memref<!tpu.dma_semaphore, #tpu.memory_space<semaphore_mem>>)
    %dma_wait3A_324 = arith.constant 0 : i32
    %dma_wait3A_325 = tpu.memref_slice %arg2[%dma_wait3A_324, %add3A_286] : memref<2x8388608xi32, #tpu.memory_space<hbm>> -> memref<1x16384xi32, #tpu.memory_space<hbm>>
    %dma_wait3A_326 = tpu.memref_squeeze %dma_wait3A_325 : memref<1x16384xi32, #tpu.memory_space<hbm>> -> memref<16384xi32, #tpu.memory_space<hbm>>
    %dma_wait3A_327 = tpu.memref_slice %arg2[%dma_wait3A_324, %add3A_286] : memref<2x8388608xi32, #tpu.memory_space<hbm>> -> memref<1x16384xi32, #tpu.memory_space<hbm>>
    %dma_wait3A_328 = tpu.memref_squeeze %dma_wait3A_327 : memref<1x16384xi32, #tpu.memory_space<hbm>> -> memref<16384xi32, #tpu.memory_space<hbm>>
    tpu.wait_dma2 semaphore(%arg7 : memref<!tpu.dma_semaphore, #tpu.memory_space<semaphore_mem>>) src(%arg5 : memref<16384xi32, #tpu.memory_space<vmem>>) dst(%dma_wait3A_328 : memref<16384xi32, #tpu.memory_space<hbm>>)
    %scan3A_329 = arith.constant 0 : i32
    %scan3A_330 = arith.constant 0 : i32
    %scan3A_331 = arith.constant 128 : i32
    %scan3A_332 = arith.addi %scan3A_330, %scan3A_331 : i32
    %scan3A_333 = arith.constant 1 : i32
    scf.for %scan3A_489 = %scan3A_330 to %scan3A_332 step %scan3A_333  : i32 {
      %add3A_490 = arith.constant 104 : i32
      %add3A_491 = arith.addi %shift_right_arithmetic3A_10, %add3A_490 : i32
      %shift_right_arithmetic3A_492 = arith.constant 4 : i32
      %shift_right_arithmetic3A_493 = arith.shrsi %scan3A_489, %shift_right_arithmetic3A_492 : i32
      %add3A_494 = arith.addi %add3A_491, %shift_right_arithmetic3A_493 : i32
      %broadcast_in_dim3A = arith.constant 0 : i32
      %broadcast_in_dim3A_495 = vector.broadcast %broadcast_in_dim3A : i32 to vector<16xi32>
      %add3A_496 = vector.broadcast %add3A_494 : i32 to vector<16xi32>
      %add3A_497 = arith.addi %broadcast_in_dim3A_495, %add3A_496 : vector<16xi32>
      %mul3A_498 = arith.constant 128 : i32
      %mul3A_499 = arith.muli %scan3A_489, %mul3A_498 : i32
      %add3A_500 = arith.constant 0 : i32
      %add3A_501 = arith.addi %mul3A_499, %add3A_500 : i32
      %swap3A = arith.index_cast %add3A_501 : i32 to index
      %swap3A_502 = tpu.vector_load %arg5[%swap3A] {strides = array<i32>} : memref<16384xi32, #tpu.memory_space<vmem>>, vector<16xi32>,
      %swap3A_503 = vector.shape_cast %swap3A_502 : vector<16xi32> to vector<16xi32>
      %swap3A_504 = vector.shape_cast %add3A_497 : vector<16xi32> to vector<16xi32>
      tpu.vector_store %arg5[%swap3A], %swap3A_504 {strides = array<i32>} : memref<16384xi32, #tpu.memory_space<vmem>>, vector<16xi32>,
      %mul3A_505 = arith.constant 128 : i32
      %mul3A_506 = arith.muli %scan3A_489, %mul3A_505 : i32
      %add3A_507 = arith.constant 16 : i32
      %add3A_508 = arith.addi %mul3A_506, %add3A_507 : i32
      %swap3A_509 = arith.index_cast %add3A_508 : i32 to index
      %swap3A_510 = tpu.vector_load %arg5[%swap3A_509] {strides = array<i32>} : memref<16384xi32, #tpu.memory_space<vmem>>, vector<16xi32>,
      %swap3A_511 = vector.shape_cast %swap3A_510 : vector<16xi32> to vector<16xi32>
      %swap3A_512 = vector.shape_cast %add3A_497 : vector<16xi32> to vector<16xi32>
      tpu.vector_store %arg5[%swap3A_509], %swap3A_512 {strides = array<i32>} : memref<16384xi32, #tpu.memory_space<vmem>>, vector<16xi32>,
      %mul3A_513 = arith.constant 128 : i32
      %mul3A_514 = arith.muli %scan3A_489, %mul3A_513 : i32
      %add3A_515 = arith.constant 32 : i32
      %add3A_516 = arith.addi %mul3A_514, %add3A_515 : i32
      %swap3A_517 = arith.index_cast %add3A_516 : i32 to index
      %swap3A_518 = tpu.vector_load %arg5[%swap3A_517] {strides = array<i32>} : memref<16384xi32, #tpu.memory_space<vmem>>, vector<16xi32>,
      %swap3A_519 = vector.shape_cast %swap3A_518 : vector<16xi32> to vector<16xi32>
      %swap3A_520 = vector.shape_cast %add3A_497 : vector<16xi32> to vector<16xi32>
      tpu.vector_store %arg5[%swap3A_517], %swap3A_520 {strides = array<i32>} : memref<16384xi32, #tpu.memory_space<vmem>>, vector<16xi32>,
      %mul3A_521 = arith.constant 128 : i32
      %mul3A_522 = arith.muli %scan3A_489, %mul3A_521 : i32
      %add3A_523 = arith.constant 48 : i32
      %add3A_524 = arith.addi %mul3A_522, %add3A_523 : i32
      %swap3A_525 = arith.index_cast %add3A_524 : i32 to index
      %swap3A_526 = tpu.vector_load %arg5[%swap3A_525] {strides = array<i32>} : memref<16384xi32, #tpu.memory_space<vmem>>, vector<16xi32>,
      %swap3A_527 = vector.shape_cast %swap3A_526 : vector<16xi32> to vector<16xi32>
      %swap3A_528 = vector.shape_cast %add3A_497 : vector<16xi32> to vector<16xi32>
      tpu.vector_store %arg5[%swap3A_525], %swap3A_528 {strides = array<i32>} : memref<16384xi32, #tpu.memory_space<vmem>>, vector<16xi32>,
      %mul3A_529 = arith.constant 128 : i32
      %mul3A_530 = arith.muli %scan3A_489, %mul3A_529 : i32
      %add3A_531 = arith.constant 64 : i32
      %add3A_532 = arith.addi %mul3A_530, %add3A_531 : i32
      %swap3A_533 = arith.index_cast %add3A_532 : i32 to index
      %swap3A_534 = tpu.vector_load %arg5[%swap3A_533] {strides = array<i32>} : memref<16384xi32, #tpu.memory_space<vmem>>, vector<16xi32>,
      %swap3A_535 = vector.shape_cast %swap3A_534 : vector<16xi32> to vector<16xi32>
      %swap3A_536 = vector.shape_cast %add3A_497 : vector<16xi32> to vector<16xi32>
      tpu.vector_store %arg5[%swap3A_533], %swap3A_536 {strides = array<i32>} : memref<16384xi32, #tpu.memory_space<vmem>>, vector<16xi32>,
      %mul3A_537 = arith.constant 128 : i32
      %mul3A_538 = arith.muli %scan3A_489, %mul3A_537 : i32
      %add3A_539 = arith.constant 80 : i32
      %add3A_540 = arith.addi %mul3A_538, %add3A_539 : i32
      %swap3A_541 = arith.index_cast %add3A_540 : i32 to index
      %swap3A_542 = tpu.vector_load %arg5[%swap3A_541] {strides = array<i32>} : memref<16384xi32, #tpu.memory_space<vmem>>, vector<16xi32>,
      %swap3A_543 = vector.shape_cast %swap3A_542 : vector<16xi32> to vector<16xi32>
      %swap3A_544 = vector.shape_cast %add3A_497 : vector<16xi32> to vector<16xi32>
      tpu.vector_store %arg5[%swap3A_541], %swap3A_544 {strides = array<i32>} : memref<16384xi32, #tpu.memory_space<vmem>>, vector<16xi32>,
      %mul3A_545 = arith.constant 128 : i32
      %mul3A_546 = arith.muli %scan3A_489, %mul3A_545 : i32
      %add3A_547 = arith.constant 96 : i32
      %add3A_548 = arith.addi %mul3A_546, %add3A_547 : i32
      %swap3A_549 = arith.index_cast %add3A_548 : i32 to index
      %swap3A_550 = tpu.vector_load %arg5[%swap3A_549] {strides = array<i32>} : memref<16384xi32, #tpu.memory_space<vmem>>, vector<16xi32>,
      %swap3A_551 = vector.shape_cast %swap3A_550 : vector<16xi32> to vector<16xi32>
      %swap3A_552 = vector.shape_cast %add3A_497 : vector<16xi32> to vector<16xi32>
      tpu.vector_store %arg5[%swap3A_549], %swap3A_552 {strides = array<i32>} : memref<16384xi32, #tpu.memory_space<vmem>>, vector<16xi32>,
      %mul3A_553 = arith.constant 128 : i32
      %mul3A_554 = arith.muli %scan3A_489, %mul3A_553 : i32
      %add3A_555 = arith.constant 112 : i32
      %add3A_556 = arith.addi %mul3A_554, %add3A_555 : i32
      %swap3A_557 = arith.index_cast %add3A_556 : i32 to index
      %swap3A_558 = tpu.vector_load %arg5[%swap3A_557] {strides = array<i32>} : memref<16384xi32, #tpu.memory_space<vmem>>, vector<16xi32>,
      %swap3A_559 = vector.shape_cast %swap3A_558 : vector<16xi32> to vector<16xi32>
      %swap3A_560 = vector.shape_cast %add3A_497 : vector<16xi32> to vector<16xi32>
      tpu.vector_store %arg5[%swap3A_557], %swap3A_560 {strides = array<i32>} : memref<16384xi32, #tpu.memory_space<vmem>>, vector<16xi32>,
    }
    %scan3A_334 = arith.constant 128 : i32
    %add3A_335 = arith.constant 212992 : i32
    %add3A_336 = arith.addi %mul3A_2, %add3A_335 : i32
    %dma_start3A_337 = arith.constant 0 : i32
    %dma_start3A_338 = tpu.memref_slice %arg2[%dma_start3A_337, %add3A_336] : memref<2x8388608xi32, #tpu.memory_space<hbm>> -> memref<1x16384xi32, #tpu.memory_space<hbm>>
    %dma_start3A_339 = tpu.memref_squeeze %dma_start3A_338 : memref<1x16384xi32, #tpu.memory_space<hbm>> -> memref<16384xi32, #tpu.memory_space<hbm>>
    %dma_start3A_340 = tpu.memref_slice %arg2[%dma_start3A_337, %add3A_336] : memref<2x8388608xi32, #tpu.memory_space<hbm>> -> memref<1x16384xi32, #tpu.memory_space<hbm>>
    %dma_start3A_341 = tpu.memref_squeeze %dma_start3A_340 : memref<1x16384xi32, #tpu.memory_space<hbm>> -> memref<16384xi32, #tpu.memory_space<hbm>>
    tpu.enqueue_dma source(%arg5 : memref<16384xi32, #tpu.memory_space<vmem>>) target(%dma_start3A_341 : memref<16384xi32, #tpu.memory_space<hbm>>) target_semaphore(%arg7 : memref<!tpu.dma_semaphore, #tpu.memory_space<semaphore_mem>>)
    %add3A_342 = arith.constant 212992 : i32
    %add3A_343 = arith.addi %mul3A_2, %add3A_342 : i32
    %dma_start3A_344 = arith.constant 1 : i32
    %dma_start3A_345 = tpu.memref_slice %arg2[%dma_start3A_344, %add3A_343] : memref<2x8388608xi32, #tpu.memory_space<hbm>> -> memref<1x16384xi32, #tpu.memory_space<hbm>>
    %dma_start3A_346 = tpu.memref_squeeze %dma_start3A_345 : memref<1x16384xi32, #tpu.memory_space<hbm>> -> memref<16384xi32, #tpu.memory_space<hbm>>
    %dma_start3A_347 = tpu.memref_slice %arg2[%dma_start3A_344, %add3A_343] : memref<2x8388608xi32, #tpu.memory_space<hbm>> -> memref<1x16384xi32, #tpu.memory_space<hbm>>
    %dma_start3A_348 = tpu.memref_squeeze %dma_start3A_347 : memref<1x16384xi32, #tpu.memory_space<hbm>> -> memref<16384xi32, #tpu.memory_space<hbm>>
    tpu.enqueue_dma source(%arg3 : memref<16384xi32, #tpu.memory_space<vmem>>) target(%dma_start3A_348 : memref<16384xi32, #tpu.memory_space<hbm>>) target_semaphore(%arg6 : memref<!tpu.dma_semaphore, #tpu.memory_space<semaphore_mem>>)
    %dma_wait3A_349 = arith.constant 0 : i32
    %dma_wait3A_350 = tpu.memref_slice %arg2[%dma_wait3A_349, %add3A_311] : memref<2x8388608xi32, #tpu.memory_space<hbm>> -> memref<1x16384xi32, #tpu.memory_space<hbm>>
    %dma_wait3A_351 = tpu.memref_squeeze %dma_wait3A_350 : memref<1x16384xi32, #tpu.memory_space<hbm>> -> memref<16384xi32, #tpu.memory_space<hbm>>
    %dma_wait3A_352 = tpu.memref_slice %arg2[%dma_wait3A_349, %add3A_311] : memref<2x8388608xi32, #tpu.memory_space<hbm>> -> memref<1x16384xi32, #tpu.memory_space<hbm>>
    %dma_wait3A_353 = tpu.memref_squeeze %dma_wait3A_352 : memref<1x16384xi32, #tpu.memory_space<hbm>> -> memref<16384xi32, #tpu.memory_space<hbm>>
    tpu.wait_dma2 semaphore(%arg7 : memref<!tpu.dma_semaphore, #tpu.memory_space<semaphore_mem>>) src(%arg4 : memref<16384xi32, #tpu.memory_space<vmem>>) dst(%dma_wait3A_353 : memref<16384xi32, #tpu.memory_space<hbm>>)
    %scan3A_354 = arith.constant 0 : i32
    %scan3A_355 = arith.constant 0 : i32
    %scan3A_356 = arith.constant 128 : i32
    %scan3A_357 = arith.addi %scan3A_355, %scan3A_356 : i32
    %scan3A_358 = arith.constant 1 : i32
    scf.for %scan3A_489 = %scan3A_355 to %scan3A_357 step %scan3A_358  : i32 {
      %add3A_490 = arith.constant 112 : i32
      %add3A_491 = arith.addi %shift_right_arithmetic3A_10, %add3A_490 : i32
      %shift_right_arithmetic3A_492 = arith.constant 4 : i32
      %shift_right_arithmetic3A_493 = arith.shrsi %scan3A_489, %shift_right_arithmetic3A_492 : i32
      %add3A_494 = arith.addi %add3A_491, %shift_right_arithmetic3A_493 : i32
      %broadcast_in_dim3A = arith.constant 0 : i32
      %broadcast_in_dim3A_495 = vector.broadcast %broadcast_in_dim3A : i32 to vector<16xi32>
      %add3A_496 = vector.broadcast %add3A_494 : i32 to vector<16xi32>
      %add3A_497 = arith.addi %broadcast_in_dim3A_495, %add3A_496 : vector<16xi32>
      %mul3A_498 = arith.constant 128 : i32
      %mul3A_499 = arith.muli %scan3A_489, %mul3A_498 : i32
      %add3A_500 = arith.constant 0 : i32
      %add3A_501 = arith.addi %mul3A_499, %add3A_500 : i32
      %swap3A = arith.index_cast %add3A_501 : i32 to index
      %swap3A_502 = tpu.vector_load %arg4[%swap3A] {strides = array<i32>} : memref<16384xi32, #tpu.memory_space<vmem>>, vector<16xi32>,
      %swap3A_503 = vector.shape_cast %swap3A_502 : vector<16xi32> to vector<16xi32>
      %swap3A_504 = vector.shape_cast %add3A_497 : vector<16xi32> to vector<16xi32>
      tpu.vector_store %arg4[%swap3A], %swap3A_504 {strides = array<i32>} : memref<16384xi32, #tpu.memory_space<vmem>>, vector<16xi32>,
      %mul3A_505 = arith.constant 128 : i32
      %mul3A_506 = arith.muli %scan3A_489, %mul3A_505 : i32
      %add3A_507 = arith.constant 16 : i32
      %add3A_508 = arith.addi %mul3A_506, %add3A_507 : i32
      %swap3A_509 = arith.index_cast %add3A_508 : i32 to index
      %swap3A_510 = tpu.vector_load %arg4[%swap3A_509] {strides = array<i32>} : memref<16384xi32, #tpu.memory_space<vmem>>, vector<16xi32>,
      %swap3A_511 = vector.shape_cast %swap3A_510 : vector<16xi32> to vector<16xi32>
      %swap3A_512 = vector.shape_cast %add3A_497 : vector<16xi32> to vector<16xi32>
      tpu.vector_store %arg4[%swap3A_509], %swap3A_512 {strides = array<i32>} : memref<16384xi32, #tpu.memory_space<vmem>>, vector<16xi32>,
      %mul3A_513 = arith.constant 128 : i32
      %mul3A_514 = arith.muli %scan3A_489, %mul3A_513 : i32
      %add3A_515 = arith.constant 32 : i32
      %add3A_516 = arith.addi %mul3A_514, %add3A_515 : i32
      %swap3A_517 = arith.index_cast %add3A_516 : i32 to index
      %swap3A_518 = tpu.vector_load %arg4[%swap3A_517] {strides = array<i32>} : memref<16384xi32, #tpu.memory_space<vmem>>, vector<16xi32>,
      %swap3A_519 = vector.shape_cast %swap3A_518 : vector<16xi32> to vector<16xi32>
      %swap3A_520 = vector.shape_cast %add3A_497 : vector<16xi32> to vector<16xi32>
      tpu.vector_store %arg4[%swap3A_517], %swap3A_520 {strides = array<i32>} : memref<16384xi32, #tpu.memory_space<vmem>>, vector<16xi32>,
      %mul3A_521 = arith.constant 128 : i32
      %mul3A_522 = arith.muli %scan3A_489, %mul3A_521 : i32
      %add3A_523 = arith.constant 48 : i32
      %add3A_524 = arith.addi %mul3A_522, %add3A_523 : i32
      %swap3A_525 = arith.index_cast %add3A_524 : i32 to index
      %swap3A_526 = tpu.vector_load %arg4[%swap3A_525] {strides = array<i32>} : memref<16384xi32, #tpu.memory_space<vmem>>, vector<16xi32>,
      %swap3A_527 = vector.shape_cast %swap3A_526 : vector<16xi32> to vector<16xi32>
      %swap3A_528 = vector.shape_cast %add3A_497 : vector<16xi32> to vector<16xi32>
      tpu.vector_store %arg4[%swap3A_525], %swap3A_528 {strides = array<i32>} : memref<16384xi32, #tpu.memory_space<vmem>>, vector<16xi32>,
      %mul3A_529 = arith.constant 128 : i32
      %mul3A_530 = arith.muli %scan3A_489, %mul3A_529 : i32
      %add3A_531 = arith.constant 64 : i32
      %add3A_532 = arith.addi %mul3A_530, %add3A_531 : i32
      %swap3A_533 = arith.index_cast %add3A_532 : i32 to index
      %swap3A_534 = tpu.vector_load %arg4[%swap3A_533] {strides = array<i32>} : memref<16384xi32, #tpu.memory_space<vmem>>, vector<16xi32>,
      %swap3A_535 = vector.shape_cast %swap3A_534 : vector<16xi32> to vector<16xi32>
      %swap3A_536 = vector.shape_cast %add3A_497 : vector<16xi32> to vector<16xi32>
      tpu.vector_store %arg4[%swap3A_533], %swap3A_536 {strides = array<i32>} : memref<16384xi32, #tpu.memory_space<vmem>>, vector<16xi32>,
      %mul3A_537 = arith.constant 128 : i32
      %mul3A_538 = arith.muli %scan3A_489, %mul3A_537 : i32
      %add3A_539 = arith.constant 80 : i32
      %add3A_540 = arith.addi %mul3A_538, %add3A_539 : i32
      %swap3A_541 = arith.index_cast %add3A_540 : i32 to index
      %swap3A_542 = tpu.vector_load %arg4[%swap3A_541] {strides = array<i32>} : memref<16384xi32, #tpu.memory_space<vmem>>, vector<16xi32>,
      %swap3A_543 = vector.shape_cast %swap3A_542 : vector<16xi32> to vector<16xi32>
      %swap3A_544 = vector.shape_cast %add3A_497 : vector<16xi32> to vector<16xi32>
      tpu.vector_store %arg4[%swap3A_541], %swap3A_544 {strides = array<i32>} : memref<16384xi32, #tpu.memory_space<vmem>>, vector<16xi32>,
      %mul3A_545 = arith.constant 128 : i32
      %mul3A_546 = arith.muli %scan3A_489, %mul3A_545 : i32
      %add3A_547 = arith.constant 96 : i32
      %add3A_548 = arith.addi %mul3A_546, %add3A_547 : i32
      %swap3A_549 = arith.index_cast %add3A_548 : i32 to index
      %swap3A_550 = tpu.vector_load %arg4[%swap3A_549] {strides = array<i32>} : memref<16384xi32, #tpu.memory_space<vmem>>, vector<16xi32>,
      %swap3A_551 = vector.shape_cast %swap3A_550 : vector<16xi32> to vector<16xi32>
      %swap3A_552 = vector.shape_cast %add3A_497 : vector<16xi32> to vector<16xi32>
      tpu.vector_store %arg4[%swap3A_549], %swap3A_552 {strides = array<i32>} : memref<16384xi32, #tpu.memory_space<vmem>>, vector<16xi32>,
      %mul3A_553 = arith.constant 128 : i32
      %mul3A_554 = arith.muli %scan3A_489, %mul3A_553 : i32
      %add3A_555 = arith.constant 112 : i32
      %add3A_556 = arith.addi %mul3A_554, %add3A_555 : i32
      %swap3A_557 = arith.index_cast %add3A_556 : i32 to index
      %swap3A_558 = tpu.vector_load %arg4[%swap3A_557] {strides = array<i32>} : memref<16384xi32, #tpu.memory_space<vmem>>, vector<16xi32>,
      %swap3A_559 = vector.shape_cast %swap3A_558 : vector<16xi32> to vector<16xi32>
      %swap3A_560 = vector.shape_cast %add3A_497 : vector<16xi32> to vector<16xi32>
      tpu.vector_store %arg4[%swap3A_557], %swap3A_560 {strides = array<i32>} : memref<16384xi32, #tpu.memory_space<vmem>>, vector<16xi32>,
    }
    %scan3A_359 = arith.constant 128 : i32
    %add3A_360 = arith.constant 229376 : i32
    %add3A_361 = arith.addi %mul3A_2, %add3A_360 : i32
    %dma_start3A_362 = arith.constant 0 : i32
    %dma_start3A_363 = tpu.memref_slice %arg2[%dma_start3A_362, %add3A_361] : memref<2x8388608xi32, #tpu.memory_space<hbm>> -> memref<1x16384xi32, #tpu.memory_space<hbm>>
    %dma_start3A_364 = tpu.memref_squeeze %dma_start3A_363 : memref<1x16384xi32, #tpu.memory_space<hbm>> -> memref<16384xi32, #tpu.memory_space<hbm>>
    %dma_start3A_365 = tpu.memref_slice %arg2[%dma_start3A_362, %add3A_361] : memref<2x8388608xi32, #tpu.memory_space<hbm>> -> memref<1x16384xi32, #tpu.memory_space<hbm>>
    %dma_start3A_366 = tpu.memref_squeeze %dma_start3A_365 : memref<1x16384xi32, #tpu.memory_space<hbm>> -> memref<16384xi32, #tpu.memory_space<hbm>>
    tpu.enqueue_dma source(%arg4 : memref<16384xi32, #tpu.memory_space<vmem>>) target(%dma_start3A_366 : memref<16384xi32, #tpu.memory_space<hbm>>) target_semaphore(%arg7 : memref<!tpu.dma_semaphore, #tpu.memory_space<semaphore_mem>>)
    %add3A_367 = arith.constant 229376 : i32
    %add3A_368 = arith.addi %mul3A_2, %add3A_367 : i32
    %dma_start3A_369 = arith.constant 1 : i32
    %dma_start3A_370 = tpu.memref_slice %arg2[%dma_start3A_369, %add3A_368] : memref<2x8388608xi32, #tpu.memory_space<hbm>> -> memref<1x16384xi32, #tpu.memory_space<hbm>>
    %dma_start3A_371 = tpu.memref_squeeze %dma_start3A_370 : memref<1x16384xi32, #tpu.memory_space<hbm>> -> memref<16384xi32, #tpu.memory_space<hbm>>
    %dma_start3A_372 = tpu.memref_slice %arg2[%dma_start3A_369, %add3A_368] : memref<2x8388608xi32, #tpu.memory_space<hbm>> -> memref<1x16384xi32, #tpu.memory_space<hbm>>
    %dma_start3A_373 = tpu.memref_squeeze %dma_start3A_372 : memref<1x16384xi32, #tpu.memory_space<hbm>> -> memref<16384xi32, #tpu.memory_space<hbm>>
    tpu.enqueue_dma source(%arg3 : memref<16384xi32, #tpu.memory_space<vmem>>) target(%dma_start3A_373 : memref<16384xi32, #tpu.memory_space<hbm>>) target_semaphore(%arg6 : memref<!tpu.dma_semaphore, #tpu.memory_space<semaphore_mem>>)
    %dma_wait3A_374 = arith.constant 0 : i32
    %dma_wait3A_375 = tpu.memref_slice %arg2[%dma_wait3A_374, %add3A_336] : memref<2x8388608xi32, #tpu.memory_space<hbm>> -> memref<1x16384xi32, #tpu.memory_space<hbm>>
    %dma_wait3A_376 = tpu.memref_squeeze %dma_wait3A_375 : memref<1x16384xi32, #tpu.memory_space<hbm>> -> memref<16384xi32, #tpu.memory_space<hbm>>
    %dma_wait3A_377 = tpu.memref_slice %arg2[%dma_wait3A_374, %add3A_336] : memref<2x8388608xi32, #tpu.memory_space<hbm>> -> memref<1x16384xi32, #tpu.memory_space<hbm>>
    %dma_wait3A_378 = tpu.memref_squeeze %dma_wait3A_377 : memref<1x16384xi32, #tpu.memory_space<hbm>> -> memref<16384xi32, #tpu.memory_space<hbm>>
    tpu.wait_dma2 semaphore(%arg7 : memref<!tpu.dma_semaphore, #tpu.memory_space<semaphore_mem>>) src(%arg5 : memref<16384xi32, #tpu.memory_space<vmem>>) dst(%dma_wait3A_378 : memref<16384xi32, #tpu.memory_space<hbm>>)
    %scan3A_379 = arith.constant 0 : i32
    %scan3A_380 = arith.constant 0 : i32
    %scan3A_381 = arith.constant 128 : i32
    %scan3A_382 = arith.addi %scan3A_380, %scan3A_381 : i32
    %scan3A_383 = arith.constant 1 : i32
    scf.for %scan3A_489 = %scan3A_380 to %scan3A_382 step %scan3A_383  : i32 {
      %add3A_490 = arith.constant 120 : i32
      %add3A_491 = arith.addi %shift_right_arithmetic3A_10, %add3A_490 : i32
      %shift_right_arithmetic3A_492 = arith.constant 4 : i32
      %shift_right_arithmetic3A_493 = arith.shrsi %scan3A_489, %shift_right_arithmetic3A_492 : i32
      %add3A_494 = arith.addi %add3A_491, %shift_right_arithmetic3A_493 : i32
      %broadcast_in_dim3A = arith.constant 0 : i32
      %broadcast_in_dim3A_495 = vector.broadcast %broadcast_in_dim3A : i32 to vector<16xi32>
      %add3A_496 = vector.broadcast %add3A_494 : i32 to vector<16xi32>
      %add3A_497 = arith.addi %broadcast_in_dim3A_495, %add3A_496 : vector<16xi32>
      %mul3A_498 = arith.constant 128 : i32
      %mul3A_499 = arith.muli %scan3A_489, %mul3A_498 : i32
      %add3A_500 = arith.constant 0 : i32
      %add3A_501 = arith.addi %mul3A_499, %add3A_500 : i32
      %swap3A = arith.index_cast %add3A_501 : i32 to index
      %swap3A_502 = tpu.vector_load %arg5[%swap3A] {strides = array<i32>} : memref<16384xi32, #tpu.memory_space<vmem>>, vector<16xi32>,
      %swap3A_503 = vector.shape_cast %swap3A_502 : vector<16xi32> to vector<16xi32>
      %swap3A_504 = vector.shape_cast %add3A_497 : vector<16xi32> to vector<16xi32>
      tpu.vector_store %arg5[%swap3A], %swap3A_504 {strides = array<i32>} : memref<16384xi32, #tpu.memory_space<vmem>>, vector<16xi32>,
      %mul3A_505 = arith.constant 128 : i32
      %mul3A_506 = arith.muli %scan3A_489, %mul3A_505 : i32
      %add3A_507 = arith.constant 16 : i32
      %add3A_508 = arith.addi %mul3A_506, %add3A_507 : i32
      %swap3A_509 = arith.index_cast %add3A_508 : i32 to index
      %swap3A_510 = tpu.vector_load %arg5[%swap3A_509] {strides = array<i32>} : memref<16384xi32, #tpu.memory_space<vmem>>, vector<16xi32>,
      %swap3A_511 = vector.shape_cast %swap3A_510 : vector<16xi32> to vector<16xi32>
      %swap3A_512 = vector.shape_cast %add3A_497 : vector<16xi32> to vector<16xi32>
      tpu.vector_store %arg5[%swap3A_509], %swap3A_512 {strides = array<i32>} : memref<16384xi32, #tpu.memory_space<vmem>>, vector<16xi32>,
      %mul3A_513 = arith.constant 128 : i32
      %mul3A_514 = arith.muli %scan3A_489, %mul3A_513 : i32
      %add3A_515 = arith.constant 32 : i32
      %add3A_516 = arith.addi %mul3A_514, %add3A_515 : i32
      %swap3A_517 = arith.index_cast %add3A_516 : i32 to index
      %swap3A_518 = tpu.vector_load %arg5[%swap3A_517] {strides = array<i32>} : memref<16384xi32, #tpu.memory_space<vmem>>, vector<16xi32>,
      %swap3A_519 = vector.shape_cast %swap3A_518 : vector<16xi32> to vector<16xi32>
      %swap3A_520 = vector.shape_cast %add3A_497 : vector<16xi32> to vector<16xi32>
      tpu.vector_store %arg5[%swap3A_517], %swap3A_520 {strides = array<i32>} : memref<16384xi32, #tpu.memory_space<vmem>>, vector<16xi32>,
      %mul3A_521 = arith.constant 128 : i32
      %mul3A_522 = arith.muli %scan3A_489, %mul3A_521 : i32
      %add3A_523 = arith.constant 48 : i32
      %add3A_524 = arith.addi %mul3A_522, %add3A_523 : i32
      %swap3A_525 = arith.index_cast %add3A_524 : i32 to index
      %swap3A_526 = tpu.vector_load %arg5[%swap3A_525] {strides = array<i32>} : memref<16384xi32, #tpu.memory_space<vmem>>, vector<16xi32>,
      %swap3A_527 = vector.shape_cast %swap3A_526 : vector<16xi32> to vector<16xi32>
      %swap3A_528 = vector.shape_cast %add3A_497 : vector<16xi32> to vector<16xi32>
      tpu.vector_store %arg5[%swap3A_525], %swap3A_528 {strides = array<i32>} : memref<16384xi32, #tpu.memory_space<vmem>>, vector<16xi32>,
      %mul3A_529 = arith.constant 128 : i32
      %mul3A_530 = arith.muli %scan3A_489, %mul3A_529 : i32
      %add3A_531 = arith.constant 64 : i32
      %add3A_532 = arith.addi %mul3A_530, %add3A_531 : i32
      %swap3A_533 = arith.index_cast %add3A_532 : i32 to index
      %swap3A_534 = tpu.vector_load %arg5[%swap3A_533] {strides = array<i32>} : memref<16384xi32, #tpu.memory_space<vmem>>, vector<16xi32>,
      %swap3A_535 = vector.shape_cast %swap3A_534 : vector<16xi32> to vector<16xi32>
      %swap3A_536 = vector.shape_cast %add3A_497 : vector<16xi32> to vector<16xi32>
      tpu.vector_store %arg5[%swap3A_533], %swap3A_536 {strides = array<i32>} : memref<16384xi32, #tpu.memory_space<vmem>>, vector<16xi32>,
      %mul3A_537 = arith.constant 128 : i32
      %mul3A_538 = arith.muli %scan3A_489, %mul3A_537 : i32
      %add3A_539 = arith.constant 80 : i32
      %add3A_540 = arith.addi %mul3A_538, %add3A_539 : i32
      %swap3A_541 = arith.index_cast %add3A_540 : i32 to index
      %swap3A_542 = tpu.vector_load %arg5[%swap3A_541] {strides = array<i32>} : memref<16384xi32, #tpu.memory_space<vmem>>, vector<16xi32>,
      %swap3A_543 = vector.shape_cast %swap3A_542 : vector<16xi32> to vector<16xi32>
      %swap3A_544 = vector.shape_cast %add3A_497 : vector<16xi32> to vector<16xi32>
      tpu.vector_store %arg5[%swap3A_541], %swap3A_544 {strides = array<i32>} : memref<16384xi32, #tpu.memory_space<vmem>>, vector<16xi32>,
      %mul3A_545 = arith.constant 128 : i32
      %mul3A_546 = arith.muli %scan3A_489, %mul3A_545 : i32
      %add3A_547 = arith.constant 96 : i32
      %add3A_548 = arith.addi %mul3A_546, %add3A_547 : i32
      %swap3A_549 = arith.index_cast %add3A_548 : i32 to index
      %swap3A_550 = tpu.vector_load %arg5[%swap3A_549] {strides = array<i32>} : memref<16384xi32, #tpu.memory_space<vmem>>, vector<16xi32>,
      %swap3A_551 = vector.shape_cast %swap3A_550 : vector<16xi32> to vector<16xi32>
      %swap3A_552 = vector.shape_cast %add3A_497 : vector<16xi32> to vector<16xi32>
      tpu.vector_store %arg5[%swap3A_549], %swap3A_552 {strides = array<i32>} : memref<16384xi32, #tpu.memory_space<vmem>>, vector<16xi32>,
      %mul3A_553 = arith.constant 128 : i32
      %mul3A_554 = arith.muli %scan3A_489, %mul3A_553 : i32
      %add3A_555 = arith.constant 112 : i32
      %add3A_556 = arith.addi %mul3A_554, %add3A_555 : i32
      %swap3A_557 = arith.index_cast %add3A_556 : i32 to index
      %swap3A_558 = tpu.vector_load %arg5[%swap3A_557] {strides = array<i32>} : memref<16384xi32, #tpu.memory_space<vmem>>, vector<16xi32>,
      %swap3A_559 = vector.shape_cast %swap3A_558 : vector<16xi32> to vector<16xi32>
      %swap3A_560 = vector.shape_cast %add3A_497 : vector<16xi32> to vector<16xi32>
      tpu.vector_store %arg5[%swap3A_557], %swap3A_560 {strides = array<i32>} : memref<16384xi32, #tpu.memory_space<vmem>>, vector<16xi32>,
    }
    %scan3A_384 = arith.constant 128 : i32
    %add3A_385 = arith.constant 245760 : i32
    %add3A_386 = arith.addi %mul3A_2, %add3A_385 : i32
    %dma_start3A_387 = arith.constant 0 : i32
    %dma_start3A_388 = tpu.memref_slice %arg2[%dma_start3A_387, %add3A_386] : memref<2x8388608xi32, #tpu.memory_space<hbm>> -> memref<1x16384xi32, #tpu.memory_space<hbm>>
    %dma_start3A_389 = tpu.memref_squeeze %dma_start3A_388 : memref<1x16384xi32, #tpu.memory_space<hbm>> -> memref<16384xi32, #tpu.memory_space<hbm>>
    %dma_start3A_390 = tpu.memref_slice %arg2[%dma_start3A_387, %add3A_386] : memref<2x8388608xi32, #tpu.memory_space<hbm>> -> memref<1x16384xi32, #tpu.memory_space<hbm>>
    %dma_start3A_391 = tpu.memref_squeeze %dma_start3A_390 : memref<1x16384xi32, #tpu.memory_space<hbm>> -> memref<16384xi32, #tpu.memory_space<hbm>>
    tpu.enqueue_dma source(%arg5 : memref<16384xi32, #tpu.memory_space<vmem>>) target(%dma_start3A_391 : memref<16384xi32, #tpu.memory_space<hbm>>) target_semaphore(%arg7 : memref<!tpu.dma_semaphore, #tpu.memory_space<semaphore_mem>>)
    %add3A_392 = arith.constant 245760 : i32
    %add3A_393 = arith.addi %mul3A_2, %add3A_392 : i32
    %dma_start3A_394 = arith.constant 1 : i32
    %dma_start3A_395 = tpu.memref_slice %arg2[%dma_start3A_394, %add3A_393] : memref<2x8388608xi32, #tpu.memory_space<hbm>> -> memref<1x16384xi32, #tpu.memory_space<hbm>>
    %dma_start3A_396 = tpu.memref_squeeze %dma_start3A_395 : memref<1x16384xi32, #tpu.memory_space<hbm>> -> memref<16384xi32, #tpu.memory_space<hbm>>
    %dma_start3A_397 = tpu.memref_slice %arg2[%dma_start3A_394, %add3A_393] : memref<2x8388608xi32, #tpu.memory_space<hbm>> -> memref<1x16384xi32, #tpu.memory_space<hbm>>
    %dma_start3A_398 = tpu.memref_squeeze %dma_start3A_397 : memref<1x16384xi32, #tpu.memory_space<hbm>> -> memref<16384xi32, #tpu.memory_space<hbm>>
    tpu.enqueue_dma source(%arg3 : memref<16384xi32, #tpu.memory_space<vmem>>) target(%dma_start3A_398 : memref<16384xi32, #tpu.memory_space<hbm>>) target_semaphore(%arg6 : memref<!tpu.dma_semaphore, #tpu.memory_space<semaphore_mem>>)
    %dma_wait3A_399 = arith.constant 0 : i32
    %dma_wait3A_400 = tpu.memref_slice %arg2[%dma_wait3A_399, %add3A_361] : memref<2x8388608xi32, #tpu.memory_space<hbm>> -> memref<1x16384xi32, #tpu.memory_space<hbm>>
    %dma_wait3A_401 = tpu.memref_squeeze %dma_wait3A_400 : memref<1x16384xi32, #tpu.memory_space<hbm>> -> memref<16384xi32, #tpu.memory_space<hbm>>
    %dma_wait3A_402 = tpu.memref_slice %arg2[%dma_wait3A_399, %add3A_361] : memref<2x8388608xi32, #tpu.memory_space<hbm>> -> memref<1x16384xi32, #tpu.memory_space<hbm>>
    %dma_wait3A_403 = tpu.memref_squeeze %dma_wait3A_402 : memref<1x16384xi32, #tpu.memory_space<hbm>> -> memref<16384xi32, #tpu.memory_space<hbm>>
    tpu.wait_dma2 semaphore(%arg7 : memref<!tpu.dma_semaphore, #tpu.memory_space<semaphore_mem>>) src(%arg4 : memref<16384xi32, #tpu.memory_space<vmem>>) dst(%dma_wait3A_403 : memref<16384xi32, #tpu.memory_space<hbm>>)
    %dma_wait3A_404 = arith.constant 0 : i32
    %dma_wait3A_405 = tpu.memref_slice %arg2[%dma_wait3A_404, %add3A_386] : memref<2x8388608xi32, #tpu.memory_space<hbm>> -> memref<1x16384xi32, #tpu.memory_space<hbm>>
    %dma_wait3A_406 = tpu.memref_squeeze %dma_wait3A_405 : memref<1x16384xi32, #tpu.memory_space<hbm>> -> memref<16384xi32, #tpu.memory_space<hbm>>
    %dma_wait3A_407 = tpu.memref_slice %arg2[%dma_wait3A_404, %add3A_386] : memref<2x8388608xi32, #tpu.memory_space<hbm>> -> memref<1x16384xi32, #tpu.memory_space<hbm>>
    %dma_wait3A_408 = tpu.memref_squeeze %dma_wait3A_407 : memref<1x16384xi32, #tpu.memory_space<hbm>> -> memref<16384xi32, #tpu.memory_space<hbm>>
    tpu.wait_dma2 semaphore(%arg7 : memref<!tpu.dma_semaphore, #tpu.memory_space<semaphore_mem>>) src(%arg5 : memref<16384xi32, #tpu.memory_space<vmem>>) dst(%dma_wait3A_408 : memref<16384xi32, #tpu.memory_space<hbm>>)
    %dma_wait3A_409 = arith.constant 1 : i32
    %dma_wait3A_410 = tpu.memref_slice %arg2[%dma_wait3A_409, %add3A_24] : memref<2x8388608xi32, #tpu.memory_space<hbm>> -> memref<1x16384xi32, #tpu.memory_space<hbm>>
    %dma_wait3A_411 = tpu.memref_squeeze %dma_wait3A_410 : memref<1x16384xi32, #tpu.memory_space<hbm>> -> memref<16384xi32, #tpu.memory_space<hbm>>
    %dma_wait3A_412 = tpu.memref_slice %arg2[%dma_wait3A_409, %add3A_24] : memref<2x8388608xi32, #tpu.memory_space<hbm>> -> memref<1x16384xi32, #tpu.memory_space<hbm>>
    %dma_wait3A_413 = tpu.memref_squeeze %dma_wait3A_412 : memref<1x16384xi32, #tpu.memory_space<hbm>> -> memref<16384xi32, #tpu.memory_space<hbm>>
    tpu.wait_dma2 semaphore(%arg6 : memref<!tpu.dma_semaphore, #tpu.memory_space<semaphore_mem>>) src(%arg3 : memref<16384xi32, #tpu.memory_space<vmem>>) dst(%dma_wait3A_413 : memref<16384xi32, #tpu.memory_space<hbm>>)
    %dma_wait3A_414 = arith.constant 1 : i32
    %dma_wait3A_415 = tpu.memref_slice %arg2[%dma_wait3A_414, %add3A_44] : memref<2x8388608xi32, #tpu.memory_space<hbm>> -> memref<1x16384xi32, #tpu.memory_space<hbm>>
    %dma_wait3A_416 = tpu.memref_squeeze %dma_wait3A_415 : memref<1x16384xi32, #tpu.memory_space<hbm>> -> memref<16384xi32, #tpu.memory_space<hbm>>
    %dma_wait3A_417 = tpu.memref_slice %arg2[%dma_wait3A_414, %add3A_44] : memref<2x8388608xi32, #tpu.memory_space<hbm>> -> memref<1x16384xi32, #tpu.memory_space<hbm>>
    %dma_wait3A_418 = tpu.memref_squeeze %dma_wait3A_417 : memref<1x16384xi32, #tpu.memory_space<hbm>> -> memref<16384xi32, #tpu.memory_space<hbm>>
    tpu.wait_dma2 semaphore(%arg6 : memref<!tpu.dma_semaphore, #tpu.memory_space<semaphore_mem>>) src(%arg3 : memref<16384xi32, #tpu.memory_space<vmem>>) dst(%dma_wait3A_418 : memref<16384xi32, #tpu.memory_space<hbm>>)
    %dma_wait3A_419 = arith.constant 1 : i32
    %dma_wait3A_420 = tpu.memref_slice %arg2[%dma_wait3A_419, %add3A_68] : memref<2x8388608xi32, #tpu.memory_space<hbm>> -> memref<1x16384xi32, #tpu.memory_space<hbm>>
    %dma_wait3A_421 = tpu.memref_squeeze %dma_wait3A_420 : memref<1x16384xi32, #tpu.memory_space<hbm>> -> memref<16384xi32, #tpu.memory_space<hbm>>
    %dma_wait3A_422 = tpu.memref_slice %arg2[%dma_wait3A_419, %add3A_68] : memref<2x8388608xi32, #tpu.memory_space<hbm>> -> memref<1x16384xi32, #tpu.memory_space<hbm>>
    %dma_wait3A_423 = tpu.memref_squeeze %dma_wait3A_422 : memref<1x16384xi32, #tpu.memory_space<hbm>> -> memref<16384xi32, #tpu.memory_space<hbm>>
    tpu.wait_dma2 semaphore(%arg6 : memref<!tpu.dma_semaphore, #tpu.memory_space<semaphore_mem>>) src(%arg3 : memref<16384xi32, #tpu.memory_space<vmem>>) dst(%dma_wait3A_423 : memref<16384xi32, #tpu.memory_space<hbm>>)
    %dma_wait3A_424 = arith.constant 1 : i32
    %dma_wait3A_425 = tpu.memref_slice %arg2[%dma_wait3A_424, %add3A_93] : memref<2x8388608xi32, #tpu.memory_space<hbm>> -> memref<1x16384xi32, #tpu.memory_space<hbm>>
    %dma_wait3A_426 = tpu.memref_squeeze %dma_wait3A_425 : memref<1x16384xi32, #tpu.memory_space<hbm>> -> memref<16384xi32, #tpu.memory_space<hbm>>
    %dma_wait3A_427 = tpu.memref_slice %arg2[%dma_wait3A_424, %add3A_93] : memref<2x8388608xi32, #tpu.memory_space<hbm>> -> memref<1x16384xi32, #tpu.memory_space<hbm>>
    %dma_wait3A_428 = tpu.memref_squeeze %dma_wait3A_427 : memref<1x16384xi32, #tpu.memory_space<hbm>> -> memref<16384xi32, #tpu.memory_space<hbm>>
    tpu.wait_dma2 semaphore(%arg6 : memref<!tpu.dma_semaphore, #tpu.memory_space<semaphore_mem>>) src(%arg3 : memref<16384xi32, #tpu.memory_space<vmem>>) dst(%dma_wait3A_428 : memref<16384xi32, #tpu.memory_space<hbm>>)
    %dma_wait3A_429 = arith.constant 1 : i32
    %dma_wait3A_430 = tpu.memref_slice %arg2[%dma_wait3A_429, %add3A_118] : memref<2x8388608xi32, #tpu.memory_space<hbm>> -> memref<1x16384xi32, #tpu.memory_space<hbm>>
    %dma_wait3A_431 = tpu.memref_squeeze %dma_wait3A_430 : memref<1x16384xi32, #tpu.memory_space<hbm>> -> memref<16384xi32, #tpu.memory_space<hbm>>
    %dma_wait3A_432 = tpu.memref_slice %arg2[%dma_wait3A_429, %add3A_118] : memref<2x8388608xi32, #tpu.memory_space<hbm>> -> memref<1x16384xi32, #tpu.memory_space<hbm>>
    %dma_wait3A_433 = tpu.memref_squeeze %dma_wait3A_432 : memref<1x16384xi32, #tpu.memory_space<hbm>> -> memref<16384xi32, #tpu.memory_space<hbm>>
    tpu.wait_dma2 semaphore(%arg6 : memref<!tpu.dma_semaphore, #tpu.memory_space<semaphore_mem>>) src(%arg3 : memref<16384xi32, #tpu.memory_space<vmem>>) dst(%dma_wait3A_433 : memref<16384xi32, #tpu.memory_space<hbm>>)
    %dma_wait3A_434 = arith.constant 1 : i32
    %dma_wait3A_435 = tpu.memref_slice %arg2[%dma_wait3A_434, %add3A_143] : memref<2x8388608xi32, #tpu.memory_space<hbm>> -> memref<1x16384xi32, #tpu.memory_space<hbm>>
    %dma_wait3A_436 = tpu.memref_squeeze %dma_wait3A_435 : memref<1x16384xi32, #tpu.memory_space<hbm>> -> memref<16384xi32, #tpu.memory_space<hbm>>
    %dma_wait3A_437 = tpu.memref_slice %arg2[%dma_wait3A_434, %add3A_143] : memref<2x8388608xi32, #tpu.memory_space<hbm>> -> memref<1x16384xi32, #tpu.memory_space<hbm>>
    %dma_wait3A_438 = tpu.memref_squeeze %dma_wait3A_437 : memref<1x16384xi32, #tpu.memory_space<hbm>> -> memref<16384xi32, #tpu.memory_space<hbm>>
    tpu.wait_dma2 semaphore(%arg6 : memref<!tpu.dma_semaphore, #tpu.memory_space<semaphore_mem>>) src(%arg3 : memref<16384xi32, #tpu.memory_space<vmem>>) dst(%dma_wait3A_438 : memref<16384xi32, #tpu.memory_space<hbm>>)
    %dma_wait3A_439 = arith.constant 1 : i32
    %dma_wait3A_440 = tpu.memref_slice %arg2[%dma_wait3A_439, %add3A_168] : memref<2x8388608xi32, #tpu.memory_space<hbm>> -> memref<1x16384xi32, #tpu.memory_space<hbm>>
    %dma_wait3A_441 = tpu.memref_squeeze %dma_wait3A_440 : memref<1x16384xi32, #tpu.memory_space<hbm>> -> memref<16384xi32, #tpu.memory_space<hbm>>
    %dma_wait3A_442 = tpu.memref_slice %arg2[%dma_wait3A_439, %add3A_168] : memref<2x8388608xi32, #tpu.memory_space<hbm>> -> memref<1x16384xi32, #tpu.memory_space<hbm>>
    %dma_wait3A_443 = tpu.memref_squeeze %dma_wait3A_442 : memref<1x16384xi32, #tpu.memory_space<hbm>> -> memref<16384xi32, #tpu.memory_space<hbm>>
    tpu.wait_dma2 semaphore(%arg6 : memref<!tpu.dma_semaphore, #tpu.memory_space<semaphore_mem>>) src(%arg3 : memref<16384xi32, #tpu.memory_space<vmem>>) dst(%dma_wait3A_443 : memref<16384xi32, #tpu.memory_space<hbm>>)
    %dma_wait3A_444 = arith.constant 1 : i32
    %dma_wait3A_445 = tpu.memref_slice %arg2[%dma_wait3A_444, %add3A_193] : memref<2x8388608xi32, #tpu.memory_space<hbm>> -> memref<1x16384xi32, #tpu.memory_space<hbm>>
    %dma_wait3A_446 = tpu.memref_squeeze %dma_wait3A_445 : memref<1x16384xi32, #tpu.memory_space<hbm>> -> memref<16384xi32, #tpu.memory_space<hbm>>
    %dma_wait3A_447 = tpu.memref_slice %arg2[%dma_wait3A_444, %add3A_193] : memref<2x8388608xi32, #tpu.memory_space<hbm>> -> memref<1x16384xi32, #tpu.memory_space<hbm>>
    %dma_wait3A_448 = tpu.memref_squeeze %dma_wait3A_447 : memref<1x16384xi32, #tpu.memory_space<hbm>> -> memref<16384xi32, #tpu.memory_space<hbm>>
    tpu.wait_dma2 semaphore(%arg6 : memref<!tpu.dma_semaphore, #tpu.memory_space<semaphore_mem>>) src(%arg3 : memref<16384xi32, #tpu.memory_space<vmem>>) dst(%dma_wait3A_448 : memref<16384xi32, #tpu.memory_space<hbm>>)
    %dma_wait3A_449 = arith.constant 1 : i32
    %dma_wait3A_450 = tpu.memref_slice %arg2[%dma_wait3A_449, %add3A_218] : memref<2x8388608xi32, #tpu.memory_space<hbm>> -> memref<1x16384xi32, #tpu.memory_space<hbm>>
    %dma_wait3A_451 = tpu.memref_squeeze %dma_wait3A_450 : memref<1x16384xi32, #tpu.memory_space<hbm>> -> memref<16384xi32, #tpu.memory_space<hbm>>
    %dma_wait3A_452 = tpu.memref_slice %arg2[%dma_wait3A_449, %add3A_218] : memref<2x8388608xi32, #tpu.memory_space<hbm>> -> memref<1x16384xi32, #tpu.memory_space<hbm>>
    %dma_wait3A_453 = tpu.memref_squeeze %dma_wait3A_452 : memref<1x16384xi32, #tpu.memory_space<hbm>> -> memref<16384xi32, #tpu.memory_space<hbm>>
    tpu.wait_dma2 semaphore(%arg6 : memref<!tpu.dma_semaphore, #tpu.memory_space<semaphore_mem>>) src(%arg3 : memref<16384xi32, #tpu.memory_space<vmem>>) dst(%dma_wait3A_453 : memref<16384xi32, #tpu.memory_space<hbm>>)
    %dma_wait3A_454 = arith.constant 1 : i32
    %dma_wait3A_455 = tpu.memref_slice %arg2[%dma_wait3A_454, %add3A_243] : memref<2x8388608xi32, #tpu.memory_space<hbm>> -> memref<1x16384xi32, #tpu.memory_space<hbm>>
    %dma_wait3A_456 = tpu.memref_squeeze %dma_wait3A_455 : memref<1x16384xi32, #tpu.memory_space<hbm>> -> memref<16384xi32, #tpu.memory_space<hbm>>
    %dma_wait3A_457 = tpu.memref_slice %arg2[%dma_wait3A_454, %add3A_243] : memref<2x8388608xi32, #tpu.memory_space<hbm>> -> memref<1x16384xi32, #tpu.memory_space<hbm>>
    %dma_wait3A_458 = tpu.memref_squeeze %dma_wait3A_457 : memref<1x16384xi32, #tpu.memory_space<hbm>> -> memref<16384xi32, #tpu.memory_space<hbm>>
    tpu.wait_dma2 semaphore(%arg6 : memref<!tpu.dma_semaphore, #tpu.memory_space<semaphore_mem>>) src(%arg3 : memref<16384xi32, #tpu.memory_space<vmem>>) dst(%dma_wait3A_458 : memref<16384xi32, #tpu.memory_space<hbm>>)
    %dma_wait3A_459 = arith.constant 1 : i32
    %dma_wait3A_460 = tpu.memref_slice %arg2[%dma_wait3A_459, %add3A_268] : memref<2x8388608xi32, #tpu.memory_space<hbm>> -> memref<1x16384xi32, #tpu.memory_space<hbm>>
    %dma_wait3A_461 = tpu.memref_squeeze %dma_wait3A_460 : memref<1x16384xi32, #tpu.memory_space<hbm>> -> memref<16384xi32, #tpu.memory_space<hbm>>
    %dma_wait3A_462 = tpu.memref_slice %arg2[%dma_wait3A_459, %add3A_268] : memref<2x8388608xi32, #tpu.memory_space<hbm>> -> memref<1x16384xi32, #tpu.memory_space<hbm>>
    %dma_wait3A_463 = tpu.memref_squeeze %dma_wait3A_462 : memref<1x16384xi32, #tpu.memory_space<hbm>> -> memref<16384xi32, #tpu.memory_space<hbm>>
    tpu.wait_dma2 semaphore(%arg6 : memref<!tpu.dma_semaphore, #tpu.memory_space<semaphore_mem>>) src(%arg3 : memref<16384xi32, #tpu.memory_space<vmem>>) dst(%dma_wait3A_463 : memref<16384xi32, #tpu.memory_space<hbm>>)
    %dma_wait3A_464 = arith.constant 1 : i32
    %dma_wait3A_465 = tpu.memref_slice %arg2[%dma_wait3A_464, %add3A_293] : memref<2x8388608xi32, #tpu.memory_space<hbm>> -> memref<1x16384xi32, #tpu.memory_space<hbm>>
    %dma_wait3A_466 = tpu.memref_squeeze %dma_wait3A_465 : memref<1x16384xi32, #tpu.memory_space<hbm>> -> memref<16384xi32, #tpu.memory_space<hbm>>
    %dma_wait3A_467 = tpu.memref_slice %arg2[%dma_wait3A_464, %add3A_293] : memref<2x8388608xi32, #tpu.memory_space<hbm>> -> memref<1x16384xi32, #tpu.memory_space<hbm>>
    %dma_wait3A_468 = tpu.memref_squeeze %dma_wait3A_467 : memref<1x16384xi32, #tpu.memory_space<hbm>> -> memref<16384xi32, #tpu.memory_space<hbm>>
    tpu.wait_dma2 semaphore(%arg6 : memref<!tpu.dma_semaphore, #tpu.memory_space<semaphore_mem>>) src(%arg3 : memref<16384xi32, #tpu.memory_space<vmem>>) dst(%dma_wait3A_468 : memref<16384xi32, #tpu.memory_space<hbm>>)
    %dma_wait3A_469 = arith.constant 1 : i32
    %dma_wait3A_470 = tpu.memref_slice %arg2[%dma_wait3A_469, %add3A_318] : memref<2x8388608xi32, #tpu.memory_space<hbm>> -> memref<1x16384xi32, #tpu.memory_space<hbm>>
    %dma_wait3A_471 = tpu.memref_squeeze %dma_wait3A_470 : memref<1x16384xi32, #tpu.memory_space<hbm>> -> memref<16384xi32, #tpu.memory_space<hbm>>
    %dma_wait3A_472 = tpu.memref_slice %arg2[%dma_wait3A_469, %add3A_318] : memref<2x8388608xi32, #tpu.memory_space<hbm>> -> memref<1x16384xi32, #tpu.memory_space<hbm>>
    %dma_wait3A_473 = tpu.memref_squeeze %dma_wait3A_472 : memref<1x16384xi32, #tpu.memory_space<hbm>> -> memref<16384xi32, #tpu.memory_space<hbm>>
    tpu.wait_dma2 semaphore(%arg6 : memref<!tpu.dma_semaphore, #tpu.memory_space<semaphore_mem>>) src(%arg3 : memref<16384xi32, #tpu.memory_space<vmem>>) dst(%dma_wait3A_473 : memref<16384xi32, #tpu.memory_space<hbm>>)
    %dma_wait3A_474 = arith.constant 1 : i32
    %dma_wait3A_475 = tpu.memref_slice %arg2[%dma_wait3A_474, %add3A_343] : memref<2x8388608xi32, #tpu.memory_space<hbm>> -> memref<1x16384xi32, #tpu.memory_space<hbm>>
    %dma_wait3A_476 = tpu.memref_squeeze %dma_wait3A_475 : memref<1x16384xi32, #tpu.memory_space<hbm>> -> memref<16384xi32, #tpu.memory_space<hbm>>
    %dma_wait3A_477 = tpu.memref_slice %arg2[%dma_wait3A_474, %add3A_343] : memref<2x8388608xi32, #tpu.memory_space<hbm>> -> memref<1x16384xi32, #tpu.memory_space<hbm>>
    %dma_wait3A_478 = tpu.memref_squeeze %dma_wait3A_477 : memref<1x16384xi32, #tpu.memory_space<hbm>> -> memref<16384xi32, #tpu.memory_space<hbm>>
    tpu.wait_dma2 semaphore(%arg6 : memref<!tpu.dma_semaphore, #tpu.memory_space<semaphore_mem>>) src(%arg3 : memref<16384xi32, #tpu.memory_space<vmem>>) dst(%dma_wait3A_478 : memref<16384xi32, #tpu.memory_space<hbm>>)
    %dma_wait3A_479 = arith.constant 1 : i32
    %dma_wait3A_480 = tpu.memref_slice %arg2[%dma_wait3A_479, %add3A_368] : memref<2x8388608xi32, #tpu.memory_space<hbm>> -> memref<1x16384xi32, #tpu.memory_space<hbm>>
    %dma_wait3A_481 = tpu.memref_squeeze %dma_wait3A_480 : memref<1x16384xi32, #tpu.memory_space<hbm>> -> memref<16384xi32, #tpu.memory_space<hbm>>
    %dma_wait3A_482 = tpu.memref_slice %arg2[%dma_wait3A_479, %add3A_368] : memref<2x8388608xi32, #tpu.memory_space<hbm>> -> memref<1x16384xi32, #tpu.memory_space<hbm>>
    %dma_wait3A_483 = tpu.memref_squeeze %dma_wait3A_482 : memref<1x16384xi32, #tpu.memory_space<hbm>> -> memref<16384xi32, #tpu.memory_space<hbm>>
    tpu.wait_dma2 semaphore(%arg6 : memref<!tpu.dma_semaphore, #tpu.memory_space<semaphore_mem>>) src(%arg3 : memref<16384xi32, #tpu.memory_space<vmem>>) dst(%dma_wait3A_483 : memref<16384xi32, #tpu.memory_space<hbm>>)
    %dma_wait3A_484 = arith.constant 1 : i32
    %dma_wait3A_485 = tpu.memref_slice %arg2[%dma_wait3A_484, %add3A_393] : memref<2x8388608xi32, #tpu.memory_space<hbm>> -> memref<1x16384xi32, #tpu.memory_space<hbm>>
    %dma_wait3A_486 = tpu.memref_squeeze %dma_wait3A_485 : memref<1x16384xi32, #tpu.memory_space<hbm>> -> memref<16384xi32, #tpu.memory_space<hbm>>
    %dma_wait3A_487 = tpu.memref_slice %arg2[%dma_wait3A_484, %add3A_393] : memref<2x8388608xi32, #tpu.memory_space<hbm>> -> memref<1x16384xi32, #tpu.memory_space<hbm>>
    %dma_wait3A_488 = tpu.memref_squeeze %dma_wait3A_487 : memref<1x16384xi32, #tpu.memory_space<hbm>> -> memref<16384xi32, #tpu.memory_space<hbm>>
    tpu.wait_dma2 semaphore(%arg6 : memref<!tpu.dma_semaphore, #tpu.memory_space<semaphore_mem>>) src(%arg3 : memref<16384xi32, #tpu.memory_space<vmem>>) dst(%dma_wait3A_488 : memref<16384xi32, #tpu.memory_space<hbm>>)
    return
  }
}

module attributes {stable_mosaic.version = 14 : i64} {
  func.func @_fused_kernel(%arg0: i32, %arg1: i32, %arg2: memref<1x2048x128xf32, #tpu.memory_space<vmem>>, %arg3: memref<128x128xf32, #tpu.memory_space<vmem>>, %arg4: memref<1x128xf32, #tpu.memory_space<vmem>>, %arg5: memref<128x128xf32, #tpu.memory_space<vmem>>, %arg6: memref<1x128xf32, #tpu.memory_space<vmem>>, %arg7: memref<16384x128xf32, #tpu.memory_space<vmem>>, %arg8: memref<1x1xf32, #tpu.memory_space<vmem>>, %arg9: memref<2048x128xf32, #tpu.memory_space<vmem>>) attributes {dimension_semantics = [#tpu.dimension_semantics<arbitrary>, #tpu.dimension_semantics<arbitrary>], iteration_bounds = array<i64: 2, 2>, scalar_prefetch = 0 : i64, scratch_operands = 1 : i64, tpu.core_type = #tpu.core_type<tc>, window_params = [{transform_indices = @transform_0, window_bounds = array<i64: 1, 2048, 128>}, {pipeline_mode = #tpu.pipeline_mode<synchronous>, transform_indices = @transform_1, window_bounds = array<i64: 128, 128>}, {pipeline_mode = #tpu.pipeline_mode<synchronous>, transform_indices = @transform_2, window_bounds = array<i64: 1, 128>}, {pipeline_mode = #tpu.pipeline_mode<synchronous>, transform_indices = @transform_3, window_bounds = array<i64: 128, 128>}, {pipeline_mode = #tpu.pipeline_mode<synchronous>, transform_indices = @transform_4, window_bounds = array<i64: 1, 128>}, {transform_indices = @transform_5, window_bounds = array<i64: 16384, 128>}, {pipeline_mode = #tpu.pipeline_mode<synchronous>, transform_indices = @transform_6, window_bounds = array<i64: 1, 1>}]} {
    %get3A = arith.constant 0 : index
    %get3A_0 = arith.constant 0 : index
    %get3A_1 = arith.constant 0 : index
    %get3A_2 = vector.load %arg2[%get3A, %get3A_0, %get3A_1] : memref<1x2048x128xf32, #tpu.memory_space<vmem>>, vector<1x2048x128xf32>
    %get3A_3 = vector.shape_cast %get3A_2 : vector<1x2048x128xf32> to vector<2048x128xf32>
    %eq3A = arith.constant 0 : i32
    %eq3A_4 = arith.cmpi eq, %arg1, %eq3A : i32
    %convert_element_type3A = arith.extui %eq3A_4 : i1 to i32
    %cond3A = arith.constant 0 : i32
    %cond3A_5 = arith.cmpi ne, %convert_element_type3A, %cond3A : i32
    scf.if %cond3A_5 {
      %get3A_229 = arith.constant 0 : index
      %get3A_230 = arith.constant 0 : index
      %get3A_231 = vector.load %arg5[%get3A_229, %get3A_230] : memref<128x128xf32, #tpu.memory_space<vmem>>, vector<128x128xf32>
      %dot_general3A_232 = arith.constant dense<0.000000e+00> : vector<2048x128xf32>
      %dot_general3A_233 = tpu.matmul %get3A_3, %get3A_231, %dot_general3A_232 {dimension_numbers = #tpu.dot_dimension_numbers<[1], [0], [0], [1], [0, 0, 1, 1], [], []>, transpose_lhs_hint = false} : vector<2048x128xf32>, vector<128x128xf32>, vector<2048x128xf32> -> vector<2048x128xf32>
      %get3A_234 = arith.constant 0 : index
      %get3A_235 = arith.constant 0 : index
      %get3A_236 = vector.load %arg6[%get3A_234, %get3A_235] : memref<1x128xf32, #tpu.memory_space<vmem>>, vector<1x128xf32>
      %add3A_237 = vector.broadcast %get3A_236 : vector<1x128xf32> to vector<2048x128xf32>
      %add3A_238 = arith.addf %dot_general3A_233, %add3A_237 : vector<2048x128xf32>
      %swap3A_239 = arith.constant 0 : index
      %swap3A_240 = arith.constant 0 : index
      %swap3A_241 = vector.load %arg9[%swap3A_239, %swap3A_240] : memref<2048x128xf32, #tpu.memory_space<vmem>>, vector<2048x128xf32>
      tpu.vector_store %arg9[%swap3A_239, %swap3A_240], %add3A_238 {strides = array<i32>} : memref<2048x128xf32, #tpu.memory_space<vmem>>, vector<2048x128xf32>,
    } else {
    }
    %mul3A = arith.constant 1024 : i32
    %mul3A_6 = arith.muli %arg1, %mul3A : i32
    %get3A_7 = arith.constant 0 : index
    %get3A_8 = arith.index_cast %mul3A_6 : i32 to index
    %get3A_9 = arith.constant 0 : index
    %get3A_10 = vector.load %arg2[%get3A_7, %get3A_8, %get3A_9] : memref<1x2048x128xf32, #tpu.memory_space<vmem>>, vector<1x1024x128xf32>
    %get3A_11 = vector.shape_cast %get3A_10 : vector<1x1024x128xf32> to vector<1024x128xf32>
    %get3A_12 = arith.constant 0 : index
    %get3A_13 = arith.constant 0 : index
    %get3A_14 = vector.load %arg3[%get3A_12, %get3A_13] : memref<128x128xf32, #tpu.memory_space<vmem>>, vector<128x128xf32>
    %dot_general3A = arith.constant dense<0.000000e+00> : vector<1024x128xf32>
    %dot_general3A_15 = tpu.matmul %get3A_11, %get3A_14, %dot_general3A {dimension_numbers = #tpu.dot_dimension_numbers<[1], [0], [0], [1], [0, 0, 1, 1], [], []>, transpose_lhs_hint = false} : vector<1024x128xf32>, vector<128x128xf32>, vector<1024x128xf32> -> vector<1024x128xf32>
    %get3A_16 = arith.constant 0 : index
    %get3A_17 = arith.constant 0 : index
    %get3A_18 = vector.load %arg4[%get3A_16, %get3A_17] : memref<1x128xf32, #tpu.memory_space<vmem>>, vector<1x128xf32>
    %add3A = vector.broadcast %get3A_18 : vector<1x128xf32> to vector<1024x128xf32>
    %add3A_19 = arith.addf %dot_general3A_15, %add3A : vector<1024x128xf32>
    %get3A_20 = arith.constant 0 : index
    %get3A_21 = arith.constant 0 : index
    %get3A_22 = vector.load %arg9[%get3A_20, %get3A_21] : memref<2048x128xf32, #tpu.memory_space<vmem>>, vector<2048x128xf32>
    %dot_general3A_23 = arith.constant dense<0.000000e+00> : vector<1024x2048xf32>
    %dot_general3A_24 = tpu.matmul %add3A_19, %get3A_22, %dot_general3A_23 {dimension_numbers = #tpu.dot_dimension_numbers<[1], [1], [0], [0], [0, 0, 1, 0], [], []>, transpose_lhs_hint = false} : vector<1024x128xf32>, vector<2048x128xf32>, vector<1024x2048xf32> -> vector<1024x2048xf32>
    %slice3A = vector.extract_strided_slice %dot_general3A_24 {offsets = [0, 0], sizes = [1024, 128], strides = [1, 1]} : vector<1024x2048xf32> to vector<1024x128xf32>
    %slice3A_25 = vector.extract_strided_slice %dot_general3A_24 {offsets = [0, 128], sizes = [1024, 128], strides = [1, 1]} : vector<1024x2048xf32> to vector<1024x128xf32>
    %max3A = arith.maximumf %slice3A, %slice3A_25 : vector<1024x128xf32>
    %slice3A_26 = vector.extract_strided_slice %dot_general3A_24 {offsets = [0, 256], sizes = [1024, 128], strides = [1, 1]} : vector<1024x2048xf32> to vector<1024x128xf32>
    %max3A_27 = arith.maximumf %max3A, %slice3A_26 : vector<1024x128xf32>
    %slice3A_28 = vector.extract_strided_slice %dot_general3A_24 {offsets = [0, 384], sizes = [1024, 128], strides = [1, 1]} : vector<1024x2048xf32> to vector<1024x128xf32>
    %max3A_29 = arith.maximumf %max3A_27, %slice3A_28 : vector<1024x128xf32>
    %slice3A_30 = vector.extract_strided_slice %dot_general3A_24 {offsets = [0, 512], sizes = [1024, 128], strides = [1, 1]} : vector<1024x2048xf32> to vector<1024x128xf32>
    %max3A_31 = arith.maximumf %max3A_29, %slice3A_30 : vector<1024x128xf32>
    %slice3A_32 = vector.extract_strided_slice %dot_general3A_24 {offsets = [0, 640], sizes = [1024, 128], strides = [1, 1]} : vector<1024x2048xf32> to vector<1024x128xf32>
    %max3A_33 = arith.maximumf %max3A_31, %slice3A_32 : vector<1024x128xf32>
    %slice3A_34 = vector.extract_strided_slice %dot_general3A_24 {offsets = [0, 768], sizes = [1024, 128], strides = [1, 1]} : vector<1024x2048xf32> to vector<1024x128xf32>
    %max3A_35 = arith.maximumf %max3A_33, %slice3A_34 : vector<1024x128xf32>
    %slice3A_36 = vector.extract_strided_slice %dot_general3A_24 {offsets = [0, 896], sizes = [1024, 128], strides = [1, 1]} : vector<1024x2048xf32> to vector<1024x128xf32>
    %max3A_37 = arith.maximumf %max3A_35, %slice3A_36 : vector<1024x128xf32>
    %slice3A_38 = vector.extract_strided_slice %dot_general3A_24 {offsets = [0, 1024], sizes = [1024, 128], strides = [1, 1]} : vector<1024x2048xf32> to vector<1024x128xf32>
    %max3A_39 = arith.maximumf %max3A_37, %slice3A_38 : vector<1024x128xf32>
    %slice3A_40 = vector.extract_strided_slice %dot_general3A_24 {offsets = [0, 1152], sizes = [1024, 128], strides = [1, 1]} : vector<1024x2048xf32> to vector<1024x128xf32>
    %max3A_41 = arith.maximumf %max3A_39, %slice3A_40 : vector<1024x128xf32>
    %slice3A_42 = vector.extract_strided_slice %dot_general3A_24 {offsets = [0, 1280], sizes = [1024, 128], strides = [1, 1]} : vector<1024x2048xf32> to vector<1024x128xf32>
    %max3A_43 = arith.maximumf %max3A_41, %slice3A_42 : vector<1024x128xf32>
    %slice3A_44 = vector.extract_strided_slice %dot_general3A_24 {offsets = [0, 1408], sizes = [1024, 128], strides = [1, 1]} : vector<1024x2048xf32> to vector<1024x128xf32>
    %max3A_45 = arith.maximumf %max3A_43, %slice3A_44 : vector<1024x128xf32>
    %slice3A_46 = vector.extract_strided_slice %dot_general3A_24 {offsets = [0, 1536], sizes = [1024, 128], strides = [1, 1]} : vector<1024x2048xf32> to vector<1024x128xf32>
    %max3A_47 = arith.maximumf %max3A_45, %slice3A_46 : vector<1024x128xf32>
    %slice3A_48 = vector.extract_strided_slice %dot_general3A_24 {offsets = [0, 1664], sizes = [1024, 128], strides = [1, 1]} : vector<1024x2048xf32> to vector<1024x128xf32>
    %max3A_49 = arith.maximumf %max3A_47, %slice3A_48 : vector<1024x128xf32>
    %slice3A_50 = vector.extract_strided_slice %dot_general3A_24 {offsets = [0, 1792], sizes = [1024, 128], strides = [1, 1]} : vector<1024x2048xf32> to vector<1024x128xf32>
    %max3A_51 = arith.maximumf %max3A_49, %slice3A_50 : vector<1024x128xf32>
    %slice3A_52 = vector.extract_strided_slice %dot_general3A_24 {offsets = [0, 1920], sizes = [1024, 128], strides = [1, 1]} : vector<1024x2048xf32> to vector<1024x128xf32>
    %max3A_53 = arith.maximumf %max3A_51, %slice3A_52 : vector<1024x128xf32>
    %reduce_max3A = arith.constant dense<0xFF800000> : vector<1024xf32>
    %reduce_max3A_54 = vector.multi_reduction <maximumf>, %max3A_53, %reduce_max3A [1] : vector<1024x128xf32> to vector<1024xf32>
    %broadcast_in_dim3A = vector.shape_cast %reduce_max3A_54 : vector<1024xf32> to vector<1024x1xf32>
    %reduce_min3A = arith.constant dense<0x7F800000> : vector<1024xf32>
    %reduce_min3A_55 = vector.multi_reduction <minimumf>, %max3A_53, %reduce_min3A [1] : vector<1024x128xf32> to vector<1024xf32>
    %broadcast_in_dim3A_56 = vector.shape_cast %reduce_min3A_55 : vector<1024xf32> to vector<1024x1xf32>
    %sub3A = arith.subf %broadcast_in_dim3A, %broadcast_in_dim3A_56 : vector<1024x1xf32>
    %mul3A_57 = arith.constant 0.111111112 : f32
    %mul3A_58 = vector.broadcast %mul3A_57 : f32 to vector<1024x1xf32>
    %mul3A_59 = arith.mulf %mul3A_58, %sub3A : vector<1024x1xf32>
    %add3A_60 = arith.addf %broadcast_in_dim3A_56, %mul3A_59 : vector<1024x1xf32>
    %mul3A_61 = arith.constant 0.222222224 : f32
    %mul3A_62 = vector.broadcast %mul3A_61 : f32 to vector<1024x1xf32>
    %mul3A_63 = arith.mulf %mul3A_62, %sub3A : vector<1024x1xf32>
    %add3A_64 = arith.addf %broadcast_in_dim3A_56, %mul3A_63 : vector<1024x1xf32>
    %mul3A_65 = arith.constant 0.333333343 : f32
    %mul3A_66 = vector.broadcast %mul3A_65 : f32 to vector<1024x1xf32>
    %mul3A_67 = arith.mulf %mul3A_66, %sub3A : vector<1024x1xf32>
    %add3A_68 = arith.addf %broadcast_in_dim3A_56, %mul3A_67 : vector<1024x1xf32>
    %mul3A_69 = arith.constant 0.444444448 : f32
    %mul3A_70 = vector.broadcast %mul3A_69 : f32 to vector<1024x1xf32>
    %mul3A_71 = arith.mulf %mul3A_70, %sub3A : vector<1024x1xf32>
    %add3A_72 = arith.addf %broadcast_in_dim3A_56, %mul3A_71 : vector<1024x1xf32>
    %mul3A_73 = arith.constant 0.555555582 : f32
    %mul3A_74 = vector.broadcast %mul3A_73 : f32 to vector<1024x1xf32>
    %mul3A_75 = arith.mulf %mul3A_74, %sub3A : vector<1024x1xf32>
    %add3A_76 = arith.addf %broadcast_in_dim3A_56, %mul3A_75 : vector<1024x1xf32>
    %mul3A_77 = arith.constant 0.666666686 : f32
    %mul3A_78 = vector.broadcast %mul3A_77 : f32 to vector<1024x1xf32>
    %mul3A_79 = arith.mulf %mul3A_78, %sub3A : vector<1024x1xf32>
    %add3A_80 = arith.addf %broadcast_in_dim3A_56, %mul3A_79 : vector<1024x1xf32>
    %mul3A_81 = arith.constant 0.777777791 : f32
    %mul3A_82 = vector.broadcast %mul3A_81 : f32 to vector<1024x1xf32>
    %mul3A_83 = arith.mulf %mul3A_82, %sub3A : vector<1024x1xf32>
    %add3A_84 = arith.addf %broadcast_in_dim3A_56, %mul3A_83 : vector<1024x1xf32>
    %mul3A_85 = arith.constant 0.888888895 : f32
    %mul3A_86 = vector.broadcast %mul3A_85 : f32 to vector<1024x1xf32>
    %mul3A_87 = arith.mulf %mul3A_86, %sub3A : vector<1024x1xf32>
    %add3A_88 = arith.addf %broadcast_in_dim3A_56, %mul3A_87 : vector<1024x1xf32>
    %ge3A = vector.broadcast %add3A_60 : vector<1024x1xf32> to vector<1024x128xf32>
    %ge3A_89 = arith.cmpf oge, %max3A_53, %ge3A : vector<1024x128xf32>
    %convert_element_type3A_90 = arith.extui %ge3A_89 : vector<1024x128xi1> to vector<1024x128xi32>
    %convert_element_type3A_91 = arith.sitofp %convert_element_type3A_90 : vector<1024x128xi32> to vector<1024x128xf32>
    %ge3A_92 = vector.broadcast %add3A_64 : vector<1024x1xf32> to vector<1024x128xf32>
    %ge3A_93 = arith.cmpf oge, %max3A_53, %ge3A_92 : vector<1024x128xf32>
    %convert_element_type3A_94 = arith.extui %ge3A_93 : vector<1024x128xi1> to vector<1024x128xi32>
    %convert_element_type3A_95 = arith.sitofp %convert_element_type3A_94 : vector<1024x128xi32> to vector<1024x128xf32>
    %ge3A_96 = vector.broadcast %add3A_68 : vector<1024x1xf32> to vector<1024x128xf32>
    %ge3A_97 = arith.cmpf oge, %max3A_53, %ge3A_96 : vector<1024x128xf32>
    %convert_element_type3A_98 = arith.extui %ge3A_97 : vector<1024x128xi1> to vector<1024x128xi32>
    %convert_element_type3A_99 = arith.sitofp %convert_element_type3A_98 : vector<1024x128xi32> to vector<1024x128xf32>
    %ge3A_100 = vector.broadcast %add3A_72 : vector<1024x1xf32> to vector<1024x128xf32>
    %ge3A_101 = arith.cmpf oge, %max3A_53, %ge3A_100 : vector<1024x128xf32>
    %convert_element_type3A_102 = arith.extui %ge3A_101 : vector<1024x128xi1> to vector<1024x128xi32>
    %convert_element_type3A_103 = arith.sitofp %convert_element_type3A_102 : vector<1024x128xi32> to vector<1024x128xf32>
    %ge3A_104 = vector.broadcast %add3A_76 : vector<1024x1xf32> to vector<1024x128xf32>
    %ge3A_105 = arith.cmpf oge, %max3A_53, %ge3A_104 : vector<1024x128xf32>
    %convert_element_type3A_106 = arith.extui %ge3A_105 : vector<1024x128xi1> to vector<1024x128xi32>
    %convert_element_type3A_107 = arith.sitofp %convert_element_type3A_106 : vector<1024x128xi32> to vector<1024x128xf32>
    %ge3A_108 = vector.broadcast %add3A_80 : vector<1024x1xf32> to vector<1024x128xf32>
    %ge3A_109 = arith.cmpf oge, %max3A_53, %ge3A_108 : vector<1024x128xf32>
    %convert_element_type3A_110 = arith.extui %ge3A_109 : vector<1024x128xi1> to vector<1024x128xi32>
    %convert_element_type3A_111 = arith.sitofp %convert_element_type3A_110 : vector<1024x128xi32> to vector<1024x128xf32>
    %ge3A_112 = vector.broadcast %add3A_84 : vector<1024x1xf32> to vector<1024x128xf32>
    %ge3A_113 = arith.cmpf oge, %max3A_53, %ge3A_112 : vector<1024x128xf32>
    %convert_element_type3A_114 = arith.extui %ge3A_113 : vector<1024x128xi1> to vector<1024x128xi32>
    %convert_element_type3A_115 = arith.sitofp %convert_element_type3A_114 : vector<1024x128xi32> to vector<1024x128xf32>
    %ge3A_116 = vector.broadcast %add3A_88 : vector<1024x1xf32> to vector<1024x128xf32>
    %ge3A_117 = arith.cmpf oge, %max3A_53, %ge3A_116 : vector<1024x128xf32>
    %convert_element_type3A_118 = arith.extui %ge3A_117 : vector<1024x128xi1> to vector<1024x128xi32>
    %convert_element_type3A_119 = arith.sitofp %convert_element_type3A_118 : vector<1024x128xi32> to vector<1024x128xf32>
    %concatenate3A = tpu.concatenate %convert_element_type3A_91, %convert_element_type3A_95, %convert_element_type3A_99, %convert_element_type3A_103, %convert_element_type3A_107, %convert_element_type3A_111, %convert_element_type3A_115, %convert_element_type3A_119 in 1 : vector<1024x128xf32>, vector<1024x128xf32>, vector<1024x128xf32>, vector<1024x128xf32>, vector<1024x128xf32>, vector<1024x128xf32>, vector<1024x128xf32>, vector<1024x128xf32> -> vector<1024x1024xf32>
    %iota3A = tpu.iota {dimensions = array<i32: 0>} : vector<1024x8xi32>
    %iota3A_120 = tpu.iota {dimensions = array<i32: 1>} : vector<1024x8xi32>
    %shift_right_arithmetic3A = arith.constant 7 : i32
    %shift_right_arithmetic3A_121 = vector.broadcast %shift_right_arithmetic3A : i32 to vector<1024x8xi32>
    %shift_right_arithmetic3A_122 = arith.shrsi %iota3A, %shift_right_arithmetic3A_121 : vector<1024x8xi32>
    %eq3A_123 = arith.cmpi eq, %shift_right_arithmetic3A_122, %iota3A_120 : vector<1024x8xi32>
    %convert_element_type3A_124 = arith.extui %eq3A_123 : vector<1024x8xi1> to vector<1024x8xi32>
    %convert_element_type3A_125 = arith.sitofp %convert_element_type3A_124 : vector<1024x8xi32> to vector<1024x8xf32>
    %dot_general3A_126 = arith.constant dense<0.000000e+00> : vector<1024x8xf32>
    %dot_general3A_127 = tpu.matmul %concatenate3A, %convert_element_type3A_125, %dot_general3A_126 {dimension_numbers = #tpu.dot_dimension_numbers<[1], [0], [0], [1], [0, 0, 1, 1], [], []>, transpose_lhs_hint = false} : vector<1024x1024xf32>, vector<1024x8xf32>, vector<1024x8xf32> -> vector<1024x8xf32>
    %ge3A_128 = arith.constant 3.200000e+01 : f32
    %ge3A_129 = vector.broadcast %ge3A_128 : f32 to vector<1024x8xf32>
    %ge3A_130 = arith.cmpf oge, %dot_general3A_127, %ge3A_129 : vector<1024x8xf32>
    %slice3A_131 = vector.extract_strided_slice %ge3A_130 {offsets = [0, 0], sizes = [1024, 1], strides = [1, 1]} : vector<1024x8xi1> to vector<1024x1xi1>
    %select_n3A = arith.select %slice3A_131, %add3A_60, %broadcast_in_dim3A_56 : vector<1024x1xi1>, vector<1024x1xf32>
    %max3A_132 = arith.maximumf %broadcast_in_dim3A_56, %select_n3A : vector<1024x1xf32>
    %slice3A_133 = vector.extract_strided_slice %ge3A_130 {offsets = [0, 1], sizes = [1024, 1], strides = [1, 1]} : vector<1024x8xi1> to vector<1024x1xi1>
    %select_n3A_134 = arith.select %slice3A_133, %add3A_64, %broadcast_in_dim3A_56 : vector<1024x1xi1>, vector<1024x1xf32>
    %max3A_135 = arith.maximumf %max3A_132, %select_n3A_134 : vector<1024x1xf32>
    %slice3A_136 = vector.extract_strided_slice %ge3A_130 {offsets = [0, 2], sizes = [1024, 1], strides = [1, 1]} : vector<1024x8xi1> to vector<1024x1xi1>
    %select_n3A_137 = arith.select %slice3A_136, %add3A_68, %broadcast_in_dim3A_56 : vector<1024x1xi1>, vector<1024x1xf32>
    %max3A_138 = arith.maximumf %max3A_135, %select_n3A_137 : vector<1024x1xf32>
    %slice3A_139 = vector.extract_strided_slice %ge3A_130 {offsets = [0, 3], sizes = [1024, 1], strides = [1, 1]} : vector<1024x8xi1> to vector<1024x1xi1>
    %select_n3A_140 = arith.select %slice3A_139, %add3A_72, %broadcast_in_dim3A_56 : vector<1024x1xi1>, vector<1024x1xf32>
    %max3A_141 = arith.maximumf %max3A_138, %select_n3A_140 : vector<1024x1xf32>
    %slice3A_142 = vector.extract_strided_slice %ge3A_130 {offsets = [0, 4], sizes = [1024, 1], strides = [1, 1]} : vector<1024x8xi1> to vector<1024x1xi1>
    %select_n3A_143 = arith.select %slice3A_142, %add3A_76, %broadcast_in_dim3A_56 : vector<1024x1xi1>, vector<1024x1xf32>
    %max3A_144 = arith.maximumf %max3A_141, %select_n3A_143 : vector<1024x1xf32>
    %slice3A_145 = vector.extract_strided_slice %ge3A_130 {offsets = [0, 5], sizes = [1024, 1], strides = [1, 1]} : vector<1024x8xi1> to vector<1024x1xi1>
    %select_n3A_146 = arith.select %slice3A_145, %add3A_80, %broadcast_in_dim3A_56 : vector<1024x1xi1>, vector<1024x1xf32>
    %max3A_147 = arith.maximumf %max3A_144, %select_n3A_146 : vector<1024x1xf32>
    %slice3A_148 = vector.extract_strided_slice %ge3A_130 {offsets = [0, 6], sizes = [1024, 1], strides = [1, 1]} : vector<1024x8xi1> to vector<1024x1xi1>
    %select_n3A_149 = arith.select %slice3A_148, %add3A_84, %broadcast_in_dim3A_56 : vector<1024x1xi1>, vector<1024x1xf32>
    %max3A_150 = arith.maximumf %max3A_147, %select_n3A_149 : vector<1024x1xf32>
    %slice3A_151 = vector.extract_strided_slice %ge3A_130 {offsets = [0, 7], sizes = [1024, 1], strides = [1, 1]} : vector<1024x8xi1> to vector<1024x1xi1>
    %select_n3A_152 = arith.select %slice3A_151, %add3A_88, %broadcast_in_dim3A_56 : vector<1024x1xi1>, vector<1024x1xf32>
    %max3A_153 = arith.maximumf %max3A_150, %select_n3A_152 : vector<1024x1xf32>
    %ge3A_154 = arith.constant 0.000000e+00 : f32
    %ge3A_155 = vector.broadcast %ge3A_154 : f32 to vector<1024x1xf32>
    %ge3A_156 = arith.cmpf oge, %broadcast_in_dim3A, %ge3A_155 : vector<1024x1xf32>
    %mul3A_157 = arith.constant 2.000000e-01 : f32
    %mul3A_158 = vector.broadcast %mul3A_157 : f32 to vector<1024x1xf32>
    %mul3A_159 = arith.mulf %mul3A_158, %broadcast_in_dim3A : vector<1024x1xf32>
    %select_n3A_160 = arith.select %ge3A_156, %broadcast_in_dim3A, %mul3A_159 : vector<1024x1xi1>, vector<1024x1xf32>
    %max3A_161 = arith.constant 0.000000e+00 : f32
    %max3A_162 = vector.broadcast %max3A_161 : f32 to vector<1024x1xf32>
    %max3A_163 = arith.maximumf %select_n3A_160, %max3A_162 : vector<1024x1xf32>
    %ge3A_164 = vector.broadcast %max3A_153 : vector<1024x1xf32> to vector<1024x2048xf32>
    %ge3A_165 = arith.cmpf oge, %dot_general3A_24, %ge3A_164 : vector<1024x2048xf32>
    %ge3A_166 = arith.constant 0.000000e+00 : f32
    %ge3A_167 = vector.broadcast %ge3A_166 : f32 to vector<1024x2048xf32>
    %ge3A_168 = arith.cmpf oge, %dot_general3A_24, %ge3A_167 : vector<1024x2048xf32>
    %mul3A_169 = arith.constant 2.000000e-01 : f32
    %mul3A_170 = arith.constant 1.44269502 : f32
    %mul3A_171 = arith.mulf %mul3A_169, %mul3A_170 : f32
    %jit3A = arith.constant 1.44269502 : f32
    %broadcast_in_dim3A_172 = vector.broadcast %jit3A : f32 to vector<1024x2048xf32>
    %broadcast_in_dim3A_173 = vector.broadcast %mul3A_171 : f32 to vector<1024x2048xf32>
    %select_n3A_174 = arith.select %ge3A_168, %broadcast_in_dim3A_172, %broadcast_in_dim3A_173 : vector<1024x2048xi1>, vector<1024x2048xf32>
    %mul3A_175 = arith.mulf %dot_general3A_24, %select_n3A_174 : vector<1024x2048xf32>
    %mul3A_176 = arith.constant 1.44269502 : f32
    %mul3A_177 = vector.broadcast %mul3A_176 : f32 to vector<1024x1xf32>
    %mul3A_178 = arith.mulf %max3A_163, %mul3A_177 : vector<1024x1xf32>
    %sub3A_179 = vector.broadcast %mul3A_178 : vector<1024x1xf32> to vector<1024x2048xf32>
    %sub3A_180 = arith.subf %mul3A_175, %sub3A_179 : vector<1024x2048xf32>
    %exp23A = math.exp2 %sub3A_180 : vector<1024x2048xf32>
    %neg3A = arith.constant 0.000000e+00 : f32
    %neg3A_181 = vector.broadcast %neg3A : f32 to vector<1024x1xf32>
    %neg3A_182 = arith.subf %neg3A_181, %max3A_163 : vector<1024x1xf32>
    %mul3A_183 = arith.constant 1.44269502 : f32
    %mul3A_184 = vector.broadcast %mul3A_183 : f32 to vector<1024x1xf32>
    %mul3A_185 = arith.mulf %neg3A_182, %mul3A_184 : vector<1024x1xf32>
    %exp23A_186 = math.exp2 %mul3A_185 : vector<1024x1xf32>
    %broadcast_in_dim3A_187 = vector.shape_cast %exp23A_186 : vector<1024x1xf32> to vector<1024x1xf32>
    %broadcast_in_dim3A_188 = vector.broadcast %broadcast_in_dim3A_187 : vector<1024x1xf32> to vector<1024x2048xf32>
    %select_n3A_189 = arith.select %ge3A_165, %exp23A, %broadcast_in_dim3A_188 : vector<1024x2048xi1>, vector<1024x2048xf32>
    %broadcast_in_dim3A_190 = arith.constant 1.000000e+00 : f32
    %broadcast_in_dim3A_191 = vector.broadcast %broadcast_in_dim3A_190 : f32 to vector<2048x1xf32>
    %dot_general3A_192 = arith.constant dense<0.000000e+00> : vector<1024x1xf32>
    %dot_general3A_193 = tpu.matmul %select_n3A_189, %broadcast_in_dim3A_191, %dot_general3A_192 {dimension_numbers = #tpu.dot_dimension_numbers<[1], [0], [0], [1], [0, 0, 1, 1], [], []>, transpose_lhs_hint = false} : vector<1024x2048xf32>, vector<2048x1xf32>, vector<1024x1xf32> -> vector<1024x1xf32>
    %div3A = arith.constant 1.000000e+00 : f32
    %div3A_194 = vector.broadcast %div3A : f32 to vector<1024x1xf32>
    %div3A_195 = arith.divf %div3A_194, %dot_general3A_193 : vector<1024x1xf32>
    %mul3A_196 = vector.broadcast %div3A_195 : vector<1024x1xf32> to vector<1024x2048xf32>
    %mul3A_197 = arith.mulf %select_n3A_189, %mul3A_196 : vector<1024x2048xf32>
    %reshape3A = vector.shape_cast %mul3A_197 : vector<1024x2048xf32> to vector<16384x128xf32>
    %swap3A = arith.constant 0 : index
    %swap3A_198 = arith.constant 0 : index
    %swap3A_199 = vector.load %arg7[%swap3A, %swap3A_198] : memref<16384x128xf32, #tpu.memory_space<vmem>>, vector<16384x128xf32>
    tpu.vector_store %arg7[%swap3A, %swap3A_198], %reshape3A {strides = array<i32>} : memref<16384x128xf32, #tpu.memory_space<vmem>>, vector<16384x128xf32>,
    %dot_general3A_200 = arith.constant dense<0.000000e+00> : vector<1024x128xf32>
    %dot_general3A_201 = tpu.matmul %mul3A_197, %get3A_3, %dot_general3A_200 {dimension_numbers = #tpu.dot_dimension_numbers<[1], [0], [0], [1], [0, 0, 1, 1], [], []>, transpose_lhs_hint = false} : vector<1024x2048xf32>, vector<2048x128xf32>, vector<1024x128xf32> -> vector<1024x128xf32>
    %mul3A_202 = arith.mulf %get3A_11, %get3A_11 : vector<1024x128xf32>
    %reduce_sum3A = vector.shape_cast %mul3A_202 : vector<1024x128xf32> to vector<1x1024x128xf32>
    %reduce_sum3A_203 = arith.constant dense<0.000000e+00> : vector<1xf32>
    %reduce_sum3A_204 = vector.multi_reduction <add>, %reduce_sum3A, %reduce_sum3A_203 [1, 2] : vector<1x1024x128xf32> to vector<1xf32>
    %reduce_sum3A_205 = vector.shape_cast %reduce_sum3A_204 : vector<1xf32> to vector<1x1x1xf32>
    %reduce_sum3A_206 = vector.extract %reduce_sum3A_205[0, 0, 0] : f32 from vector<1x1x1xf32>
    %mul3A_207 = arith.mulf %get3A_11, %dot_general3A_201 : vector<1024x128xf32>
    %reduce_sum3A_208 = vector.shape_cast %mul3A_207 : vector<1024x128xf32> to vector<1x1024x128xf32>
    %reduce_sum3A_209 = arith.constant dense<0.000000e+00> : vector<1xf32>
    %reduce_sum3A_210 = vector.multi_reduction <add>, %reduce_sum3A_208, %reduce_sum3A_209 [1, 2] : vector<1x1024x128xf32> to vector<1xf32>
    %reduce_sum3A_211 = vector.shape_cast %reduce_sum3A_210 : vector<1xf32> to vector<1x1x1xf32>
    %reduce_sum3A_212 = vector.extract %reduce_sum3A_211[0, 0, 0] : f32 from vector<1x1x1xf32>
    %sub3A_213 = arith.subf %reduce_sum3A_206, %reduce_sum3A_212 : f32
    %reshape3A_214 = vector.broadcast %sub3A_213 : f32 to vector<1x1xf32>
    %eq3A_215 = arith.constant 0 : i32
    %eq3A_216 = arith.cmpi eq, %arg0, %eq3A_215 : i32
    %eq3A_217 = arith.constant 0 : i32
    %eq3A_218 = arith.cmpi eq, %arg1, %eq3A_217 : i32
    %and3A = arith.andi %eq3A_216, %eq3A_218 : i1
    %convert_element_type3A_219 = arith.extui %and3A : i1 to i32
    %cond3A_220 = arith.constant 0 : i32
    %cond3A_221 = arith.cmpi ne, %convert_element_type3A_219, %cond3A_220 : i32
    scf.if %cond3A_221 {
      %broadcast_in_dim3A_229 = arith.constant 0.000000e+00 : f32
      %broadcast_in_dim3A_230 = vector.broadcast %broadcast_in_dim3A_229 : f32 to vector<1x1xf32>
      %swap3A_231 = arith.constant 0 : index
      %swap3A_232 = arith.constant 0 : index
      %swap3A_233 = vector.load %arg8[%swap3A_231, %swap3A_232] : memref<1x1xf32, #tpu.memory_space<vmem>>, vector<1x1xf32>
      tpu.vector_store %arg8[%swap3A_231, %swap3A_232], %broadcast_in_dim3A_230 {strides = array<i32>} : memref<1x1xf32, #tpu.memory_space<vmem>>, vector<1x1xf32>,
    } else {
    }
    %get3A_222 = arith.constant 0 : index
    %get3A_223 = arith.constant 0 : index
    %get3A_224 = vector.load %arg8[%get3A_222, %get3A_223] : memref<1x1xf32, #tpu.memory_space<vmem>>, vector<1x1xf32>
    %add3A_225 = arith.addf %get3A_224, %reshape3A_214 : vector<1x1xf32>
    %swap3A_226 = arith.constant 0 : index
    %swap3A_227 = arith.constant 0 : index
    %swap3A_228 = vector.load %arg8[%swap3A_226, %swap3A_227] : memref<1x1xf32, #tpu.memory_space<vmem>>, vector<1x1xf32>
    tpu.vector_store %arg8[%swap3A_226, %swap3A_227], %add3A_225 {strides = array<i32>} : memref<1x1xf32, #tpu.memory_space<vmem>>, vector<1x1xf32>,
    return
  }
  func.func @transform_0(%arg0: i32, %arg1: i32) -> (i32, i32, i32) {
    %c0_i32 = arith.constant 0 : i32
    %c0_i32_0 = arith.constant 0 : i32
    %c0_i32_1 = arith.constant 0 : i32
    return %arg0, %c0_i32, %c0_i32_0 : i32, i32, i32
  }
  func.func @transform_1(%arg0: i32, %arg1: i32) -> (i32, i32) {
    %c0_i32 = arith.constant 0 : i32
    %c0_i32_0 = arith.constant 0 : i32
    %c0_i32_1 = arith.constant 0 : i32
    return %c0_i32, %c0_i32_0 : i32, i32
  }
  func.func @transform_2(%arg0: i32, %arg1: i32) -> (i32, i32) {
    %c0_i32 = arith.constant 0 : i32
    %c0_i32_0 = arith.constant 0 : i32
    %c0_i32_1 = arith.constant 0 : i32
    return %c0_i32, %c0_i32_0 : i32, i32
  }
  func.func @transform_3(%arg0: i32, %arg1: i32) -> (i32, i32) {
    %c0_i32 = arith.constant 0 : i32
    %c0_i32_0 = arith.constant 0 : i32
    %c0_i32_1 = arith.constant 0 : i32
    return %c0_i32, %c0_i32_0 : i32, i32
  }
  func.func @transform_4(%arg0: i32, %arg1: i32) -> (i32, i32) {
    %c0_i32 = arith.constant 0 : i32
    %c0_i32_0 = arith.constant 0 : i32
    %c0_i32_1 = arith.constant 0 : i32
    return %c0_i32, %c0_i32_0 : i32, i32
  }
  func.func @transform_5(%arg0: i32, %arg1: i32) -> (i32, i32) {
    %mul3A = arith.constant 2 : i32
    %mul3A_0 = arith.muli %arg0, %mul3A : i32
    %add3A = arith.addi %mul3A_0, %arg1 : i32
    %c0_i32 = arith.constant 0 : i32
    %c0_i32_1 = arith.constant 0 : i32
    return %add3A, %c0_i32 : i32, i32
  }
  func.func @transform_6(%arg0: i32, %arg1: i32) -> (i32, i32) {
    %c0_i32 = arith.constant 0 : i32
    %c0_i32_0 = arith.constant 0 : i32
    %c0_i32_1 = arith.constant 0 : i32
    return %c0_i32, %c0_i32_0 : i32, i32
  }
}

</mosaic_0001>

<sc_bundles>
// kernel: _run.4.cloned.1.call-start
scs
__scs_entry_jumppad:
0x0: {  	(pc) =	sbr.rel $0x88, $3  }
0x1: {  	(tag) =	ssettag $0x0;
	lr =	simm.s32 $0x1  }
0x2: {  	[smem:$0x3F9B] =	sst lr;
	_ =	strace $0xD0000000  }
0x3: {  	_ = 	snop  }
0x4: {  	_ = 	snop  }
0x5: {  	_ = 	snop  }
0x6: {  	_ = 	snop  }
0x7: {  	_ = 	snop  }
__scs_overlays_trampoline_lowered:
0x8: {  	[smem:$0x3FAA] =	sst s0  }
0x9: {  	[smem:$0x3FAB] =	sst s1  }
0xa: {  	[smem:$0x3FAC] =	sst s2  }
0xb: {  	[smem:$0x3FAD] =	sst s3  }
0xc: {  	[smem:$0x3FAE] =	sst s4  }
0xd: {  	[smem:$0x3FAF] =	sst s5  }
0xe: {  	[smem:$0x3FB0] =	sst s6  }
0xf: {  	[smem:$0x3FB1] =	sst s7  }
0x10: {  	[smem:$0x3FB2] =	sst s8  }
0x11: {  	[smem:$0x3FB3] =	sst s9;
	s0 =	simm.s32 @!p0 $0x0  }
0x12: {  	s1 =	sld [smem:$0x3F99];
	s0 =	simm.s32 @p0 $0x1  }
0x13: {  	[smem:$0x3FB4] =	sst s0;
	s0 =	simm.s32 @!p1 $0x0  }
0x14: {  	s2 =	sld [smem:$0x3F98];
	s0 =	simm.s32 @p1 $0x1  }
0x15: {  	[smem:$0x3FB5] =	sst s0;
	s0 =	simm.s32 @!p2 $0x0  }
0x16: {  	s3 =	sld [smem:$0x3FDB];
	s0 =	simm.s32 @p2 $0x1  }
0x17: {  	s4 =	simm.s32 $0x1BF5;
	[smem:$0x3FB7] =	sst s0  }
0x18: {  	s0 =	sld [smem:$0x3F9A];
	_ =	swait.ge [sflag:s4], $0x0  }
0x19: {  	s7 =	sld [smem:$0x3F9B]  }
0x1a: {  	s8 =	sadd.s32 $0xFFFFE003, lr  }
0x1b: {  	s9 =	sadd.s32 $0xFFFFFEF7, lr;
	s5 =	simm.s32 $0xFFFFFFFF;
	p2 =	slt.u32 s8, $0xFFFFF086  }
0x1c: {  	p1 =	slt.u32 s9, $0xF7A;
	s5 =	simm.s32 @!p2 $0x0  }
0x1d: {  	s5 =	simm.s32 @p1 $0x1;
	p0 =	seq.s32 s7, s2  }
0x1e: {  	s7 =	smul.u32 @!p0 $0xF7A, s2;
	p2 =	seq.s32 @!p0 s5, $0x0  }
0x1f: {  	s9 =	smul.u32 $0xF7A, s1;
	s8 =	simm.s32 @!p0 $0x1BF5;
	p2 =	por !p2, p0  }
0x20: {  	[sflag:s8] =	ssyncset.s32 @!p0 $0xFFFFF086;
	s6 =	sadd.s32 @!p0 s3, s7;
	s7 =	simm.s32 @!p0 $0x108  }
0x21: {  	s3 =	sadd.s32 s3, s9;
	s6 =	sadd.s32 @!p0 $0x88, s6;
	s7 =	simm.s32 @p2 $0x1082  }
0x22: {  	[simem:s7], [sflag:s8] =	dma.local @!p0 [hbm:s6], $0xF7A  }
0x23: {  	s9 =	sor.u32 $0xD0000000, s2;
	s6 =	simm.s32 $0x108;
	_ =	swait.ge @!p0 [sflag:s8], $0x0  }
0x24: {  	s3 =	sadd.s32 $0x88, s3;
	s6 =	simm.s32 @!p1 $0x1082;
	[sflag:s4] =	ssyncset.s32 $0xFFFFF086  }
0x25: {  	[simem:s6], [sflag:s4] =	dma.local [hbm:s3], $0xF7A  }
0x26: {  	[smem:$0x3F9B] =	sst s1;
	(tag) =	ssettag s2;
	_ =	strace s9  }
0x27: {  	s1 =	sld [smem:$0x3FAB]  }
0x28: {  	s2 =	sld [smem:$0x3FAC]  }
0x29: {  	s4 =	sld [smem:$0x3FAE]  }
0x2a: {  	p0 =	seq.s32 s5, $0x0;
	s5 =	sld [smem:$0x3FAF]  }
0x2b: {  	s6 =	sld [smem:$0x3FB0]  }
0x2c: {  	s7 =	sld [smem:$0x3FB1]  }
0x2d: {  	s3 =	simm.s32 $0x108;
	s8 =	sld [smem:$0x3FB2]  }
0x2e: {  	s3 =	simm.s32 @!p0 $0x1082;
	s9 =	sld [smem:$0x3FB3]  }
0x2f: {  	lr =	sadd.s32 s0, s3;
	s0 =	sld [smem:$0x3FAA]  }
0x30: {  	s3 =	sld [smem:$0x3FAD]  }
0x31: {  	[smem:$0x3FB6] =	sst s10  }
0x32: {  	s10 =	sld [smem:$0x3FB4];
	_ =	sdelay $0x3  }
0x33: {  	p0 =	seq.s32 s10, $0x1;
	s10 =	sld [smem:$0x3FB6];
	_ =	sdelay $0x3  }
0x34: {  	[smem:$0x3FB6] =	sst s10  }
0x35: {  	s10 =	sld [smem:$0x3FB5];
	_ =	sdelay $0x3  }
0x36: {  	p1 =	seq.s32 s10, $0x1;
	s10 =	sld [smem:$0x3FB6];
	_ =	sdelay $0x3  }
0x37: {  	[smem:$0x3FB6] =	sst s10  }
0x38: {  	s10 =	sld [smem:$0x3FB7]  }
0x39: {  	_ = 	snop;
	(pc) =	sbr.ind lr, $3  }
0x3a: {  	_ = 	snop  }
0x3b: {  	_ = 	snop  }
0x3c: {  	p2 =	seq.s32 s10, $0x1;
	s10 =	sld [smem:$0x3FB6]  }
0x3d: {  	_ =	shalt  }
0x3e: {  	_ =	shalt  }
0x3f: {  	_ =	shalt  }
0x40: {  	_ =	shalt  }
0x41: {  	_ =	shalt  }
0x42: {  	_ =	shalt  }
0x43: {  	_ =	shalt  }
0x44: {  	_ =	shalt  }
0x45: {  	_ =	shalt  }
0x46: {  	_ =	shalt  }
0x47: {  	_ =	shalt  }
0x48: {  	_ =	shalt  }
0x49: {  	_ =	shalt  }
0x4a: {  	_ =	shalt  }
0x4b: {  	_ =	shalt  }
0x4c: {  	_ =	shalt  }
0x4d: {  	_ =	shalt  }
0x4e: {  	_ =	shalt  }
0x4f: {  	_ =	shalt  }
0x50: {  	_ =	shalt  }
0x51: {  	_ =	shalt  }
0x52: {  	_ =	shalt  }
0x53: {  	_ =	shalt  }
0x54: {  	_ =	shalt  }
0x55: {  	_ =	shalt  }
0x56: {  	_ =	shalt  }
0x57: {  	_ =	shalt  }
0x58: {  	_ =	shalt  }
0x59: {  	_ =	shalt  }
0x5a: {  	_ =	shalt  }
0x5b: {  	_ =	shalt  }
0x5c: {  	_ =	shalt  }
0x5d: {  	_ =	shalt  }
0x5e: {  	_ =	shalt  }
0x5f: {  	_ =	shalt  }
0x60: {  	_ =	shalt  }
0x61: {  	_ =	shalt  }
0x62: {  	_ =	shalt  }
0x63: {  	_ =	shalt  }
0x64: {  	_ =	shalt  }
0x65: {  	_ =	shalt  }
0x66: {  	_ =	shalt  }
0x67: {  	_ =	shalt  }
0x68: {  	_ =	shalt  }
0x69: {  	_ =	shalt  }
0x6a: {  	_ =	shalt  }
0x6b: {  	_ =	shalt  }
0x6c: {  	_ =	shalt  }
0x6d: {  	_ =	shalt  }
0x6e: {  	_ =	shalt  }
0x6f: {  	_ =	shalt  }
0x70: {  	_ =	shalt  }
0x71: {  	_ =	shalt  }
0x72: {  	_ =	shalt  }
0x73: {  	_ =	shalt  }
0x74: {  	_ =	shalt  }
0x75: {  	_ =	shalt  }
0x76: {  	_ =	shalt  }
0x77: {  	_ =	shalt  }
0x78: {  	_ =	shalt  }
0x79: {  	_ =	shalt  }
0x7a: {  	_ =	shalt  }
0x7b: {  	_ =	shalt  }
0x7c: {  	_ =	shalt  }
0x7d: {  	_ =	shalt  }
0x7e: {  	_ =	shalt  }
0x7f: {  	_ =	shalt  }
0x80: {  	_ =	shalt  }
0x81: {  	_ =	shalt  }
0x82: {  	_ =	shalt  }
0x83: {  	_ =	shalt  }
0x84: {  	_ =	shalt  }
0x85: {  	_ =	shalt  }
0x86: {  	_ =	shalt  }
0x87: {  	_ =	shalt  }
.Lfunc_end0:
.L_simem_size_0:
called_computation_lowered:
.L_overlay_start_0:
0x88: {  	s2 =	sld [smem:$0x3FD9]  }
0x89: {  	s3 =	sld [smem:$0x3FFE];
	_ =	sdelay $0x1  }
0x8a: {  	s1 =	srdreg.scid  }
0x8b: {  	s0 =	sand.u32 $0x1, s1  }
0x8c: {  	s15 =	sshll.u32 s0, $0xA;
	s2 =	sadd.s32 s3, s2  }
0x8d: {  	s2 =	sadd.s32 s2, s15  }
0x8e: {  	[smem:$0x3FC2] =	sst s2  }
0x8f: {  	_ = 	snop  }
0x90: {  	s2 =	sld [smem:$0x3FD0];
	_ =	sdelay $0x2  }
0x91: {  	s16 =	simm.s32 $0xA;
	s4 =	simm.s32 $0x10  }
0x92: {  	[smem:s4], [sflag:s16] =	dma.local [hbm:s2], $0x1  }
0x93: {  	_ =	swait.eq [sflag:s16], $0x1  }
0x94: {  	[sflag:s16] =	ssyncset.done $0x0  }
0x95: {  	[sflag:s16] =	ssyncadd.s32 $0xFFFFFFFF  }
0x96: {  	s17 =	sld [smem:$0x10];
	(tm) =	ssettm $0x1  }
0x97: {  	s18 =	sld [smem:$0x3FFB];
	_ =	sdelay $0x3  }
0x98: {  	_ =	strace s18  }
0x99: {  	s3 =	sld [smem:$0x3FFC];
	_ =	sdelay $0x3  }
0x9a: {  	_ =	strace s3  }
0x9b: {  	s3 =	sld [smem:$0x3FFD];
	_ =	sdelay $0x3  }
0x9c: {  	_ =	strace s3  }
0x9d: {  	_ =	strace $0x8FFFFFFF  }
0x9e: {  	s19 =	sld [smem:$0x3FDB];
	_ =	sdelay $0x1  }
0x9f: {  	s20 =	simm.s32 $_scs_section_size  }
0xa0: {  	s5 =	simm.s32 $_size__tile_overlayer_lowered;
	s6 =	simm.s32 $_tile_overlayer_lowered  }
0xa1: {  	s23 =	simm.s32 $0x1BFF;
	s22 =	sshll.u32 s6, $0x1;
	s3 =	sadd.s32 s20, s19  }
0xa2: {  	s7 =	simm.s32 $0x0;
	s21 =	sshll.u32 s5, $0x1;
	s5 =	sadd.s32 s22, s3  }
0xa3: {  	[timem:s7], [sflag:s23] =	dma.local [hbm:s5], s21  }
0xa4: {  	_ =	swait.ge [sflag:s23], s21  }
0xa5: {  	s4 =	ssub.s32 $0x0, s21;
	[sflag:s23] =	ssyncset.done $0x0  }
0xa6: {  	[sflag:s23] =	ssyncadd.s32 s4;
	_ =	sdelay $0x1  }
0xa7: {  	s24 =	simm.s32 $0x1B8B  }
0xa8: {  	_ =	swait.ge [sflag:s24], $0x1  }
0xa9: {  	[sflag:s24] =	ssyncset.done $0x0  }
0xaa: {  	s25 =	simm.s32 $0x1B8E;
	[sflag:s24] =	ssyncadd.s32 $0xFFFFFFFF  }
0xab: {  	s26 =	simm.s32 $execute0_lowered;
	[smem:$0x3FD2] =	sst s25  }
0xac: {  	s4 =	sshll.u32 s26, $0x1;
	_ =	strace $0x80000046;
	[dreg:$0x1] =	wrdreg $0xFFFFFFFF  }
0xad: {  	s28 =	simm.s32 $_size_execute0_lowered;
	s3 =	sadd.s32 s3, s4;
	[dreg:$0x0] =	wrdreg $0x0  }
0xae: {  	s4 =	sshll.u32 s28, $0x1;
	[dreg:$0x2] =	wrdreg s3  }
0xaf: {  	[dreg:$0x3] =	wrdreg s4  }
0xb0: {  	[dreg:$0x4] =	wrdreg $0xC0  }
0xb1: {  	_ =	task [dreg:s7], $0x5FFFF  }
0xb2: {  	[dreg:$0x1] =	wrdreg $0xFFFFFFFF  }
0xb3: {  	[dreg:$0x0] =	wrdreg $0x60  }
0xb4: {  	[dreg:$0x2] =	wrdreg s17  }
0xb5: {  	[dreg:$0x3] =	wrdreg $0x9  }
0xb6: {  	_ =	task.clear_ibuf [dreg:s7], $0x4FFFF;
	_ =	strace $0x90000046  }
0xb7: {  	s29 =	simm.s32 $0x9;
	_ =	strace $0x80000048  }
0xb8: {  	_ =	swait.ge [sflag:s29], $0x1  }
0xb9: {  	[sflag:s29] =	ssyncadd.s32 $0xFFFFFFFF  }
0xba: {  	_ =	strace $0x90000048  }
0xbb: {  	_ =	sfence  }
0xbc: {  	s30 =	sld [smem:$0x0];
	_ =	sdelay $0x2  }
0xbd: {  	s31 =	sshll.u32 s1, $0xD;
	s1 =	sshrl.u32 s1, $0x2  }
0xbe: {  	s3 =	sand.u32 $0x4000, s31;
	s1 =	sadd.s32 s1, s30  }
0xbf: {  	s0 =	sor.u32 s3, s0;
	s1 =	sshll.u32 s1, $0x11  }
0xc0: {  	s0 =	sor.u32 s1, s0  }
0xc1: {  	s0 =	sadd.s32 $0x8F2B, s0  }
0xc2: {  	[sflag:s0] =	ssyncadd.remote.s32 $0x1  }
0xc3: {  	_ =	sfence.sel $0xFFFF  }
0xc4: {  	[dreg:$0x0] =	wrdreg $0xFFFFFFFF;
	(pc) =	sbr.abs _section_cstart, $3  }
0xc5: {  	[dreg:$0x1] =	wrdreg $0xFFFFFFFF  }
0xc6: {  	_ =	task.clear_ibuf [dreg:s7], $0x2FFFF;
	_ =	strace $0x9FFFFFFF  }
0xc7: {  	(tm) =	ssettm $0x7FFFFFFF  }
tec
execute0_lowered:
.L_overlay_start_1:
0x0: {  	(tag) =	ssettag $0x1  }
0x1: {  	s1 =	srdreg.scid;
	s5 =	stileid.u32  }
0x2: {  	s1 =	sand.u32 $0x1, s1;
	s3 =	sshll.u32 s5, $0x1  }
0x3: {  	s0 =	rddreg [dreg:$0x0];
	s20 =	ssub.s32 $0x2, s1;
	s1 =	sor.u32 s1, s3  }
0x4: {  	s2 =	simm.s32 $0x0;
	s4 =	sshrl.u32 s20, $0x1;
	s22 =	sshll.u32 s1, $0x10  }
0x5: {  	[smem:$0x7FF] =	sst s2;
	s2 =	ssub.s32 s20, s4;
	s4 =	sadd.s32 s0, s22  }
0x6: {  	s0 =	sadd.s32 $0x10, s4  }
0x7: {  	_ =	strace $0x80000047;
	s23 =	sadd.s32 $0x1000, s4;
	[dreg:$0x2] =	wrdreg s0  }
0x8: {  	s24 =	sadd.s32 $0x1010, s4;
	[dreg:$0x3] =	wrdreg s23  }
0x9: {  	s25 =	sadd.s32 $0x2000, s4;
	[dreg:$0x4] =	wrdreg s24  }
0xa: {  	s26 =	sadd.s32 $0x2010, s4;
	[dreg:$0x5] =	wrdreg s25  }
0xb: {  	s31 =	sadd.s32 $0x3000, s4;
	[dreg:$0x6] =	wrdreg s26  }
0xc: {  	s3 =	sshll.u32 s1, $0x7;
	s1 =	sadd.s32 $0x3010, s4;
	[dreg:$0x7] =	wrdreg s31  }
0xd: {  	s21 =	sshll.u32 s5, $0x8;
	s5 =	sadd.s32 $0x4000, s4;
	[dreg:$0x8] =	wrdreg s1  }
0xe: {  	s6 =	sadd.s32 $0x4010, s4;
	[dreg:$0x9] =	wrdreg s5  }
0xf: {  	s7 =	sadd.s32 $0x5000, s4;
	[dreg:$0xa] =	wrdreg s6  }
0x10: {  	s8 =	sadd.s32 $0x5010, s4;
	[dreg:$0xb] =	wrdreg s7  }
0x11: {  	s9 =	sadd.s32 $0x6000, s4;
	[dreg:$0xc] =	wrdreg s8  }
0x12: {  	s10 =	sadd.s32 $0x6010, s4;
	[dreg:$0xd] =	wrdreg s9  }
0x13: {  	s11 =	sadd.s32 $0x7000, s4;
	[dreg:$0xe] =	wrdreg s10  }
0x14: {  	s12 =	sadd.s32 $0x7010, s4;
	[dreg:$0xf] =	wrdreg s11  }
0x15: {  	s13 =	sadd.s32 $0x8000, s4;
	[dreg:$0x10] =	wrdreg s12  }
0x16: {  	s14 =	sadd.s32 $0x8010, s4;
	[dreg:$0x11] =	wrdreg s13  }
0x17: {  	s15 =	sadd.s32 $0x9000, s4;
	[dreg:$0x12] =	wrdreg s14  }
0x18: {  	s16 =	sadd.s32 $0x9010, s4;
	[dreg:$0x13] =	wrdreg s15  }
0x19: {  	s17 =	smax.u32 s2, $0x1;
	[dreg:$0x14] =	wrdreg s16  }
0x1a: {  	s18 =	sadd.s32 $0xA000, s4;
	[dreg:$0x15] =	wrdreg s17  }
0x1b: {  	s19 =	sadd.s32 $0xA010, s4;
	[dreg:$0x16] =	wrdreg s18  }
0x1c: {  	s29 =	simm.s32 $0x1;
	s20 =	sadd.s32 $0xB000, s4;
	[dreg:$0x17] =	wrdreg s19  }
0x1d: {  	s28 =	sand.u32 $0x800, s21;
	s21 =	sadd.s32 $0xB010, s4;
	[dreg:$0x18] =	wrdreg s20  }
0x1e: {  	s30 =	simm.s32 $0x0;
	s22 =	sadd.s32 $0xC000, s4;
	[dreg:$0x19] =	wrdreg s21  }
0x1f: {  	v0 =	vmov s28;
	s28 =	simm.s32 $0x2;
	[dreg:$0x1a] =	wrdreg s22;
	s23 =	sadd.s32 $0xC010, s4  }
0x20: {  	s24 =	sadd.s32 $0xD000, s4;
	s25 =	sadd.s32 $0xD010, s4;
	s26 =	sadd.s32 $0xE000, s4  }
0x21: {  	s31 =	sadd.s32 $0xE010, s4;
	s6 =	sadd.s32 $0xF000, s4;
	s7 =	sadd.s32 $0xF010, s4  }
0x22: {  	s8 =	sor.u32 $0x8, s3;
	s9 =	sor.u32 $0x10, s3;
	s10 =	sor.u32 $0x18, s3  }
0x23: {  	s11 =	sor.u32 $0x20, s3;
	s12 =	sor.u32 $0x28, s3;
	s13 =	sor.u32 $0x30, s3  }
0x24: {  	s14 =	sor.u32 $0x38, s3;
	s15 =	sor.u32 $0x40, s3;
	[dreg:$0x1b] =	wrdreg s23  }
0x25: {  	s16 =	sor.u32 $0x48, s3;
	s17 =	sor.u32 $0x50, s3;
	[dreg:$0x1c] =	wrdreg s24  }
0x26: {  	s18 =	sor.u32 $0x58, s3;
	s19 =	sor.u32 $0x60, s3;
	[dreg:$0x1d] =	wrdreg s25  }
0x27: {  	s20 =	sor.u32 $0x68, s3;
	s21 =	sor.u32 $0x70, s3;
	[dreg:$0x1e] =	wrdreg s26  }
0x28: {  	s22 =	sor.u32 $0x78, s3;
	[dreg:$0x1f] =	wrdreg s31;
	s23 =	simm.s32 $0x80  }
0x29: {  	v1 =	vlaneseq.u32;
	s24 =	simm.s32 $0x100;
	s25 =	simm.s32 $0x4000;
	s26 =	simm.s32 $0x8000  }
.LBB2_1:
0x2a: {  	s0 =	simm.s32 $0x60  }
0x2b: {  	s1 =	simm.s32 $0x0;
	v2 =	vor.u32 s0, v1  }
0x2c: {  	v3 =	vor.u32 s1, v1;
	s1 =	simm.s32 $0x10;
	v2 =	vand.u32 $0x7EF, v2  }
0x2d: {  	s31 =	simm.s32 $0x40;
	s2 =	simm.s32 $0x20;
	v3 =	vand.u32 $0x78F, v3;
	v4 =	vor.u32 s1, v1;
	v2 =	vor.u32 v0, v2  }
0x2e: {  	s5 =	simm.s32 $0x30;
	v5 =	vor.u32 s2, v1;
	v3 =	vor.u32 v0, v3;
	v4 =	vand.u32 $0x79F, v4;
	[tilespmem:s31+$0x20] =	vst v2  }
0x2f: {  	s1 =	simm.s32 $0x40;
	[tilespmem:s31+$0xFFFFFFC0] =	vst v3;
	v2 =	vor.u32 v0, v4;
	v3 =	vand.u32 $0x7AF, v5;
	v4 =	vor.u32 s5, v1  }
0x30: {  	s2 =	simm.s32 $0x50;
	[tilespmem:s31+$0xFFFFFFD0] =	vst v2;
	v2 =	vor.u32 v0, v3;
	v3 =	vand.u32 $0x7BF, v4;
	v4 =	vor.u32 s1, v1  }
0x31: {  	s5 =	simm.s32 $0x70;
	[tilespmem:s31+$0xFFFFFFE0] =	vst v2;
	v2 =	vor.u32 v0, v3;
	v3 =	vand.u32 $0x7CF, v4;
	v4 =	vor.u32 s2, v1  }
0x32: {  	s0 =	simm.s32 $0xF0;
	s1 =	simm.s32 $0x170;
	s2 =	simm.s32 $0xE0;
	[tilespmem:s31+$0xFFFFFFF0] =	vst v2;
	v2 =	vor.u32 v0, v3;
	v3 =	vand.u32 $0x7DF, v4;
	v4 =	vor.u32 s5, v1  }
.LBB2_2:
0x33: {  	p0 =	sne.s32 s1, $0x3FF0;
	s5 =	sadd.s32 $0xFFFFFF90, s0;
	v5 =	vor.u32 s2, v1;
	[tilespmem:s31+$0x0] =	vst v2;
	v2 =	vor.u32 v0, v3;
	v3 =	vand.u32 $0x7FF, v4  }
0x34: {  	s2 =	sadd.s32 $0xFFFFFFA0, s0;
	v4 =	vor.u32 s5, v1;
	v5 =	vand.u32 $0x7EF, v5;
	[tilespmem:s31+$0x10] =	vst v2;
	v2 =	vor.u32 v0, v3  }
0x35: {  	v3 =	vand.u32 $0x78F, v4;
	v4 =	vor.u32 s2, v1;
	s2 =	sadd.s32 $0xFFFFFFB0, s0;
	v5 =	vor.u32 v0, v5;
	[tilespmem:s31+$0x30] =	vst v2;
	s31 =	sadd.s32 $0x80, s31  }
.Ltmp0:
0x36: {  	v2 =	vor.u32 v0, v3;
	v3 =	vand.u32 $0x79F, v4;
	v4 =	vor.u32 s2, v1;
	s2 =	sadd.s32 $0xFFFFFFC0, s0;
	[tilespmem:s31+$0x20] =	vst v5;
	(pc) =	sbr.rel @p0 .LBB2_2-.Ltmp0, $4  }
0x37: {  	[tilespmem:s31+$0xFFFFFFC0] =	vst v2;
	v2 =	vor.u32 v0, v3;
	v3 =	vand.u32 $0x7AF, v4;
	v4 =	vor.u32 s2, v1;
	s2 =	sadd.s32 $0xFFFFFFD0, s0  }
0x38: {  	[tilespmem:s31+$0xFFFFFFD0] =	vst v2;
	v2 =	vor.u32 v0, v3;
	v3 =	vand.u32 $0x7BF, v4;
	v4 =	vor.u32 s2, v1;
	s2 =	sadd.s32 $0xFFFFFFE0, s0  }
0x39: {  	[tilespmem:s31+$0xFFFFFFE0] =	vst v2;
	v2 =	vor.u32 v0, v3;
	v3 =	vand.u32 $0x7CF, v4;
	v4 =	vor.u32 s2, v1  }
0x3a: {  	s2 =	sadd.s32 $0xFFFFFFF0, s1;
	[tilespmem:s31+$0xFFFFFFF0] =	vst v2;
	v2 =	vor.u32 v0, v3;
	v3 =	vand.u32 $0x7DF, v4;
	v4 =	vor.u32 s0, v1;
	s0 =	smov.u32 s1;
	s1 =	sadd.s32 $0x80, s1  }
0x3b: {  	s1 =	sadd.s32 $0xFFFFFF90, s0;
	v5 =	vor.u32 s2, v1;
	[tilespmem:s31+$0x0] =	vst v2;
	v2 =	vor.u32 v0, v3;
	v3 =	vand.u32 $0x7FF, v4  }
0x3c: {  	s2 =	sadd.s32 $0xFFFFFFA0, s0;
	v57 =	vor.u32 s1, v1;
	v5 =	vand.u32 $0x7EF, v5;
	[tilespmem:s31+$0x10] =	vst v2;
	v2 =	vor.u32 v0, v3  }
0x3d: {  	s5 =	sadd.s32 $0xFFFFFFB0, s0;
	v58 =	vor.u32 s2, v1;
	s2 =	sadd.s32 $0x80, s31;
	v3 =	vand.u32 $0x78F, v57;
	v5 =	vor.u32 v0, v5;
	[tilespmem:s31+$0x30] =	vst v2  }
0x3e: {  	v59 =	vor.u32 s5, v1;
	s31 =	sadd.s32 $0xFFFFFFC0, s0;
	v2 =	vor.u32 v0, v3;
	v3 =	vand.u32 $0x79F, v58;
	[tilespmem:s2+$0x20] =	vst v5  }
0x3f: {  	s5 =	sadd.s32 $0xFFFFFFD0, s0;
	v60 =	vor.u32 s31, v1;
	[tilespmem:s2+$0xFFFFFFC0] =	vst v2;
	v2 =	vor.u32 v0, v3;
	v3 =	vand.u32 $0x7AF, v59  }
0x40: {  	v61 =	vor.u32 s5, v1;
	s31 =	sadd.s32 $0xFFFFFFE0, s0;
	[tilespmem:s2+$0xFFFFFFD0] =	vst v2;
	v2 =	vor.u32 v0, v3;
	v3 =	vand.u32 $0x7BF, v60  }
0x41: {  	v62 =	vor.u32 s31, v1;
	[tilespmem:s2+$0xFFFFFFE0] =	vst v2;
	v2 =	vor.u32 v0, v3;
	v3 =	vand.u32 $0x7CF, v61  }
0x42: {  	v63 =	vor.u32 s0, v1;
	[tilespmem:s2+$0xFFFFFFF0] =	vst v2;
	v2 =	vor.u32 v0, v3;
	v3 =	vand.u32 $0x7DF, v62  }
0x43: {  	s5 =	simm.s32 $0x0;
	[tilespmem:s2+$0x0] =	vst v2;
	v2 =	vor.u32 v0, v3;
	v3 =	vand.u32 $0x7FF, v63  }
0x44: {  	s31 =	sor.u32 s3, s5;
	[tilespmem:s2+$0x10] =	vst v2;
	v2 =	vor.u32 v0, v3  }
0x45: {  	s0 =	simm.s32 $0x4040;
	[tilespmem:s2+$0x30] =	vst v2;
	v2 =	vmov s31  }
0x46: {  	[tilespmem:s0+$0x30] =	vst v2  }
0x47: {  	[tilespmem:s0+$0xFFFFFFC0] =	vst v2  }
0x48: {  	[tilespmem:s0+$0xFFFFFFD0] =	vst v2  }
0x49: {  	[tilespmem:s0+$0xFFFFFFE0] =	vst v2  }
0x4a: {  	[tilespmem:s0+$0xFFFFFFF0] =	vst v2  }
0x4b: {  	s1 =	simm.s32 $0x2;
	s2 =	simm.s32 $0x0;
	[tilespmem:s0+$0x0] =	vst v2  }
.LBB2_4:
0x4c: {  	p0 =	sne.s32 s1, $0x7F;
	s2 =	sor.u32 s3, s2;
	[tilespmem:s0+$0x10] =	vst v2  }
0x4d: {  	[tilespmem:s0+$0x20] =	vst v2;
	v2 =	vmov s2;
	s0 =	sadd.s32 $0x80, s0  }
0x4e: {  	[tilespmem:s0+$0x30] =	vst v2  }
.Ltmp1:
0x4f: {  	[tilespmem:s0+$0xFFFFFFC0] =	vst v2;
	(pc) =	sbr.rel @p0 .LBB2_4-.Ltmp1, $4  }
0x50: {  	[tilespmem:s0+$0xFFFFFFD0] =	vst v2  }
0x51: {  	[tilespmem:s0+$0xFFFFFFE0] =	vst v2  }
0x52: {  	[tilespmem:s0+$0xFFFFFFF0] =	vst v2  }
0x53: {  	s2 =	sshrl.u32 s1, $0x4;
	s1 =	sadd.s32 $0x1, s1;
	[tilespmem:s0+$0x0] =	vst v2  }
0x54: {  	s1 =	sor.u32 s3, s2;
	[tilespmem:s0+$0x10] =	vst v2  }
0x55: {  	[tilespmem:s0+$0x20] =	vst v2;
	s31 =	sadd.s32 $0x80, s0;
	v3 =	vmov s1  }
0x56: {  	[tilespmem:s31+$0x30] =	vst v3  }
0x57: {  	[tilespmem:s31+$0xFFFFFFC0] =	vst v3  }
0x58: {  	[tilespmem:s31+$0xFFFFFFD0] =	vst v3  }
0x59: {  	[tilespmem:s31+$0xFFFFFFE0] =	vst v3  }
0x5a: {  	[tilespmem:s31+$0xFFFFFFF0] =	vst v3  }
0x5b: {  	[tilespmem:s31+$0x0] =	vst v3  }
0x5c: {  	[tilespmem:s31+$0x10] =	vst v3  }
0x5d: {  	s2 =	rddreg [dreg:$0x2];
	s5 =	simm.s32 $0x0;
	[tilespmem:s31+$0x20] =	vst v3  }
0x5e: {  	[hbm4b:s4+s23] =	stream.strided.scatter [tilespmem:s25], [sflag:$0x2], $0x4000, s24, s23, $0x38;
	[tilespmem:$0xC000] =	vst v63  }
0x5f: {  	s0 =	simm.s32 $0x8040;
	s1 =	simm.s32 $0x0;
	s31 =	sor.u32 s8, s5  }
0x60: {  	v2 =	vmov s31;
	[hbm4b:s2+s23] =	stream.strided.scatter [tilespmem:s1], [sflag:$0x1], $0x4000, s24, s23, $0x38;
	[tilespmem:$0xC000] =	vst v63  }
0x61: {  	[tilespmem:s0+$0x30] =	vst v2  }
0x62: {  	[tilespmem:s0+$0xFFFFFFC0] =	vst v2  }
0x63: {  	[tilespmem:s0+$0xFFFFFFD0] =	vst v2  }
0x64: {  	[tilespmem:s0+$0xFFFFFFE0] =	vst v2  }
0x65: {  	[tilespmem:s0+$0xFFFFFFF0] =	vst v2  }
0x66: {  	s2 =	simm.s32 $0x0;
	s1 =	simm.s32 $0x2;
	[tilespmem:s0+$0x0] =	vst v2  }
.LBB2_6:
0x67: {  	p0 =	sne.s32 s1, $0x7F;
	s2 =	sor.u32 s8, s2;
	[tilespmem:s0+$0x10] =	vst v2  }
0x68: {  	[tilespmem:s0+$0x20] =	vst v2;
	v2 =	vmov s2;
	s0 =	sadd.s32 $0x80, s0  }
0x69: {  	[tilespmem:s0+$0x30] =	vst v2  }
.Ltmp2:
0x6a: {  	[tilespmem:s0+$0xFFFFFFC0] =	vst v2;
	(pc) =	sbr.rel @p0 .LBB2_6-.Ltmp2, $4  }
0x6b: {  	[tilespmem:s0+$0xFFFFFFD0] =	vst v2  }
0x6c: {  	[tilespmem:s0+$0xFFFFFFE0] =	vst v2  }
0x6d: {  	[tilespmem:s0+$0xFFFFFFF0] =	vst v2  }
0x6e: {  	s2 =	sshrl.u32 s1, $0x4;
	s1 =	sadd.s32 $0x1, s1;
	[tilespmem:s0+$0x0] =	vst v2  }
0x6f: {  	s1 =	sor.u32 s8, s2;
	[tilespmem:s0+$0x10] =	vst v2  }
0x70: {  	[tilespmem:s0+$0x20] =	vst v2;
	s5 =	sadd.s32 $0x80, s0;
	v3 =	vmov s1  }
0x71: {  	[tilespmem:s5+$0x30] =	vst v3  }
0x72: {  	[tilespmem:s5+$0xFFFFFFC0] =	vst v3  }
0x73: {  	[tilespmem:s5+$0xFFFFFFD0] =	vst v3  }
0x74: {  	[tilespmem:s5+$0xFFFFFFE0] =	vst v3  }
0x75: {  	[tilespmem:s5+$0xFFFFFFF0] =	vst v3  }
0x76: {  	[tilespmem:s5+$0x0] =	vst v3  }
0x77: {  	[tilespmem:s5+$0x10] =	vst v3  }
0x78: {  	s31 =	rddreg [dreg:$0x3];
	[tilespmem:s5+$0x20] =	vst v3  }
0x79: {  	[hbm4b:s31+s23] =	stream.strided.scatter [tilespmem:s26], [sflag:$0x2], $0x4000, s24, s23, $0x38;
	[tilespmem:$0xC000] =	vst v63  }
0x7a: {  	s2 =	rddreg [dreg:$0x4];
	s1 =	simm.s32 $0x0  }
0x7b: {  	[hbm4b:s2+s23] =	stream.strided.scatter [tilespmem:s1], [sflag:$0x1], $0x4000, s24, s23, $0x38;
	[tilespmem:$0xC000] =	vst v63  }
0x7c: {  	s5 =	simm.s32 $0x0;
	_ =	swait.ge [sflag:s28], $0x4000  }
0x7d: {  	s31 =	sor.u32 s9, s5;
	[sflag:s28] =	ssyncset.done $0x0  }
0x7e: {  	s0 =	simm.s32 $0x4040;
	v2 =	vmov s31;
	[sflag:s28] =	ssyncadd.s32 $0xFFFFC000  }
0x7f: {  	[tilespmem:s0+$0x30] =	vst v2  }
0x80: {  	[tilespmem:s0+$0xFFFFFFC0] =	vst v2  }
0x81: {  	[tilespmem:s0+$0xFFFFFFD0] =	vst v2  }
0x82: {  	[tilespmem:s0+$0xFFFFFFE0] =	vst v2  }
0x83: {  	[tilespmem:s0+$0xFFFFFFF0] =	vst v2  }
0x84: {  	s2 =	simm.s32 $0x0;
	s1 =	simm.s32 $0x2;
	[tilespmem:s0+$0x0] =	vst v2  }
.LBB2_8:
0x85: {  	p0 =	sne.s32 s1, $0x7F;
	s2 =	sor.u32 s9, s2;
	[tilespmem:s0+$0x10] =	vst v2  }
0x86: {  	[tilespmem:s0+$0x20] =	vst v2;
	v2 =	vmov s2;
	s0 =	sadd.s32 $0x80, s0  }
0x87: {  	[tilespmem:s0+$0x30] =	vst v2  }
.Ltmp3:
0x88: {  	[tilespmem:s0+$0xFFFFFFC0] =	vst v2;
	(pc) =	sbr.rel @p0 .LBB2_8-.Ltmp3, $4  }
0x89: {  	[tilespmem:s0+$0xFFFFFFD0] =	vst v2  }
0x8a: {  	[tilespmem:s0+$0xFFFFFFE0] =	vst v2  }
0x8b: {  	[tilespmem:s0+$0xFFFFFFF0] =	vst v2  }
0x8c: {  	s2 =	sshrl.u32 s1, $0x4;
	s1 =	sadd.s32 $0x1, s1;
	[tilespmem:s0+$0x0] =	vst v2  }
0x8d: {  	s1 =	sor.u32 s9, s2;
	[tilespmem:s0+$0x10] =	vst v2  }
0x8e: {  	[tilespmem:s0+$0x20] =	vst v2;
	s5 =	sadd.s32 $0x80, s0;
	v3 =	vmov s1  }
0x8f: {  	[tilespmem:s5+$0x30] =	vst v3  }
0x90: {  	[tilespmem:s5+$0xFFFFFFC0] =	vst v3  }
0x91: {  	[tilespmem:s5+$0xFFFFFFD0] =	vst v3  }
0x92: {  	[tilespmem:s5+$0xFFFFFFE0] =	vst v3  }
0x93: {  	[tilespmem:s5+$0xFFFFFFF0] =	vst v3  }
0x94: {  	[tilespmem:s5+$0x0] =	vst v3  }
0x95: {  	[tilespmem:s5+$0x10] =	vst v3  }
0x96: {  	s31 =	rddreg [dreg:$0x5];
	[tilespmem:s5+$0x20] =	vst v3  }
0x97: {  	[hbm4b:s31+s23] =	stream.strided.scatter [tilespmem:s25], [sflag:$0x2], $0x4000, s24, s23, $0x38;
	[tilespmem:$0xC000] =	vst v63  }
0x98: {  	s2 =	rddreg [dreg:$0x6];
	s1 =	simm.s32 $0x0  }
0x99: {  	[hbm4b:s2+s23] =	stream.strided.scatter [tilespmem:s1], [sflag:$0x1], $0x4000, s24, s23, $0x38;
	[tilespmem:$0xC000] =	vst v63  }
0x9a: {  	s5 =	simm.s32 $0x0;
	_ =	swait.ge [sflag:s28], $0x4000  }
0x9b: {  	s31 =	sor.u32 s10, s5;
	[sflag:s28] =	ssyncset.done $0x0  }
0x9c: {  	s0 =	simm.s32 $0x8040;
	v2 =	vmov s31;
	[sflag:s28] =	ssyncadd.s32 $0xFFFFC000  }
0x9d: {  	[tilespmem:s0+$0x30] =	vst v2  }
0x9e: {  	[tilespmem:s0+$0xFFFFFFC0] =	vst v2  }
0x9f: {  	[tilespmem:s0+$0xFFFFFFD0] =	vst v2  }
0xa0: {  	[tilespmem:s0+$0xFFFFFFE0] =	vst v2  }
0xa1: {  	[tilespmem:s0+$0xFFFFFFF0] =	vst v2  }
0xa2: {  	s2 =	simm.s32 $0x0;
	s1 =	simm.s32 $0x2;
	[tilespmem:s0+$0x0] =	vst v2  }
.LBB2_10:
0xa3: {  	p0 =	sne.s32 s1, $0x7F;
	s2 =	sor.u32 s10, s2;
	[tilespmem:s0+$0x10] =	vst v2  }
0xa4: {  	[tilespmem:s0+$0x20] =	vst v2;
	v2 =	vmov s2;
	s0 =	sadd.s32 $0x80, s0  }
0xa5: {  	[tilespmem:s0+$0x30] =	vst v2  }
.Ltmp4:
0xa6: {  	[tilespmem:s0+$0xFFFFFFC0] =	vst v2;
	(pc) =	sbr.rel @p0 .LBB2_10-.Ltmp4, $4  }
0xa7: {  	[tilespmem:s0+$0xFFFFFFD0] =	vst v2  }
0xa8: {  	[tilespmem:s0+$0xFFFFFFE0] =	vst v2  }
0xa9: {  	[tilespmem:s0+$0xFFFFFFF0] =	vst v2  }
0xaa: {  	s2 =	sshrl.u32 s1, $0x4;
	s1 =	sadd.s32 $0x1, s1;
	[tilespmem:s0+$0x0] =	vst v2  }
0xab: {  	s1 =	sor.u32 s10, s2;
	[tilespmem:s0+$0x10] =	vst v2  }
0xac: {  	[tilespmem:s0+$0x20] =	vst v2;
	s5 =	sadd.s32 $0x80, s0;
	v3 =	vmov s1  }
0xad: {  	[tilespmem:s5+$0x30] =	vst v3  }
0xae: {  	[tilespmem:s5+$0xFFFFFFC0] =	vst v3  }
0xaf: {  	[tilespmem:s5+$0xFFFFFFD0] =	vst v3  }
0xb0: {  	[tilespmem:s5+$0xFFFFFFE0] =	vst v3  }
0xb1: {  	[tilespmem:s5+$0xFFFFFFF0] =	vst v3  }
0xb2: {  	[tilespmem:s5+$0x0] =	vst v3  }
0xb3: {  	[tilespmem:s5+$0x10] =	vst v3  }
0xb4: {  	s31 =	rddreg [dreg:$0x7];
	[tilespmem:s5+$0x20] =	vst v3  }
0xb5: {  	[hbm4b:s31+s23] =	stream.strided.scatter [tilespmem:s26], [sflag:$0x2], $0x4000, s24, s23, $0x38;
	[tilespmem:$0xC000] =	vst v63  }
0xb6: {  	s2 =	rddreg [dreg:$0x8];
	s1 =	simm.s32 $0x0  }
0xb7: {  	[hbm4b:s2+s23] =	stream.strided.scatter [tilespmem:s1], [sflag:$0x1], $0x4000, s24, s23, $0x38;
	[tilespmem:$0xC000] =	vst v63  }
0xb8: {  	s5 =	simm.s32 $0x0;
	_ =	swait.ge [sflag:s28], $0x4000  }
0xb9: {  	s31 =	sor.u32 s11, s5;
	[sflag:s28] =	ssyncset.done $0x0  }
0xba: {  	s0 =	simm.s32 $0x4040;
	v2 =	vmov s31;
	[sflag:s28] =	ssyncadd.s32 $0xFFFFC000  }
0xbb: {  	[tilespmem:s0+$0x30] =	vst v2  }
0xbc: {  	[tilespmem:s0+$0xFFFFFFC0] =	vst v2  }
0xbd: {  	[tilespmem:s0+$0xFFFFFFD0] =	vst v2  }
0xbe: {  	[tilespmem:s0+$0xFFFFFFE0] =	vst v2  }
0xbf: {  	[tilespmem:s0+$0xFFFFFFF0] =	vst v2  }
0xc0: {  	s2 =	simm.s32 $0x0;
	s1 =	simm.s32 $0x2;
	[tilespmem:s0+$0x0] =	vst v2  }
.LBB2_12:
0xc1: {  	p0 =	sne.s32 s1, $0x7F;
	s2 =	sor.u32 s11, s2;
	[tilespmem:s0+$0x10] =	vst v2  }
0xc2: {  	[tilespmem:s0+$0x20] =	vst v2;
	v2 =	vmov s2;
	s0 =	sadd.s32 $0x80, s0  }
0xc3: {  	[tilespmem:s0+$0x30] =	vst v2  }
.Ltmp5:
0xc4: {  	[tilespmem:s0+$0xFFFFFFC0] =	vst v2;
	(pc) =	sbr.rel @p0 .LBB2_12-.Ltmp5, $4  }
0xc5: {  	[tilespmem:s0+$0xFFFFFFD0] =	vst v2  }
0xc6: {  	[tilespmem:s0+$0xFFFFFFE0] =	vst v2  }
0xc7: {  	[tilespmem:s0+$0xFFFFFFF0] =	vst v2  }
0xc8: {  	s2 =	sshrl.u32 s1, $0x4;
	s1 =	sadd.s32 $0x1, s1;
	[tilespmem:s0+$0x0] =	vst v2  }
0xc9: {  	s1 =	sor.u32 s11, s2;
	[tilespmem:s0+$0x10] =	vst v2  }
0xca: {  	[tilespmem:s0+$0x20] =	vst v2;
	s5 =	sadd.s32 $0x80, s0;
	v3 =	vmov s1  }
0xcb: {  	[tilespmem:s5+$0x30] =	vst v3  }
0xcc: {  	[tilespmem:s5+$0xFFFFFFC0] =	vst v3  }
0xcd: {  	[tilespmem:s5+$0xFFFFFFD0] =	vst v3  }
0xce: {  	[tilespmem:s5+$0xFFFFFFE0] =	vst v3  }
0xcf: {  	[tilespmem:s5+$0xFFFFFFF0] =	vst v3  }
0xd0: {  	[tilespmem:s5+$0x0] =	vst v3  }
0xd1: {  	[tilespmem:s5+$0x10] =	vst v3  }
0xd2: {  	s31 =	rddreg [dreg:$0x9];
	[tilespmem:s5+$0x20] =	vst v3  }
0xd3: {  	[hbm4b:s31+s23] =	stream.strided.scatter [tilespmem:s25], [sflag:$0x2], $0x4000, s24, s23, $0x38;
	[tilespmem:$0xC000] =	vst v63  }
0xd4: {  	s2 =	rddreg [dreg:$0xa];
	s1 =	simm.s32 $0x0  }
0xd5: {  	[hbm4b:s2+s23] =	stream.strided.scatter [tilespmem:s1], [sflag:$0x1], $0x4000, s24, s23, $0x38;
	[tilespmem:$0xC000] =	vst v63  }
0xd6: {  	s5 =	simm.s32 $0x0;
	_ =	swait.ge [sflag:s28], $0x4000  }
0xd7: {  	s31 =	sor.u32 s12, s5;
	[sflag:s28] =	ssyncset.done $0x0  }
0xd8: {  	s0 =	simm.s32 $0x8040;
	v2 =	vmov s31;
	[sflag:s28] =	ssyncadd.s32 $0xFFFFC000  }
0xd9: {  	[tilespmem:s0+$0x30] =	vst v2  }
0xda: {  	[tilespmem:s0+$0xFFFFFFC0] =	vst v2  }
0xdb: {  	[tilespmem:s0+$0xFFFFFFD0] =	vst v2  }
0xdc: {  	[tilespmem:s0+$0xFFFFFFE0] =	vst v2  }
0xdd: {  	[tilespmem:s0+$0xFFFFFFF0] =	vst v2  }
0xde: {  	s2 =	simm.s32 $0x0;
	s1 =	simm.s32 $0x2;
	[tilespmem:s0+$0x0] =	vst v2  }
.LBB2_14:
0xdf: {  	p0 =	sne.s32 s1, $0x7F;
	s2 =	sor.u32 s12, s2;
	[tilespmem:s0+$0x10] =	vst v2  }
0xe0: {  	[tilespmem:s0+$0x20] =	vst v2;
	v2 =	vmov s2;
	s0 =	sadd.s32 $0x80, s0  }
0xe1: {  	[tilespmem:s0+$0x30] =	vst v2  }
.Ltmp6:
0xe2: {  	[tilespmem:s0+$0xFFFFFFC0] =	vst v2;
	(pc) =	sbr.rel @p0 .LBB2_14-.Ltmp6, $4  }
0xe3: {  	[tilespmem:s0+$0xFFFFFFD0] =	vst v2  }
0xe4: {  	[tilespmem:s0+$0xFFFFFFE0] =	vst v2  }
0xe5: {  	[tilespmem:s0+$0xFFFFFFF0] =	vst v2  }
0xe6: {  	s2 =	sshrl.u32 s1, $0x4;
	s1 =	sadd.s32 $0x1, s1;
	[tilespmem:s0+$0x0] =	vst v2  }
0xe7: {  	s1 =	sor.u32 s12, s2;
	[tilespmem:s0+$0x10] =	vst v2  }
0xe8: {  	[tilespmem:s0+$0x20] =	vst v2;
	s5 =	sadd.s32 $0x80, s0;
	v3 =	vmov s1  }
0xe9: {  	[tilespmem:s5+$0x30] =	vst v3  }
0xea: {  	[tilespmem:s5+$0xFFFFFFC0] =	vst v3  }
0xeb: {  	[tilespmem:s5+$0xFFFFFFD0] =	vst v3  }
0xec: {  	[tilespmem:s5+$0xFFFFFFE0] =	vst v3  }
0xed: {  	[tilespmem:s5+$0xFFFFFFF0] =	vst v3  }
0xee: {  	[tilespmem:s5+$0x0] =	vst v3  }
0xef: {  	[tilespmem:s5+$0x10] =	vst v3  }
0xf0: {  	s31 =	rddreg [dreg:$0xb];
	[tilespmem:s5+$0x20] =	vst v3  }
0xf1: {  	[hbm4b:s31+s23] =	stream.strided.scatter [tilespmem:s26], [sflag:$0x2], $0x4000, s24, s23, $0x38;
	[tilespmem:$0xC000] =	vst v63  }
0xf2: {  	s2 =	rddreg [dreg:$0xc];
	s1 =	simm.s32 $0x0  }
0xf3: {  	[hbm4b:s2+s23] =	stream.strided.scatter [tilespmem:s1], [sflag:$0x1], $0x4000, s24, s23, $0x38;
	[tilespmem:$0xC000] =	vst v63  }
0xf4: {  	s5 =	simm.s32 $0x0;
	_ =	swait.ge [sflag:s28], $0x4000  }
0xf5: {  	s31 =	sor.u32 s13, s5;
	[sflag:s28] =	ssyncset.done $0x0  }
0xf6: {  	s0 =	simm.s32 $0x4040;
	v2 =	vmov s31;
	[sflag:s28] =	ssyncadd.s32 $0xFFFFC000  }
0xf7: {  	[tilespmem:s0+$0x30] =	vst v2  }
0xf8: {  	[tilespmem:s0+$0xFFFFFFC0] =	vst v2  }
0xf9: {  	[tilespmem:s0+$0xFFFFFFD0] =	vst v2  }
0xfa: {  	[tilespmem:s0+$0xFFFFFFE0] =	vst v2  }
0xfb: {  	[tilespmem:s0+$0xFFFFFFF0] =	vst v2  }
0xfc: {  	s2 =	simm.s32 $0x0;
	s1 =	simm.s32 $0x2;
	[tilespmem:s0+$0x0] =	vst v2  }
.LBB2_16:
0xfd: {  	p0 =	sne.s32 s1, $0x7F;
	s2 =	sor.u32 s13, s2;
	[tilespmem:s0+$0x10] =	vst v2  }
0xfe: {  	[tilespmem:s0+$0x20] =	vst v2;
	v2 =	vmov s2;
	s0 =	sadd.s32 $0x80, s0  }
0xff: {  	[tilespmem:s0+$0x30] =	vst v2  }
.Ltmp7:
0x100: {  	[tilespmem:s0+$0xFFFFFFC0] =	vst v2;
	(pc) =	sbr.rel @p0 .LBB2_16-.Ltmp7, $4  }
0x101: {  	[tilespmem:s0+$0xFFFFFFD0] =	vst v2  }
0x102: {  	[tilespmem:s0+$0xFFFFFFE0] =	vst v2  }
0x103: {  	[tilespmem:s0+$0xFFFFFFF0] =	vst v2  }
0x104: {  	s2 =	sshrl.u32 s1, $0x4;
	s1 =	sadd.s32 $0x1, s1;
	[tilespmem:s0+$0x0] =	vst v2  }
0x105: {  	s1 =	sor.u32 s13, s2;
	[tilespmem:s0+$0x10] =	vst v2  }
0x106: {  	[tilespmem:s0+$0x20] =	vst v2;
	s5 =	sadd.s32 $0x80, s0;
	v3 =	vmov s1  }
0x107: {  	[tilespmem:s5+$0x30] =	vst v3  }
0x108: {  	[tilespmem:s5+$0xFFFFFFC0] =	vst v3  }
0x109: {  	[tilespmem:s5+$0xFFFFFFD0] =	vst v3  }
0x10a: {  	[tilespmem:s5+$0xFFFFFFE0] =	vst v3  }
0x10b: {  	[tilespmem:s5+$0xFFFFFFF0] =	vst v3  }
0x10c: {  	[tilespmem:s5+$0x0] =	vst v3  }
0x10d: {  	[tilespmem:s5+$0x10] =	vst v3  }
0x10e: {  	s31 =	rddreg [dreg:$0xd];
	[tilespmem:s5+$0x20] =	vst v3  }
0x10f: {  	[hbm4b:s31+s23] =	stream.strided.scatter [tilespmem:s25], [sflag:$0x2], $0x4000, s24, s23, $0x38;
	[tilespmem:$0xC000] =	vst v63  }
0x110: {  	s2 =	rddreg [dreg:$0xe];
	s1 =	simm.s32 $0x0  }
0x111: {  	[hbm4b:s2+s23] =	stream.strided.scatter [tilespmem:s1], [sflag:$0x1], $0x4000, s24, s23, $0x38;
	[tilespmem:$0xC000] =	vst v63  }
0x112: {  	s5 =	simm.s32 $0x0;
	_ =	swait.ge [sflag:s28], $0x4000  }
0x113: {  	s31 =	sor.u32 s14, s5;
	[sflag:s28] =	ssyncset.done $0x0  }
0x114: {  	s0 =	simm.s32 $0x8040;
	v2 =	vmov s31;
	[sflag:s28] =	ssyncadd.s32 $0xFFFFC000  }
0x115: {  	[tilespmem:s0+$0x30] =	vst v2  }
0x116: {  	[tilespmem:s0+$0xFFFFFFC0] =	vst v2  }
0x117: {  	[tilespmem:s0+$0xFFFFFFD0] =	vst v2  }
0x118: {  	[tilespmem:s0+$0xFFFFFFE0] =	vst v2  }
0x119: {  	[tilespmem:s0+$0xFFFFFFF0] =	vst v2  }
0x11a: {  	s2 =	simm.s32 $0x0;
	s1 =	simm.s32 $0x2;
	[tilespmem:s0+$0x0] =	vst v2  }
.LBB2_18:
0x11b: {  	p0 =	sne.s32 s1, $0x7F;
	s2 =	sor.u32 s14, s2;
	[tilespmem:s0+$0x10] =	vst v2  }
0x11c: {  	[tilespmem:s0+$0x20] =	vst v2;
	v2 =	vmov s2;
	s0 =	sadd.s32 $0x80, s0  }
0x11d: {  	[tilespmem:s0+$0x30] =	vst v2  }
.Ltmp8:
0x11e: {  	[tilespmem:s0+$0xFFFFFFC0] =	vst v2;
	(pc) =	sbr.rel @p0 .LBB2_18-.Ltmp8, $4  }
0x11f: {  	[tilespmem:s0+$0xFFFFFFD0] =	vst v2  }
0x120: {  	[tilespmem:s0+$0xFFFFFFE0] =	vst v2  }
0x121: {  	[tilespmem:s0+$0xFFFFFFF0] =	vst v2  }
0x122: {  	s2 =	sshrl.u32 s1, $0x4;
	s1 =	sadd.s32 $0x1, s1;
	[tilespmem:s0+$0x0] =	vst v2  }
0x123: {  	s1 =	sor.u32 s14, s2;
	[tilespmem:s0+$0x10] =	vst v2  }
0x124: {  	[tilespmem:s0+$0x20] =	vst v2;
	s5 =	sadd.s32 $0x80, s0;
	v3 =	vmov s1  }
0x125: {  	[tilespmem:s5+$0x30] =	vst v3  }
0x126: {  	[tilespmem:s5+$0xFFFFFFC0] =	vst v3  }
0x127: {  	[tilespmem:s5+$0xFFFFFFD0] =	vst v3  }
0x128: {  	[tilespmem:s5+$0xFFFFFFE0] =	vst v3  }
0x129: {  	[tilespmem:s5+$0xFFFFFFF0] =	vst v3  }
0x12a: {  	[tilespmem:s5+$0x0] =	vst v3  }
0x12b: {  	[tilespmem:s5+$0x10] =	vst v3  }
0x12c: {  	s31 =	rddreg [dreg:$0xf];
	[tilespmem:s5+$0x20] =	vst v3  }
0x12d: {  	[hbm4b:s31+s23] =	stream.strided.scatter [tilespmem:s26], [sflag:$0x2], $0x4000, s24, s23, $0x38;
	[tilespmem:$0xC000] =	vst v63  }
0x12e: {  	s2 =	rddreg [dreg:$0x10];
	s1 =	simm.s32 $0x0  }
0x12f: {  	[hbm4b:s2+s23] =	stream.strided.scatter [tilespmem:s1], [sflag:$0x1], $0x4000, s24, s23, $0x38;
	[tilespmem:$0xC000] =	vst v63  }
0x130: {  	s5 =	simm.s32 $0x0;
	_ =	swait.ge [sflag:s28], $0x4000  }
0x131: {  	s31 =	sor.u32 s15, s5;
	[sflag:s28] =	ssyncset.done $0x0  }
0x132: {  	s0 =	simm.s32 $0x4040;
	v2 =	vmov s31;
	[sflag:s28] =	ssyncadd.s32 $0xFFFFC000  }
0x133: {  	[tilespmem:s0+$0x30] =	vst v2  }
0x134: {  	[tilespmem:s0+$0xFFFFFFC0] =	vst v2  }
0x135: {  	[tilespmem:s0+$0xFFFFFFD0] =	vst v2  }
0x136: {  	[tilespmem:s0+$0xFFFFFFE0] =	vst v2  }
0x137: {  	[tilespmem:s0+$0xFFFFFFF0] =	vst v2  }
0x138: {  	s2 =	simm.s32 $0x0;
	s1 =	simm.s32 $0x2;
	[tilespmem:s0+$0x0] =	vst v2  }
.LBB2_20:
0x139: {  	p0 =	sne.s32 s1, $0x7F;
	s2 =	sor.u32 s15, s2;
	[tilespmem:s0+$0x10] =	vst v2  }
0x13a: {  	[tilespmem:s0+$0x20] =	vst v2;
	v2 =	vmov s2;
	s0 =	sadd.s32 $0x80, s0  }
0x13b: {  	[tilespmem:s0+$0x30] =	vst v2  }
.Ltmp9:
0x13c: {  	[tilespmem:s0+$0xFFFFFFC0] =	vst v2;
	(pc) =	sbr.rel @p0 .LBB2_20-.Ltmp9, $4  }
0x13d: {  	[tilespmem:s0+$0xFFFFFFD0] =	vst v2  }
0x13e: {  	[tilespmem:s0+$0xFFFFFFE0] =	vst v2  }
0x13f: {  	[tilespmem:s0+$0xFFFFFFF0] =	vst v2  }
0x140: {  	s2 =	sshrl.u32 s1, $0x4;
	s1 =	sadd.s32 $0x1, s1;
	[tilespmem:s0+$0x0] =	vst v2  }
0x141: {  	s1 =	sor.u32 s15, s2;
	[tilespmem:s0+$0x10] =	vst v2  }
0x142: {  	[tilespmem:s0+$0x20] =	vst v2;
	s5 =	sadd.s32 $0x80, s0;
	v3 =	vmov s1  }
0x143: {  	[tilespmem:s5+$0x30] =	vst v3  }
0x144: {  	[tilespmem:s5+$0xFFFFFFC0] =	vst v3  }
0x145: {  	[tilespmem:s5+$0xFFFFFFD0] =	vst v3  }
0x146: {  	[tilespmem:s5+$0xFFFFFFE0] =	vst v3  }
0x147: {  	[tilespmem:s5+$0xFFFFFFF0] =	vst v3  }
0x148: {  	[tilespmem:s5+$0x0] =	vst v3  }
0x149: {  	[tilespmem:s5+$0x10] =	vst v3  }
0x14a: {  	s31 =	rddreg [dreg:$0x11];
	[tilespmem:s5+$0x20] =	vst v3  }
0x14b: {  	[hbm4b:s31+s23] =	stream.strided.scatter [tilespmem:s25], [sflag:$0x2], $0x4000, s24, s23, $0x38;
	[tilespmem:$0xC000] =	vst v63  }
0x14c: {  	s2 =	rddreg [dreg:$0x12];
	s1 =	simm.s32 $0x0  }
0x14d: {  	[hbm4b:s2+s23] =	stream.strided.scatter [tilespmem:s1], [sflag:$0x1], $0x4000, s24, s23, $0x38;
	[tilespmem:$0xC000] =	vst v63  }
0x14e: {  	s5 =	simm.s32 $0x0;
	_ =	swait.ge [sflag:s28], $0x4000  }
0x14f: {  	s31 =	sor.u32 s16, s5;
	[sflag:s28] =	ssyncset.done $0x0  }
0x150: {  	s0 =	simm.s32 $0x8040;
	v2 =	vmov s31;
	[sflag:s28] =	ssyncadd.s32 $0xFFFFC000  }
0x151: {  	[tilespmem:s0+$0x30] =	vst v2  }
0x152: {  	[tilespmem:s0+$0xFFFFFFC0] =	vst v2  }
0x153: {  	[tilespmem:s0+$0xFFFFFFD0] =	vst v2  }
0x154: {  	[tilespmem:s0+$0xFFFFFFE0] =	vst v2  }
0x155: {  	[tilespmem:s0+$0xFFFFFFF0] =	vst v2  }
0x156: {  	s2 =	simm.s32 $0x0;
	s1 =	simm.s32 $0x2;
	[tilespmem:s0+$0x0] =	vst v2  }
.LBB2_22:
0x157: {  	p0 =	sne.s32 s1, $0x7F;
	s2 =	sor.u32 s16, s2;
	[tilespmem:s0+$0x10] =	vst v2  }
0x158: {  	[tilespmem:s0+$0x20] =	vst v2;
	v2 =	vmov s2;
	s0 =	sadd.s32 $0x80, s0  }
0x159: {  	[tilespmem:s0+$0x30] =	vst v2  }
.Ltmp10:
0x15a: {  	[tilespmem:s0+$0xFFFFFFC0] =	vst v2;
	(pc) =	sbr.rel @p0 .LBB2_22-.Ltmp10, $4  }
0x15b: {  	[tilespmem:s0+$0xFFFFFFD0] =	vst v2  }
0x15c: {  	[tilespmem:s0+$0xFFFFFFE0] =	vst v2  }
0x15d: {  	[tilespmem:s0+$0xFFFFFFF0] =	vst v2  }
0x15e: {  	s2 =	sshrl.u32 s1, $0x4;
	s1 =	sadd.s32 $0x1, s1;
	[tilespmem:s0+$0x0] =	vst v2  }
0x15f: {  	s1 =	sor.u32 s16, s2;
	[tilespmem:s0+$0x10] =	vst v2  }
0x160: {  	[tilespmem:s0+$0x20] =	vst v2;
	s5 =	sadd.s32 $0x80, s0;
	v3 =	vmov s1  }
0x161: {  	[tilespmem:s5+$0x30] =	vst v3  }
0x162: {  	[tilespmem:s5+$0xFFFFFFC0] =	vst v3  }
0x163: {  	[tilespmem:s5+$0xFFFFFFD0] =	vst v3  }
0x164: {  	[tilespmem:s5+$0xFFFFFFE0] =	vst v3  }
0x165: {  	[tilespmem:s5+$0xFFFFFFF0] =	vst v3  }
0x166: {  	[tilespmem:s5+$0x0] =	vst v3  }
0x167: {  	[tilespmem:s5+$0x10] =	vst v3  }
0x168: {  	s31 =	rddreg [dreg:$0x13];
	[tilespmem:s5+$0x20] =	vst v3  }
0x169: {  	[hbm4b:s31+s23] =	stream.strided.scatter [tilespmem:s26], [sflag:$0x2], $0x4000, s24, s23, $0x38;
	[tilespmem:$0xC000] =	vst v63  }
0x16a: {  	s2 =	rddreg [dreg:$0x14];
	s1 =	simm.s32 $0x0  }
0x16b: {  	[hbm4b:s2+s23] =	stream.strided.scatter [tilespmem:s1], [sflag:$0x1], $0x4000, s24, s23, $0x38;
	[tilespmem:$0xC000] =	vst v63  }
0x16c: {  	s5 =	simm.s32 $0x0;
	_ =	swait.ge [sflag:s28], $0x4000  }
0x16d: {  	s31 =	sor.u32 s17, s5;
	[sflag:s28] =	ssyncset.done $0x0  }
0x16e: {  	s0 =	simm.s32 $0x4040;
	v2 =	vmov s31;
	[sflag:s28] =	ssyncadd.s32 $0xFFFFC000  }
0x16f: {  	[tilespmem:s0+$0x30] =	vst v2  }
0x170: {  	[tilespmem:s0+$0xFFFFFFC0] =	vst v2  }
0x171: {  	[tilespmem:s0+$0xFFFFFFD0] =	vst v2  }
0x172: {  	[tilespmem:s0+$0xFFFFFFE0] =	vst v2  }
0x173: {  	[tilespmem:s0+$0xFFFFFFF0] =	vst v2  }
0x174: {  	s2 =	simm.s32 $0x0;
	s1 =	simm.s32 $0x2;
	[tilespmem:s0+$0x0] =	vst v2  }
.LBB2_24:
0x175: {  	p0 =	sne.s32 s1, $0x7F;
	s2 =	sor.u32 s17, s2;
	[tilespmem:s0+$0x10] =	vst v2  }
0x176: {  	[tilespmem:s0+$0x20] =	vst v2;
	v2 =	vmov s2;
	s0 =	sadd.s32 $0x80, s0  }
0x177: {  	[tilespmem:s0+$0x30] =	vst v2  }
.Ltmp11:
0x178: {  	[tilespmem:s0+$0xFFFFFFC0] =	vst v2;
	(pc) =	sbr.rel @p0 .LBB2_24-.Ltmp11, $4  }
0x179: {  	[tilespmem:s0+$0xFFFFFFD0] =	vst v2  }
0x17a: {  	[tilespmem:s0+$0xFFFFFFE0] =	vst v2  }
0x17b: {  	[tilespmem:s0+$0xFFFFFFF0] =	vst v2  }
0x17c: {  	s2 =	sshrl.u32 s1, $0x4;
	s1 =	sadd.s32 $0x1, s1;
	[tilespmem:s0+$0x0] =	vst v2  }
0x17d: {  	s1 =	sor.u32 s17, s2;
	[tilespmem:s0+$0x10] =	vst v2  }
0x17e: {  	[tilespmem:s0+$0x20] =	vst v2;
	s5 =	sadd.s32 $0x80, s0;
	v3 =	vmov s1  }
0x17f: {  	[tilespmem:s5+$0x30] =	vst v3  }
0x180: {  	[tilespmem:s5+$0xFFFFFFC0] =	vst v3  }
0x181: {  	[tilespmem:s5+$0xFFFFFFD0] =	vst v3  }
0x182: {  	[tilespmem:s5+$0xFFFFFFE0] =	vst v3  }
0x183: {  	[tilespmem:s5+$0xFFFFFFF0] =	vst v3  }
0x184: {  	[tilespmem:s5+$0x0] =	vst v3  }
0x185: {  	[tilespmem:s5+$0x10] =	vst v3  }
0x186: {  	s31 =	rddreg [dreg:$0x16];
	[tilespmem:s5+$0x20] =	vst v3  }
0x187: {  	[hbm4b:s31+s23] =	stream.strided.scatter [tilespmem:s25], [sflag:$0x2], $0x4000, s24, s23, $0x38;
	[tilespmem:$0xC000] =	vst v63  }
0x188: {  	s2 =	rddreg [dreg:$0x17];
	s1 =	simm.s32 $0x0  }
0x189: {  	[hbm4b:s2+s23] =	stream.strided.scatter [tilespmem:s1], [sflag:$0x1], $0x4000, s24, s23, $0x38;
	[tilespmem:$0xC000] =	vst v63  }
0x18a: {  	s5 =	simm.s32 $0x0;
	_ =	swait.ge [sflag:s28], $0x4000  }
0x18b: {  	s31 =	sor.u32 s18, s5;
	[sflag:s28] =	ssyncset.done $0x0  }
0x18c: {  	s0 =	simm.s32 $0x8040;
	v2 =	vmov s31;
	[sflag:s28] =	ssyncadd.s32 $0xFFFFC000  }
0x18d: {  	[tilespmem:s0+$0x30] =	vst v2  }
0x18e: {  	[tilespmem:s0+$0xFFFFFFC0] =	vst v2  }
0x18f: {  	[tilespmem:s0+$0xFFFFFFD0] =	vst v2  }
0x190: {  	[tilespmem:s0+$0xFFFFFFE0] =	vst v2  }
0x191: {  	[tilespmem:s0+$0xFFFFFFF0] =	vst v2  }
0x192: {  	s2 =	simm.s32 $0x0;
	s1 =	simm.s32 $0x2;
	[tilespmem:s0+$0x0] =	vst v2  }
.LBB2_26:
0x193: {  	p0 =	sne.s32 s1, $0x7F;
	s2 =	sor.u32 s18, s2;
	[tilespmem:s0+$0x10] =	vst v2  }
0x194: {  	[tilespmem:s0+$0x20] =	vst v2;
	v2 =	vmov s2;
	s0 =	sadd.s32 $0x80, s0  }
0x195: {  	[tilespmem:s0+$0x30] =	vst v2  }
.Ltmp12:
0x196: {  	[tilespmem:s0+$0xFFFFFFC0] =	vst v2;
	(pc) =	sbr.rel @p0 .LBB2_26-.Ltmp12, $4  }
0x197: {  	[tilespmem:s0+$0xFFFFFFD0] =	vst v2  }
0x198: {  	[tilespmem:s0+$0xFFFFFFE0] =	vst v2  }
0x199: {  	[tilespmem:s0+$0xFFFFFFF0] =	vst v2  }
0x19a: {  	s2 =	sshrl.u32 s1, $0x4;
	s1 =	sadd.s32 $0x1, s1;
	[tilespmem:s0+$0x0] =	vst v2  }
0x19b: {  	s1 =	sor.u32 s18, s2;
	[tilespmem:s0+$0x10] =	vst v2  }
0x19c: {  	[tilespmem:s0+$0x20] =	vst v2;
	s5 =	sadd.s32 $0x80, s0;
	v3 =	vmov s1  }
0x19d: {  	[tilespmem:s5+$0x30] =	vst v3  }
0x19e: {  	[tilespmem:s5+$0xFFFFFFC0] =	vst v3  }
0x19f: {  	[tilespmem:s5+$0xFFFFFFD0] =	vst v3  }
0x1a0: {  	[tilespmem:s5+$0xFFFFFFE0] =	vst v3  }
0x1a1: {  	[tilespmem:s5+$0xFFFFFFF0] =	vst v3  }
0x1a2: {  	[tilespmem:s5+$0x0] =	vst v3  }
0x1a3: {  	[tilespmem:s5+$0x10] =	vst v3  }
0x1a4: {  	s31 =	rddreg [dreg:$0x18];
	[tilespmem:s5+$0x20] =	vst v3  }
0x1a5: {  	[hbm4b:s31+s23] =	stream.strided.scatter [tilespmem:s26], [sflag:$0x2], $0x4000, s24, s23, $0x38;
	[tilespmem:$0xC000] =	vst v63  }
0x1a6: {  	s2 =	rddreg [dreg:$0x19];
	s1 =	simm.s32 $0x0  }
0x1a7: {  	[hbm4b:s2+s23] =	stream.strided.scatter [tilespmem:s1], [sflag:$0x1], $0x4000, s24, s23, $0x38;
	[tilespmem:$0xC000] =	vst v63  }
0x1a8: {  	s5 =	simm.s32 $0x0;
	_ =	swait.ge [sflag:s28], $0x4000  }
0x1a9: {  	s31 =	sor.u32 s19, s5;
	[sflag:s28] =	ssyncset.done $0x0  }
0x1aa: {  	s0 =	simm.s32 $0x4040;
	v2 =	vmov s31;
	[sflag:s28] =	ssyncadd.s32 $0xFFFFC000  }
0x1ab: {  	[tilespmem:s0+$0x30] =	vst v2  }
0x1ac: {  	[tilespmem:s0+$0xFFFFFFC0] =	vst v2  }
0x1ad: {  	[tilespmem:s0+$0xFFFFFFD0] =	vst v2  }
0x1ae: {  	[tilespmem:s0+$0xFFFFFFE0] =	vst v2  }
0x1af: {  	[tilespmem:s0+$0xFFFFFFF0] =	vst v2  }
0x1b0: {  	s2 =	simm.s32 $0x0;
	s1 =	simm.s32 $0x2;
	[tilespmem:s0+$0x0] =	vst v2  }
.LBB2_28:
0x1b1: {  	p0 =	sne.s32 s1, $0x7F;
	s2 =	sor.u32 s19, s2;
	[tilespmem:s0+$0x10] =	vst v2  }
0x1b2: {  	[tilespmem:s0+$0x20] =	vst v2;
	v2 =	vmov s2;
	s0 =	sadd.s32 $0x80, s0  }
0x1b3: {  	[tilespmem:s0+$0x30] =	vst v2  }
.Ltmp13:
0x1b4: {  	[tilespmem:s0+$0xFFFFFFC0] =	vst v2;
	(pc) =	sbr.rel @p0 .LBB2_28-.Ltmp13, $4  }
0x1b5: {  	[tilespmem:s0+$0xFFFFFFD0] =	vst v2  }
0x1b6: {  	[tilespmem:s0+$0xFFFFFFE0] =	vst v2  }
0x1b7: {  	[tilespmem:s0+$0xFFFFFFF0] =	vst v2  }
0x1b8: {  	s2 =	sshrl.u32 s1, $0x4;
	s1 =	sadd.s32 $0x1, s1;
	[tilespmem:s0+$0x0] =	vst v2  }
0x1b9: {  	s1 =	sor.u32 s19, s2;
	[tilespmem:s0+$0x10] =	vst v2  }
0x1ba: {  	[tilespmem:s0+$0x20] =	vst v2;
	s5 =	sadd.s32 $0x80, s0;
	v3 =	vmov s1  }
0x1bb: {  	[tilespmem:s5+$0x30] =	vst v3  }
0x1bc: {  	[tilespmem:s5+$0xFFFFFFC0] =	vst v3  }
0x1bd: {  	[tilespmem:s5+$0xFFFFFFD0] =	vst v3  }
0x1be: {  	[tilespmem:s5+$0xFFFFFFE0] =	vst v3  }
0x1bf: {  	[tilespmem:s5+$0xFFFFFFF0] =	vst v3  }
0x1c0: {  	[tilespmem:s5+$0x0] =	vst v3  }
0x1c1: {  	[tilespmem:s5+$0x10] =	vst v3  }
0x1c2: {  	s31 =	rddreg [dreg:$0x1a];
	[tilespmem:s5+$0x20] =	vst v3  }
0x1c3: {  	[hbm4b:s31+s23] =	stream.strided.scatter [tilespmem:s25], [sflag:$0x2], $0x4000, s24, s23, $0x38;
	[tilespmem:$0xC000] =	vst v63  }
0x1c4: {  	s2 =	rddreg [dreg:$0x1b];
	s1 =	simm.s32 $0x0  }
0x1c5: {  	[hbm4b:s2+s23] =	stream.strided.scatter [tilespmem:s1], [sflag:$0x1], $0x4000, s24, s23, $0x38;
	[tilespmem:$0xC000] =	vst v63  }
0x1c6: {  	s5 =	simm.s32 $0x0;
	_ =	swait.ge [sflag:s28], $0x4000  }
0x1c7: {  	s31 =	sor.u32 s20, s5;
	[sflag:s28] =	ssyncset.done $0x0  }
0x1c8: {  	s0 =	simm.s32 $0x8040;
	v2 =	vmov s31;
	[sflag:s28] =	ssyncadd.s32 $0xFFFFC000  }
0x1c9: {  	[tilespmem:s0+$0x30] =	vst v2  }
0x1ca: {  	[tilespmem:s0+$0xFFFFFFC0] =	vst v2  }
0x1cb: {  	[tilespmem:s0+$0xFFFFFFD0] =	vst v2  }
0x1cc: {  	[tilespmem:s0+$0xFFFFFFE0] =	vst v2  }
0x1cd: {  	[tilespmem:s0+$0xFFFFFFF0] =	vst v2  }
0x1ce: {  	s2 =	simm.s32 $0x0;
	s1 =	simm.s32 $0x2;
	[tilespmem:s0+$0x0] =	vst v2  }
.LBB2_30:
0x1cf: {  	p0 =	sne.s32 s1, $0x7F;
	s2 =	sor.u32 s20, s2;
	[tilespmem:s0+$0x10] =	vst v2  }
0x1d0: {  	[tilespmem:s0+$0x20] =	vst v2;
	v2 =	vmov s2;
	s0 =	sadd.s32 $0x80, s0  }
0x1d1: {  	[tilespmem:s0+$0x30] =	vst v2  }
.Ltmp14:
0x1d2: {  	[tilespmem:s0+$0xFFFFFFC0] =	vst v2;
	(pc) =	sbr.rel @p0 .LBB2_30-.Ltmp14, $4  }
0x1d3: {  	[tilespmem:s0+$0xFFFFFFD0] =	vst v2  }
0x1d4: {  	[tilespmem:s0+$0xFFFFFFE0] =	vst v2  }
0x1d5: {  	[tilespmem:s0+$0xFFFFFFF0] =	vst v2  }
0x1d6: {  	s2 =	sshrl.u32 s1, $0x4;
	s1 =	sadd.s32 $0x1, s1;
	[tilespmem:s0+$0x0] =	vst v2  }
0x1d7: {  	s1 =	sor.u32 s20, s2;
	[tilespmem:s0+$0x10] =	vst v2  }
0x1d8: {  	[tilespmem:s0+$0x20] =	vst v2;
	s5 =	sadd.s32 $0x80, s0;
	v3 =	vmov s1  }
0x1d9: {  	[tilespmem:s5+$0x30] =	vst v3  }
0x1da: {  	[tilespmem:s5+$0xFFFFFFC0] =	vst v3  }
0x1db: {  	[tilespmem:s5+$0xFFFFFFD0] =	vst v3  }
0x1dc: {  	[tilespmem:s5+$0xFFFFFFE0] =	vst v3  }
0x1dd: {  	[tilespmem:s5+$0xFFFFFFF0] =	vst v3  }
0x1de: {  	[tilespmem:s5+$0x0] =	vst v3  }
0x1df: {  	[tilespmem:s5+$0x10] =	vst v3  }
0x1e0: {  	s31 =	rddreg [dreg:$0x1c];
	[tilespmem:s5+$0x20] =	vst v3  }
0x1e1: {  	[hbm4b:s31+s23] =	stream.strided.scatter [tilespmem:s26], [sflag:$0x2], $0x4000, s24, s23, $0x38;
	[tilespmem:$0xC000] =	vst v63  }
0x1e2: {  	s2 =	rddreg [dreg:$0x1d];
	s1 =	simm.s32 $0x0  }
0x1e3: {  	[hbm4b:s2+s23] =	stream.strided.scatter [tilespmem:s1], [sflag:$0x1], $0x4000, s24, s23, $0x38;
	[tilespmem:$0xC000] =	vst v63  }
0x1e4: {  	s5 =	simm.s32 $0x0;
	_ =	swait.ge [sflag:s28], $0x4000  }
0x1e5: {  	s31 =	sor.u32 s21, s5;
	[sflag:s28] =	ssyncset.done $0x0  }
0x1e6: {  	s0 =	simm.s32 $0x4040;
	v2 =	vmov s31;
	[sflag:s28] =	ssyncadd.s32 $0xFFFFC000  }
0x1e7: {  	[tilespmem:s0+$0x30] =	vst v2  }
0x1e8: {  	[tilespmem:s0+$0xFFFFFFC0] =	vst v2  }
0x1e9: {  	[tilespmem:s0+$0xFFFFFFD0] =	vst v2  }
0x1ea: {  	[tilespmem:s0+$0xFFFFFFE0] =	vst v2  }
0x1eb: {  	[tilespmem:s0+$0xFFFFFFF0] =	vst v2  }
0x1ec: {  	s2 =	simm.s32 $0x0;
	s1 =	simm.s32 $0x2;
	[tilespmem:s0+$0x0] =	vst v2  }
.LBB2_32:
0x1ed: {  	p0 =	sne.s32 s1, $0x7F;
	s2 =	sor.u32 s21, s2;
	[tilespmem:s0+$0x10] =	vst v2  }
0x1ee: {  	[tilespmem:s0+$0x20] =	vst v2;
	v2 =	vmov s2;
	s0 =	sadd.s32 $0x80, s0  }
0x1ef: {  	[tilespmem:s0+$0x30] =	vst v2  }
.Ltmp15:
0x1f0: {  	[tilespmem:s0+$0xFFFFFFC0] =	vst v2;
	(pc) =	sbr.rel @p0 .LBB2_32-.Ltmp15, $4  }
0x1f1: {  	[tilespmem:s0+$0xFFFFFFD0] =	vst v2  }
0x1f2: {  	[tilespmem:s0+$0xFFFFFFE0] =	vst v2  }
0x1f3: {  	[tilespmem:s0+$0xFFFFFFF0] =	vst v2  }
0x1f4: {  	s2 =	sshrl.u32 s1, $0x4;
	s1 =	sadd.s32 $0x1, s1;
	[tilespmem:s0+$0x0] =	vst v2  }
0x1f5: {  	s1 =	sor.u32 s21, s2;
	[tilespmem:s0+$0x10] =	vst v2  }
0x1f6: {  	[tilespmem:s0+$0x20] =	vst v2;
	s5 =	sadd.s32 $0x80, s0;
	v3 =	vmov s1  }
0x1f7: {  	[tilespmem:s5+$0x30] =	vst v3  }
0x1f8: {  	[tilespmem:s5+$0xFFFFFFC0] =	vst v3  }
0x1f9: {  	[tilespmem:s5+$0xFFFFFFD0] =	vst v3  }
0x1fa: {  	[tilespmem:s5+$0xFFFFFFE0] =	vst v3  }
0x1fb: {  	[tilespmem:s5+$0xFFFFFFF0] =	vst v3  }
0x1fc: {  	[tilespmem:s5+$0x0] =	vst v3  }
0x1fd: {  	[tilespmem:s5+$0x10] =	vst v3  }
0x1fe: {  	s31 =	rddreg [dreg:$0x1e];
	[tilespmem:s5+$0x20] =	vst v3  }
0x1ff: {  	[hbm4b:s31+s23] =	stream.strided.scatter [tilespmem:s25], [sflag:$0x2], $0x4000, s24, s23, $0x38;
	[tilespmem:$0xC000] =	vst v63  }
0x200: {  	s2 =	rddreg [dreg:$0x1f];
	s1 =	simm.s32 $0x0  }
0x201: {  	[hbm4b:s2+s23] =	stream.strided.scatter [tilespmem:s1], [sflag:$0x1], $0x4000, s24, s23, $0x38;
	[tilespmem:$0xC000] =	vst v63  }
0x202: {  	s5 =	simm.s32 $0x0;
	_ =	swait.ge [sflag:s28], $0x4000  }
0x203: {  	s31 =	sor.u32 s22, s5;
	[sflag:s28] =	ssyncset.done $0x0  }
0x204: {  	s0 =	simm.s32 $0x8040;
	v2 =	vmov s31;
	[sflag:s28] =	ssyncadd.s32 $0xFFFFC000  }
0x205: {  	[tilespmem:s0+$0x30] =	vst v2  }
0x206: {  	[tilespmem:s0+$0xFFFFFFC0] =	vst v2  }
0x207: {  	[tilespmem:s0+$0xFFFFFFD0] =	vst v2  }
0x208: {  	[tilespmem:s0+$0xFFFFFFE0] =	vst v2  }
0x209: {  	[tilespmem:s0+$0xFFFFFFF0] =	vst v2  }
0x20a: {  	s2 =	simm.s32 $0x0;
	s1 =	simm.s32 $0x2;
	[tilespmem:s0+$0x0] =	vst v2  }
.LBB2_34:
0x20b: {  	p0 =	sne.s32 s1, $0x7F;
	s2 =	sor.u32 s22, s2;
	[tilespmem:s0+$0x10] =	vst v2  }
0x20c: {  	[tilespmem:s0+$0x20] =	vst v2;
	v2 =	vmov s2;
	s0 =	sadd.s32 $0x80, s0  }
0x20d: {  	[tilespmem:s0+$0x30] =	vst v2  }
.Ltmp16:
0x20e: {  	[tilespmem:s0+$0xFFFFFFC0] =	vst v2;
	(pc) =	sbr.rel @p0 .LBB2_34-.Ltmp16, $4  }
0x20f: {  	[tilespmem:s0+$0xFFFFFFD0] =	vst v2  }
0x210: {  	[tilespmem:s0+$0xFFFFFFE0] =	vst v2  }
0x211: {  	[tilespmem:s0+$0xFFFFFFF0] =	vst v2  }
0x212: {  	s2 =	sshrl.u32 s1, $0x4;
	s1 =	sadd.s32 $0x1, s1;
	[tilespmem:s0+$0x0] =	vst v2  }
0x213: {  	s1 =	sor.u32 s22, s2;
	[tilespmem:s0+$0x10] =	vst v2  }
0x214: {  	[tilespmem:s0+$0x20] =	vst v2;
	s2 =	sadd.s32 $0x80, s0;
	v3 =	vmov s1  }
0x215: {  	[tilespmem:s2+$0x30] =	vst v3  }
0x216: {  	[tilespmem:s2+$0xFFFFFFC0] =	vst v3  }
0x217: {  	[tilespmem:s2+$0xFFFFFFD0] =	vst v3  }
0x218: {  	[tilespmem:s2+$0xFFFFFFE0] =	vst v3  }
0x219: {  	[tilespmem:s2+$0xFFFFFFF0] =	vst v3  }
0x21a: {  	[tilespmem:s2+$0x0] =	vst v3  }
0x21b: {  	[tilespmem:s2+$0x10] =	vst v3  }
0x21c: {  	[tilespmem:s2+$0x20] =	vst v3  }
0x21d: {  	[hbm4b:s6+s23] =	stream.strided.scatter [tilespmem:s26], [sflag:$0x2], $0x4000, s24, s23, $0x38;
	[tilespmem:$0xC000] =	vst v63  }
0x21e: {  	s5 =	simm.s32 $0x0  }
0x21f: {  	[hbm4b:s7+s23] =	stream.strided.scatter [tilespmem:s5], [sflag:$0x1], $0x4000, s24, s23, $0x38;
	[tilespmem:$0xC000] =	vst v63  }
0x220: {  	_ =	swait.ge [sflag:s28], $0x4000  }
0x221: {  	[sflag:s28] =	ssyncset.done $0x0  }
0x222: {  	[sflag:s28] =	ssyncadd.s32 $0xFFFFC000  }
0x223: {  	_ =	swait.ge [sflag:s28], $0x4000  }
0x224: {  	[sflag:s28] =	ssyncset.done $0x0  }
0x225: {  	[sflag:s28] =	ssyncadd.s32 $0xFFFFC000  }
0x226: {  	_ =	swait.ge [sflag:s29], $0x4000  }
0x227: {  	[sflag:s29] =	ssyncset.done $0x0  }
0x228: {  	[sflag:s29] =	ssyncadd.s32 $0xFFFFC000  }
0x229: {  	_ =	swait.ge [sflag:s29], $0x4000  }
0x22a: {  	[sflag:s29] =	ssyncset.done $0x0  }
0x22b: {  	[sflag:s29] =	ssyncadd.s32 $0xFFFFC000  }
0x22c: {  	_ =	swait.ge [sflag:s29], $0x4000  }
0x22d: {  	[sflag:s29] =	ssyncset.done $0x0  }
0x22e: {  	[sflag:s29] =	ssyncadd.s32 $0xFFFFC000  }
0x22f: {  	_ =	swait.ge [sflag:s29], $0x4000  }
0x230: {  	[sflag:s29] =	ssyncset.done $0x0  }
0x231: {  	[sflag:s29] =	ssyncadd.s32 $0xFFFFC000  }
0x232: {  	_ =	swait.ge [sflag:s29], $0x4000  }
0x233: {  	[sflag:s29] =	ssyncset.done $0x0  }
0x234: {  	[sflag:s29] =	ssyncadd.s32 $0xFFFFC000  }
0x235: {  	_ =	swait.ge [sflag:s29], $0x4000  }
0x236: {  	[sflag:s29] =	ssyncset.done $0x0  }
0x237: {  	[sflag:s29] =	ssyncadd.s32 $0xFFFFC000  }
0x238: {  	_ =	swait.ge [sflag:s29], $0x4000  }
0x239: {  	[sflag:s29] =	ssyncset.done $0x0  }
0x23a: {  	[sflag:s29] =	ssyncadd.s32 $0xFFFFC000  }
0x23b: {  	_ =	swait.ge [sflag:s29], $0x4000  }
0x23c: {  	[sflag:s29] =	ssyncset.done $0x0  }
0x23d: {  	[sflag:s29] =	ssyncadd.s32 $0xFFFFC000  }
0x23e: {  	_ =	swait.ge [sflag:s29], $0x4000  }
0x23f: {  	[sflag:s29] =	ssyncset.done $0x0  }
0x240: {  	[sflag:s29] =	ssyncadd.s32 $0xFFFFC000  }
0x241: {  	_ =	swait.ge [sflag:s29], $0x4000  }
0x242: {  	[sflag:s29] =	ssyncset.done $0x0  }
0x243: {  	[sflag:s29] =	ssyncadd.s32 $0xFFFFC000  }
0x244: {  	_ =	swait.ge [sflag:s29], $0x4000  }
0x245: {  	[sflag:s29] =	ssyncset.done $0x0  }
0x246: {  	[sflag:s29] =	ssyncadd.s32 $0xFFFFC000  }
0x247: {  	_ =	swait.ge [sflag:s29], $0x4000  }
0x248: {  	[sflag:s29] =	ssyncset.done $0x0  }
0x249: {  	[sflag:s29] =	ssyncadd.s32 $0xFFFFC000  }
0x24a: {  	_ =	swait.ge [sflag:s29], $0x4000  }
0x24b: {  	[sflag:s29] =	ssyncset.done $0x0  }
0x24c: {  	[sflag:s29] =	ssyncadd.s32 $0xFFFFC000  }
0x24d: {  	_ =	swait.ge [sflag:s29], $0x4000  }
0x24e: {  	[sflag:s29] =	ssyncset.done $0x0  }
0x24f: {  	[sflag:s29] =	ssyncadd.s32 $0xFFFFC000  }
0x250: {  	_ =	swait.ge [sflag:s29], $0x4000  }
0x251: {  	[sflag:s29] =	ssyncset.done $0x0  }
0x252: {  	[sflag:s29] =	ssyncadd.s32 $0xFFFFC000  }
0x253: {  	_ =	swait.ge [sflag:s29], $0x4000  }
0x254: {  	s30 =	sadd.s32 $0x1, s30;
	s31 =	rddreg [dreg:$0x15]  }
0x255: {  	p0 =	sne.s32 s30, s31  }
.Ltmp17:
0x256: {  	_ = 	snop;
	(pc) =	sbr.rel @p0 .LBB2_1-.Ltmp17, $3  }
0x257: {  	_ =	sdelay $0x1  }
0x258: {  	[sflag:s29] =	ssyncset.done $0x0  }
0x259: {  	[sflag:s29] =	ssyncadd.s32 $0xFFFFC000  }
0x25a: {  	_ =	sfence.sel $0x180000  }
0x25b: {  	[bflag:$0x0] =	sbarrier.arrive $0xFFFF  }
0x25c: {  	_ =	strace $0x90000047  }
0x25d: {  	s0 =	stileid.u32;
	[bflag:$0x2] =	sbarrier.arrive $0xFFFF  }
0x25e: {  	p0 =	sne.s32 s0, $0x0;
	s0 =	rddreg [dreg:$0x1]  }
0x25f: {  	s0 =	sadd.s32 @!p0 $0x100000, s0  }
0x260: {  	[sflag:s0] =	ssyncadd.tile.s32 @!p0 $0x1;
	_ =	shalt  }
.Lfunc_end2:
_tile_overlayer_lowered:
.L_overlay_start_2:
0x261: {  	(tag) =	ssettag $0x2  }
0x262: {  	s0 =	rddreg [dreg:$0x0];
	s2 =	stileid.u32  }
0x263: {  	s1 =	rddreg [dreg:$0x1];
	p0 =	sne.s32 s2, $0x0  }
0x264: {  	s3 =	rddreg [dreg:$0x2];
	[bflag:$0x3] =	sbarrier.arrive $0xFFFF;
	s2 =	simm.s32 @!p0 $0x1C03  }
0x265: {  	[timem:s3], [sflag:s2] =	dma.local @!p0 [hbm:s0], s1  }
0x266: {  	s0 =	simm.s32 @!p0 $0x3  }
0x267: {  	_ =	swait.ge @!p0 [sflag:s0], s1  }
0x268: {  	s1 =	ssub.s32 @!p0 $0x0, s1;
	[sflag:s0] =	ssyncset.done @!p0 $0x0  }
0x269: {  	[sflag:s0] =	ssyncadd.s32 @!p0 s1  }
0x26a: {  	[bflag:$0x3] =	sbarrier.arrive $0xFFFF  }
0x26b: {  	_ =	shalt  }

</sc_bundles>
